<compile_context>
chip_gen: v7x
topology: tpu7x:2x2x1
jax: 0.10.2.dev20260603
libtpu: 0.0.44.dev20260713+nightly
codegen_flags: <defaults>
</compile_context>

<pallas_src>
import dataclasses
import functools

import jax
import jax.numpy as jnp
from jax import lax
from jax.experimental import pallas as pl
from jax.experimental.pallas import tpu as pltpu
from jax.experimental.pallas import tpu_sc as plsc


def _tc_part(image, perm, c_tc):
    C, W, H = image.shape
    TB = 128

    def body(x_ref, idx_ref, o_ref):
        for r in range(8):
            x = x_ref[:, r, :]
            idx = idx_ref[r]
            xt = jnp.transpose(x, (1, 0))
            x0 = xt[:, :128]
            x1 = xt[:, 128:]
            hi = idx >= 128
            m = idx & 127
            g0 = jnp.take_along_axis(x0, m, axis=1)
            g1 = jnp.take_along_axis(x1, m, axis=1)
            res = jnp.where(hi, g1, g0)
            o_ref[:, r, :] = jnp.transpose(res, (1, 0))

    return pl.pallas_call(
        body,
        grid=(W // 8, H // TB),
        in_specs=[
            pl.BlockSpec((C, 8, TB), lambda i, j: (0, i, j)),
            pl.BlockSpec((8, TB, c_tc), lambda i, j: (i, j, 0)),
        ],
        out_specs=pl.BlockSpec((c_tc, 8, TB), lambda i, j: (0, i, j)),
        out_shape=jax.ShapeDtypeStruct((c_tc, W, H), jnp.float32),
        compiler_params=pltpu.CompilerParams(
            dimension_semantics=("parallel", "parallel")),
    )(image, perm)


def _sc_part(image, perm, c0):
    C, W, H = image.shape
    CS = C - c0
    L = 16
    NC, NS = 2, 16
    NW = NC * NS
    BP = 128

    assert C % L == 0 and CS % (2 * L) == 0 and W % NW == 0 and H % BP == 0
    rows_per_worker = W // NW
    blocks_per_row = H // BP
    nb = rows_per_worker * blocks_per_row
    assert nb % 2 == 0

    mesh = plsc.VectorSubcoreMesh(core_axis_name="c", subcore_axis_name="s",
                                  num_cores=NC, num_subcores=NS)

    cp = pltpu.CompilerParams()
    if "needs_layout_passes" in pltpu.CompilerParams.__dataclass_fields__:
        cp = dataclasses.replace(cp, needs_layout_passes=False)

    @functools.partial(
        pl.kernel,
        compiler_params=cp,
        out_type=jax.ShapeDtypeStruct((CS, W, H), jnp.float32),
        mesh=mesh,
        scratch_types=[
            pltpu.VMEM((C, BP), jnp.float32),
            pltpu.VMEM((C, BP), jnp.float32),
            pltpu.VMEM((BP, C), jnp.int32),
            pltpu.VMEM((BP, C), jnp.int32),
            pltpu.VMEM((CS, BP), jnp.float32),
            pltpu.SemaphoreType.DMA,
            pltpu.SemaphoreType.DMA,
            pltpu.SemaphoreType.DMA,
        ],
    )
    def permute_kernel(img_hbm, perm_hbm, out_hbm,
                       ib0, ib1, pb0, pb1, ob,
                       isem0, isem1, osem):
        wid = lax.axis_index("s") * NC + lax.axis_index("c")
        row0 = wid * rows_per_worker
        iot = lax.iota(jnp.int32, L)
        iotaqs = [q0 + iot for q0 in range(0, BP, L)]
        CH = CS // 2

        def slices(t):
            i = row0 + t // blocks_per_row
            j0 = (t % blocks_per_row) * BP
            return (img_hbm.at[:, i, pl.ds(j0, BP)],
                    perm_hbm.at[i, pl.ds(j0, BP), :],
                    out_hbm.at[:, i, pl.ds(j0, BP)])

        def start_in(t, ib, pb, sem):
            isrc, psrc, _ = slices(t)
            pltpu.async_copy(isrc, ib, sem)
            pltpu.async_copy(psrc, pb, sem)

        def wait_in(t, ib, pb, sem):
            isrc, psrc, _ = slices(t)
            pltpu.make_async_copy(isrc, ib, sem).wait()
            pltpu.make_async_copy(psrc, pb, sem).wait()

        def start_out_half(t, h):
            _, _, odst = slices(t)
            pltpu.async_copy(ob.at[pl.ds(h * CH, CH)],
                             odst.at[pl.ds(h * CH, CH)], osem)

        def wait_out(t):
            _, _, odst = slices(t)
            pltpu.make_async_copy(ob.at[pl.ds(0, CH)],
                                  odst.at[pl.ds(0, CH)], osem).wait()
            pltpu.make_async_copy(ob.at[pl.ds(CH, CH)],
                                  odst.at[pl.ds(CH, CH)], osem).wait()

        def compute_half(ib, pb, h):
            @plsc.parallel_loop(h * CH, (h + 1) * CH, unroll=2)
            def _chan(c):
                sc = jnp.full((L,), c0 + c, jnp.int32)
                for qi in range(BP // L):
                    pv = plsc.load_gather(pb, [iotaqs[qi], sc])
                    vals = plsc.load_gather(ib, [pv, iotaqs[qi]])
                    ob[c, pl.ds(qi * L, L)] = vals

        def do_block(t, ib, pb):
            compute_half(ib, pb, 0)
            start_out_half(t, 0)
            compute_half(ib, pb, 1)
            start_out_half(t, 1)

        start_in(0, ib0, pb0, isem0)

        @pl.loop(0, nb // 2)
        def _pair(u):
            t0 = 2 * u
            start_in(t0 + 1, ib1, pb1, isem1)
            wait_in(t0, ib0, pb0, isem0)

            @pl.when(u > 0)
            def _():
                wait_out(t0 - 1)

            do_block(t0, ib0, pb0)

            @pl.when(u < nb // 2 - 1)
            def _():
                start_in(t0 + 2, ib0, pb0, isem0)

            wait_in(t0 + 1, ib1, pb1, isem1)
            wait_out(t0)
            do_block(t0 + 1, ib1, pb1)

        wait_out(nb - 1)

    return permute_kernel(image, perm)


def kernel(image, perm):
    C_TC = 128
    out_tc = _tc_part(image, perm, C_TC)
    out_sc = _sc_part(image, perm, C_TC)
    return jnp.concatenate([out_tc, out_sc], axis=0)

# --- scband reference (transcript-rebuilt; emitter-appended) ---
"""Pipeline reference for scband-per-pixel-channel-permutation-26792005992692 (READ-ONLY COPY).

The authoritative reference and input builder live on the scoring server;
editing this copy changes nothing except your own understanding.
"""

import jax, jax.numpy as jnp
import numpy as np

C, W, H = 192, 384, 384

def setup_inputs(seed: int = 0) -> dict:
    key = jax.random.key(seed)
    image = jax.random.normal(key, (C, W, H), dtype=jnp.float32)
    # Per-pixel channel permutations, analogous to np.random.default_rng(seed=1)
    # calling rng.permutation(c) for each (i, j) pixel in the torch module.
    # argsort of iid uniforms yields a uniform random permutation per pixel.
    rng = np.random.default_rng(1)
    perm = jnp.asarray(np.argsort(rng.random((W, H, C)), axis=2).astype(np.int32))
    return {"image": image, "perm": perm}

def reference(image, perm):
    # out[c, i, j] = image[perm[i, j, c], i, j]  (per-pixel channel permutation)
    image_t = jnp.transpose(image, (1, 2, 0))            # [W, H, C]
    gathered = jnp.take_along_axis(image_t, perm, axis=2)  # [W, H, C]
    return jnp.transpose(gathered, (2, 0, 1))            # [C, W, H]

if __name__ == "__main__":
    import jax
    _d = setup_inputs()
    print(jax.jit(kernel)(*tuple(_d.values())))

</pallas_src>

<mosaic_0001>
#map = affine_map<(d0, d1) -> (0, 0, 0)>
module attributes {stable_mosaic.version = 14 : i64} {
  func.func @permute_kernel(%arg0: i32, %arg1: i32, %arg2: memref<192x384x384xf32, #tpu.memory_space<hbm>>, %arg3: memref<384x384x192xi32, #tpu.memory_space<hbm>>, %arg4: memref<64x384x384xf32, #tpu.memory_space<hbm>>, %arg5: memref<192x128xf32, #tpu.memory_space<vmem>>, %arg6: memref<192x128xf32, #tpu.memory_space<vmem>>, %arg7: memref<128x192xi32, #tpu.memory_space<vmem>>, %arg8: memref<128x192xi32, #tpu.memory_space<vmem>>, %arg9: memref<64x128xf32, #tpu.memory_space<vmem>>, %arg10: memref<!tpu.dma_semaphore, #tpu.memory_space<semaphore_mem>>, %arg11: memref<!tpu.dma_semaphore, #tpu.memory_space<semaphore_mem>>, %arg12: memref<!tpu.dma_semaphore, #tpu.memory_space<semaphore_mem>>) attributes {dimension_semantics = [#tpu.dimension_semantics<core_parallel>, #tpu.dimension_semantics<subcore_parallel>], iteration_bounds = array<i64: 2, 16>, scalar_prefetch = 0 : i64, scratch_operands = 8 : i64, tpu.core_type = #tpu.core_type<sc_vector_subcore>, window_params = [{transform_indices = #map}, {transform_indices = #map}, {transform_indices = #map}]} {
    %mul3A = arith.constant 2 : i32
    %mul3A_0 = arith.muli %arg1, %mul3A : i32
    %add3A = arith.addi %mul3A_0, %arg0 : i32
    %mul3A_1 = arith.constant 12 : i32
    %mul3A_2 = arith.muli %add3A, %mul3A_1 : i32
    %iota3A = tpu.iota {dimensions = array<i32: 0>} : vector<16xi32>
    %add3A_3 = arith.constant 0 : i32
    %add3A_4 = vector.broadcast %add3A_3 : i32 to vector<16xi32>
    %add3A_5 = arith.addi %add3A_4, %iota3A : vector<16xi32>
    %add3A_6 = arith.constant 16 : i32
    %add3A_7 = vector.broadcast %add3A_6 : i32 to vector<16xi32>
    %add3A_8 = arith.addi %add3A_7, %iota3A : vector<16xi32>
    %add3A_9 = arith.constant 32 : i32
    %add3A_10 = vector.broadcast %add3A_9 : i32 to vector<16xi32>
    %add3A_11 = arith.addi %add3A_10, %iota3A : vector<16xi32>
    %add3A_12 = arith.constant 48 : i32
    %add3A_13 = vector.broadcast %add3A_12 : i32 to vector<16xi32>
    %add3A_14 = arith.addi %add3A_13, %iota3A : vector<16xi32>
    %add3A_15 = arith.constant 64 : i32
    %add3A_16 = vector.broadcast %add3A_15 : i32 to vector<16xi32>
    %add3A_17 = arith.addi %add3A_16, %iota3A : vector<16xi32>
    %add3A_18 = arith.constant 80 : i32
    %add3A_19 = vector.broadcast %add3A_18 : i32 to vector<16xi32>
    %add3A_20 = arith.addi %add3A_19, %iota3A : vector<16xi32>
    %add3A_21 = arith.constant 96 : i32
    %add3A_22 = vector.broadcast %add3A_21 : i32 to vector<16xi32>
    %add3A_23 = arith.addi %add3A_22, %iota3A : vector<16xi32>
    %add3A_24 = arith.constant 112 : i32
    %add3A_25 = vector.broadcast %add3A_24 : i32 to vector<16xi32>
    %add3A_26 = arith.addi %add3A_25, %iota3A : vector<16xi32>
    %add3A_27 = arith.constant 0 : i32
    %add3A_28 = arith.addi %mul3A_2, %add3A_27 : i32
    %dma_start3A = arith.constant 0 : i32
    %dma_start3A_29 = arith.constant 0 : i32
    %dma_start3A_30 = tpu.memref_slice %arg2[%dma_start3A, %add3A_28, %dma_start3A_29] : memref<192x384x384xf32, #tpu.memory_space<hbm>> -> memref<192x1x128xf32, #tpu.memory_space<hbm>>
    %dma_start3A_31 = tpu.memref_squeeze %dma_start3A_30 : memref<192x1x128xf32, #tpu.memory_space<hbm>> -> memref<192x128xf32, #tpu.memory_space<hbm>>
    %dma_start3A_32 = arith.constant 0 : i32
    %dma_start3A_33 = arith.constant 0 : i32
    %dma_start3A_34 = tpu.memref_slice %arg2[%dma_start3A_32, %add3A_28, %dma_start3A_33] : memref<192x384x384xf32, #tpu.memory_space<hbm>> -> memref<192x1x128xf32, #tpu.memory_space<hbm>>
    %dma_start3A_35 = tpu.memref_squeeze %dma_start3A_34 : memref<192x1x128xf32, #tpu.memory_space<hbm>> -> memref<192x128xf32, #tpu.memory_space<hbm>>
    tpu.enqueue_dma source(%dma_start3A_35 : memref<192x128xf32, #tpu.memory_space<hbm>>) target(%arg5 : memref<192x128xf32, #tpu.memory_space<vmem>>) target_semaphore(%arg10 : memref<!tpu.dma_semaphore, #tpu.memory_space<semaphore_mem>>)
    %dma_start3A_36 = arith.constant 0 : i32
    %dma_start3A_37 = arith.constant 0 : i32
    %dma_start3A_38 = tpu.memref_slice %arg3[%add3A_28, %dma_start3A_36, %dma_start3A_37] : memref<384x384x192xi32, #tpu.memory_space<hbm>> -> memref<1x128x192xi32, #tpu.memory_space<hbm>>
    %dma_start3A_39 = tpu.memref_squeeze %dma_start3A_38 : memref<1x128x192xi32, #tpu.memory_space<hbm>> -> memref<128x192xi32, #tpu.memory_space<hbm>>
    %dma_start3A_40 = arith.constant 0 : i32
    %dma_start3A_41 = arith.constant 0 : i32
    %dma_start3A_42 = tpu.memref_slice %arg3[%add3A_28, %dma_start3A_40, %dma_start3A_41] : memref<384x384x192xi32, #tpu.memory_space<hbm>> -> memref<1x128x192xi32, #tpu.memory_space<hbm>>
    %dma_start3A_43 = tpu.memref_squeeze %dma_start3A_42 : memref<1x128x192xi32, #tpu.memory_space<hbm>> -> memref<128x192xi32, #tpu.memory_space<hbm>>
    tpu.enqueue_dma source(%dma_start3A_43 : memref<128x192xi32, #tpu.memory_space<hbm>>) target(%arg7 : memref<128x192xi32, #tpu.memory_space<vmem>>) target_semaphore(%arg10 : memref<!tpu.dma_semaphore, #tpu.memory_space<semaphore_mem>>)
    %scan3A = arith.constant 0 : i32
    %scan3A_44 = arith.constant 18 : i32
    %scan3A_45 = arith.addi %scan3A, %scan3A_44 : i32
    %scan3A_46 = arith.constant 1 : i32
    scf.for %scan3A_89 = %scan3A to %scan3A_45 step %scan3A_46  : i32 {
      %mul3A_90 = arith.constant 1 : i32
      %mul3A_91 = arith.muli %scan3A_89, %mul3A_90 : i32
      %add3A_92 = arith.constant 0 : i32
      %add3A_93 = arith.addi %add3A_92, %mul3A_91 : i32
      %mul3A_94 = arith.constant 2 : i32
      %mul3A_95 = arith.muli %mul3A_94, %add3A_93 : i32
      %add3A_96 = arith.constant 1 : i32
      %add3A_97 = arith.addi %mul3A_95, %add3A_96 : i32
      %jit3A = arith.constant 3 : i32
      %div3A = arith.divsi %add3A_97, %jit3A : i32
      %sign3A = arith.constant 0 : i32
      %sign3A_98 = arith.cmpi sgt, %add3A_97, %sign3A : i32
      %sign3A_99 = arith.extui %sign3A_98 : i1 to i32
      %sign3A_100 = arith.constant 0 : i32
      %sign3A_101 = arith.cmpi slt, %add3A_97, %sign3A_100 : i32
      %sign3A_102 = arith.extui %sign3A_101 : i1 to i32
      %sign3A_103 = arith.subi %sign3A_99, %sign3A_102 : i32
      %sign3A_104 = arith.constant 0 : i32
      %sign3A_105 = arith.cmpi sgt, %jit3A, %sign3A_104 : i32
      %sign3A_106 = arith.extui %sign3A_105 : i1 to i32
      %sign3A_107 = arith.constant 0 : i32
      %sign3A_108 = arith.cmpi slt, %jit3A, %sign3A_107 : i32
      %sign3A_109 = arith.extui %sign3A_108 : i1 to i32
      %sign3A_110 = arith.subi %sign3A_106, %sign3A_109 : i32
      %ne3A = arith.cmpi ne, %sign3A_103, %sign3A_110 : i32
      %rem3A = arith.remsi %add3A_97, %jit3A : i32
      %ne3A_111 = arith.constant 0 : i32
      %ne3A_112 = arith.cmpi ne, %rem3A, %ne3A_111 : i32
      %and3A = arith.andi %ne3A, %ne3A_112 : i1
      %sub3A = arith.constant 1 : i32
      %sub3A_113 = arith.subi %div3A, %sub3A : i32
      %select_n3A = arith.select %and3A, %sub3A_113, %div3A : i32
      %add3A_114 = arith.addi %mul3A_2, %select_n3A : i32
      %jit3A_115 = arith.constant 3 : i32
      %eq3A = arith.constant 0 : i32
      %eq3A_116 = arith.cmpi eq, %jit3A_115, %eq3A : i32
      %jit3A_117 = arith.constant 1 : i32
      %select_n3A_118 = arith.select %eq3A_116, %jit3A_117, %jit3A_115 : i32
      %rem3A_119 = arith.remsi %add3A_97, %select_n3A_118 : i32
      %ne3A_120 = arith.constant 0 : i32
      %ne3A_121 = arith.cmpi ne, %rem3A_119, %ne3A_120 : i32
      %lt3A = arith.constant 0 : i32
      %lt3A_122 = arith.cmpi slt, %rem3A_119, %lt3A : i32
      %lt3A_123 = arith.constant 0 : i32
      %lt3A_124 = arith.cmpi slt, %select_n3A_118, %lt3A_123 : i32
      %ne3A_125 = arith.xori %lt3A_122, %lt3A_124 : i1
      %and3A_126 = arith.andi %ne3A_125, %ne3A_121 : i1
      %add3A_127 = arith.addi %rem3A_119, %select_n3A_118 : i32
      %select_n3A_128 = arith.select %and3A_126, %add3A_127, %rem3A_119 : i32
      %mul3A_129 = arith.constant 128 : i32
      %mul3A_130 = arith.muli %select_n3A_128, %mul3A_129 : i32
      %dma_start3A_131 = arith.constant 0 : i32
      %dma_start3A_132 = tpu.memref_slice %arg2[%dma_start3A_131, %add3A_114, %mul3A_130] : memref<192x384x384xf32, #tpu.memory_space<hbm>> -> memref<192x1x128xf32, #tpu.memory_space<hbm>>
      %dma_start3A_133 = tpu.memref_squeeze %dma_start3A_132 : memref<192x1x128xf32, #tpu.memory_space<hbm>> -> memref<192x128xf32, #tpu.memory_space<hbm>>
      %dma_start3A_134 = arith.constant 0 : i32
      %dma_start3A_135 = tpu.memref_slice %arg2[%dma_start3A_134, %add3A_114, %mul3A_130] : memref<192x384x384xf32, #tpu.memory_space<hbm>> -> memref<192x1x128xf32, #tpu.memory_space<hbm>>
      %dma_start3A_136 = tpu.memref_squeeze %dma_start3A_135 : memref<192x1x128xf32, #tpu.memory_space<hbm>> -> memref<192x128xf32, #tpu.memory_space<hbm>>
      tpu.enqueue_dma source(%dma_start3A_136 : memref<192x128xf32, #tpu.memory_space<hbm>>) target(%arg6 : memref<192x128xf32, #tpu.memory_space<vmem>>) target_semaphore(%arg11 : memref<!tpu.dma_semaphore, #tpu.memory_space<semaphore_mem>>)
      %dma_start3A_137 = arith.constant 0 : i32
      %dma_start3A_138 = tpu.memref_slice %arg3[%add3A_114, %mul3A_130, %dma_start3A_137] : memref<384x384x192xi32, #tpu.memory_space<hbm>> -> memref<1x128x192xi32, #tpu.memory_space<hbm>>
      %dma_start3A_139 = tpu.memref_squeeze %dma_start3A_138 : memref<1x128x192xi32, #tpu.memory_space<hbm>> -> memref<128x192xi32, #tpu.memory_space<hbm>>
      %dma_start3A_140 = arith.constant 0 : i32
      %dma_start3A_141 = tpu.memref_slice %arg3[%add3A_114, %mul3A_130, %dma_start3A_140] : memref<384x384x192xi32, #tpu.memory_space<hbm>> -> memref<1x128x192xi32, #tpu.memory_space<hbm>>
      %dma_start3A_142 = tpu.memref_squeeze %dma_start3A_141 : memref<1x128x192xi32, #tpu.memory_space<hbm>> -> memref<128x192xi32, #tpu.memory_space<hbm>>
      tpu.enqueue_dma source(%dma_start3A_142 : memref<128x192xi32, #tpu.memory_space<hbm>>) target(%arg8 : memref<128x192xi32, #tpu.memory_space<vmem>>) target_semaphore(%arg11 : memref<!tpu.dma_semaphore, #tpu.memory_space<semaphore_mem>>)
      %jit3A_143 = arith.constant 3 : i32
      %div3A_144 = arith.divsi %mul3A_95, %jit3A_143 : i32
      %sign3A_145 = arith.constant 0 : i32
      %sign3A_146 = arith.cmpi sgt, %mul3A_95, %sign3A_145 : i32
      %sign3A_147 = arith.extui %sign3A_146 : i1 to i32
      %sign3A_148 = arith.constant 0 : i32
      %sign3A_149 = arith.cmpi slt, %mul3A_95, %sign3A_148 : i32
      %sign3A_150 = arith.extui %sign3A_149 : i1 to i32
      %sign3A_151 = arith.subi %sign3A_147, %sign3A_150 : i32
      %sign3A_152 = arith.constant 0 : i32
      %sign3A_153 = arith.cmpi sgt, %jit3A_143, %sign3A_152 : i32
      %sign3A_154 = arith.extui %sign3A_153 : i1 to i32
      %sign3A_155 = arith.constant 0 : i32
      %sign3A_156 = arith.cmpi slt, %jit3A_143, %sign3A_155 : i32
      %sign3A_157 = arith.extui %sign3A_156 : i1 to i32
      %sign3A_158 = arith.subi %sign3A_154, %sign3A_157 : i32
      %ne3A_159 = arith.cmpi ne, %sign3A_151, %sign3A_158 : i32
      %rem3A_160 = arith.remsi %mul3A_95, %jit3A_143 : i32
      %ne3A_161 = arith.constant 0 : i32
      %ne3A_162 = arith.cmpi ne, %rem3A_160, %ne3A_161 : i32
      %and3A_163 = arith.andi %ne3A_159, %ne3A_162 : i1
      %sub3A_164 = arith.constant 1 : i32
      %sub3A_165 = arith.subi %div3A_144, %sub3A_164 : i32
      %select_n3A_166 = arith.select %and3A_163, %sub3A_165, %div3A_144 : i32
      %add3A_167 = arith.addi %mul3A_2, %select_n3A_166 : i32
      %jit3A_168 = arith.constant 3 : i32
      %eq3A_169 = arith.constant 0 : i32
      %eq3A_170 = arith.cmpi eq, %jit3A_168, %eq3A_169 : i32
      %jit3A_171 = arith.constant 1 : i32
      %select_n3A_172 = arith.select %eq3A_170, %jit3A_171, %jit3A_168 : i32
      %rem3A_173 = arith.remsi %mul3A_95, %select_n3A_172 : i32
      %ne3A_174 = arith.constant 0 : i32
      %ne3A_175 = arith.cmpi ne, %rem3A_173, %ne3A_174 : i32
      %lt3A_176 = arith.constant 0 : i32
      %lt3A_177 = arith.cmpi slt, %rem3A_173, %lt3A_176 : i32
      %lt3A_178 = arith.constant 0 : i32
      %lt3A_179 = arith.cmpi slt, %select_n3A_172, %lt3A_178 : i32
      %ne3A_180 = arith.xori %lt3A_177, %lt3A_179 : i1
      %and3A_181 = arith.andi %ne3A_180, %ne3A_175 : i1
      %add3A_182 = arith.addi %rem3A_173, %select_n3A_172 : i32
      %select_n3A_183 = arith.select %and3A_181, %add3A_182, %rem3A_173 : i32
      %mul3A_184 = arith.constant 128 : i32
      %mul3A_185 = arith.muli %select_n3A_183, %mul3A_184 : i32
      %dma_wait3A_186 = arith.constant 0 : i32
      %dma_wait3A_187 = tpu.memref_slice %arg2[%dma_wait3A_186, %add3A_167, %mul3A_185] : memref<192x384x384xf32, #tpu.memory_space<hbm>> -> memref<192x1x128xf32, #tpu.memory_space<hbm>>
      %dma_wait3A_188 = tpu.memref_squeeze %dma_wait3A_187 : memref<192x1x128xf32, #tpu.memory_space<hbm>> -> memref<192x128xf32, #tpu.memory_space<hbm>>
      %dma_wait3A_189 = arith.constant 0 : i32
      %dma_wait3A_190 = tpu.memref_slice %arg2[%dma_wait3A_189, %add3A_167, %mul3A_185] : memref<192x384x384xf32, #tpu.memory_space<hbm>> -> memref<192x1x128xf32, #tpu.memory_space<hbm>>
      %dma_wait3A_191 = tpu.memref_squeeze %dma_wait3A_190 : memref<192x1x128xf32, #tpu.memory_space<hbm>> -> memref<192x128xf32, #tpu.memory_space<hbm>>
      tpu.wait_dma2 semaphore(%arg10 : memref<!tpu.dma_semaphore, #tpu.memory_space<semaphore_mem>>) src(%dma_wait3A_191 : memref<192x128xf32, #tpu.memory_space<hbm>>) dst(%arg5 : memref<192x128xf32, #tpu.memory_space<vmem>>)
      %dma_wait3A_192 = arith.constant 0 : i32
      %dma_wait3A_193 = tpu.memref_slice %arg3[%add3A_167, %mul3A_185, %dma_wait3A_192] : memref<384x384x192xi32, #tpu.memory_space<hbm>> -> memref<1x128x192xi32, #tpu.memory_space<hbm>>
      %dma_wait3A_194 = tpu.memref_squeeze %dma_wait3A_193 : memref<1x128x192xi32, #tpu.memory_space<hbm>> -> memref<128x192xi32, #tpu.memory_space<hbm>>
      %dma_wait3A_195 = arith.constant 0 : i32
      %dma_wait3A_196 = tpu.memref_slice %arg3[%add3A_167, %mul3A_185, %dma_wait3A_195] : memref<384x384x192xi32, #tpu.memory_space<hbm>> -> memref<1x128x192xi32, #tpu.memory_space<hbm>>
      %dma_wait3A_197 = tpu.memref_squeeze %dma_wait3A_196 : memref<1x128x192xi32, #tpu.memory_space<hbm>> -> memref<128x192xi32, #tpu.memory_space<hbm>>
      tpu.wait_dma2 semaphore(%arg10 : memref<!tpu.dma_semaphore, #tpu.memory_space<semaphore_mem>>) src(%dma_wait3A_197 : memref<128x192xi32, #tpu.memory_space<hbm>>) dst(%arg7 : memref<128x192xi32, #tpu.memory_space<vmem>>)
      %gt3A = arith.constant 0 : i32
      %gt3A_198 = arith.cmpi sgt, %add3A_93, %gt3A : i32
      %convert_element_type3A = arith.extui %gt3A_198 : i1 to i32
      %cond3A = arith.constant 0 : i32
      %cond3A_199 = arith.cmpi ne, %convert_element_type3A, %cond3A : i32
      scf.if %cond3A_199 {
        %sub3A_598 = arith.constant 1 : i32
        %sub3A_599 = arith.subi %mul3A_95, %sub3A_598 : i32
        %jit3A_600 = arith.constant 3 : i32
        %div3A_601 = arith.divsi %sub3A_599, %jit3A_600 : i32
        %sign3A_602 = arith.constant 0 : i32
        %sign3A_603 = arith.cmpi sgt, %sub3A_599, %sign3A_602 : i32
        %sign3A_604 = arith.extui %sign3A_603 : i1 to i32
        %sign3A_605 = arith.constant 0 : i32
        %sign3A_606 = arith.cmpi slt, %sub3A_599, %sign3A_605 : i32
        %sign3A_607 = arith.extui %sign3A_606 : i1 to i32
        %sign3A_608 = arith.subi %sign3A_604, %sign3A_607 : i32
        %sign3A_609 = arith.constant 0 : i32
        %sign3A_610 = arith.cmpi sgt, %jit3A_600, %sign3A_609 : i32
        %sign3A_611 = arith.extui %sign3A_610 : i1 to i32
        %sign3A_612 = arith.constant 0 : i32
        %sign3A_613 = arith.cmpi slt, %jit3A_600, %sign3A_612 : i32
        %sign3A_614 = arith.extui %sign3A_613 : i1 to i32
        %sign3A_615 = arith.subi %sign3A_611, %sign3A_614 : i32
        %ne3A_616 = arith.cmpi ne, %sign3A_608, %sign3A_615 : i32
        %rem3A_617 = arith.remsi %sub3A_599, %jit3A_600 : i32
        %ne3A_618 = arith.constant 0 : i32
        %ne3A_619 = arith.cmpi ne, %rem3A_617, %ne3A_618 : i32
        %and3A_620 = arith.andi %ne3A_616, %ne3A_619 : i1
        %sub3A_621 = arith.constant 1 : i32
        %sub3A_622 = arith.subi %div3A_601, %sub3A_621 : i32
        %select_n3A_623 = arith.select %and3A_620, %sub3A_622, %div3A_601 : i32
        %add3A_624 = arith.addi %mul3A_2, %select_n3A_623 : i32
        %jit3A_625 = arith.constant 3 : i32
        %eq3A_626 = arith.constant 0 : i32
        %eq3A_627 = arith.cmpi eq, %jit3A_625, %eq3A_626 : i32
        %jit3A_628 = arith.constant 1 : i32
        %select_n3A_629 = arith.select %eq3A_627, %jit3A_628, %jit3A_625 : i32
        %rem3A_630 = arith.remsi %sub3A_599, %select_n3A_629 : i32
        %ne3A_631 = arith.constant 0 : i32
        %ne3A_632 = arith.cmpi ne, %rem3A_630, %ne3A_631 : i32
        %lt3A_633 = arith.constant 0 : i32
        %lt3A_634 = arith.cmpi slt, %rem3A_630, %lt3A_633 : i32
        %lt3A_635 = arith.constant 0 : i32
        %lt3A_636 = arith.cmpi slt, %select_n3A_629, %lt3A_635 : i32
        %ne3A_637 = arith.xori %lt3A_634, %lt3A_636 : i1
        %and3A_638 = arith.andi %ne3A_637, %ne3A_632 : i1
        %add3A_639 = arith.addi %rem3A_630, %select_n3A_629 : i32
        %select_n3A_640 = arith.select %and3A_638, %add3A_639, %rem3A_630 : i32
        %mul3A_641 = arith.constant 128 : i32
        %mul3A_642 = arith.muli %select_n3A_640, %mul3A_641 : i32
        %dma_wait3A_643 = arith.constant 0 : i32
        %dma_wait3A_644 = arith.constant 0 : i32
        %dma_wait3A_645 = tpu.memref_slice %arg9[%dma_wait3A_643, %dma_wait3A_644] : memref<64x128xf32, #tpu.memory_space<vmem>> -> memref<32x128xf32, #tpu.memory_space<vmem>>
        %dma_wait3A_646 = arith.constant 0 : i32
        %dma_wait3A_647 = tpu.memref_slice %arg4[%dma_wait3A_646, %add3A_624, %mul3A_642] : memref<64x384x384xf32, #tpu.memory_space<hbm>> -> memref<64x1x128xf32, #tpu.memory_space<hbm>>
        %dma_wait3A_648 = tpu.memref_squeeze %dma_wait3A_647 : memref<64x1x128xf32, #tpu.memory_space<hbm>> -> memref<64x128xf32, #tpu.memory_space<hbm>>
        %dma_wait3A_649 = arith.constant 0 : i32
        %dma_wait3A_650 = arith.constant 0 : i32
        %dma_wait3A_651 = tpu.memref_slice %dma_wait3A_648[%dma_wait3A_649, %dma_wait3A_650] : memref<64x128xf32, #tpu.memory_space<hbm>> -> memref<32x128xf32, #tpu.memory_space<hbm>>
        %dma_wait3A_652 = arith.constant 0 : i32
        %dma_wait3A_653 = tpu.memref_slice %arg4[%dma_wait3A_652, %add3A_624, %mul3A_642] : memref<64x384x384xf32, #tpu.memory_space<hbm>> -> memref<64x1x128xf32, #tpu.memory_space<hbm>>
        %dma_wait3A_654 = tpu.memref_squeeze %dma_wait3A_653 : memref<64x1x128xf32, #tpu.memory_space<hbm>> -> memref<64x128xf32, #tpu.memory_space<hbm>>
        %dma_wait3A_655 = arith.constant 0 : i32
        %dma_wait3A_656 = arith.constant 0 : i32
        %dma_wait3A_657 = tpu.memref_slice %dma_wait3A_654[%dma_wait3A_655, %dma_wait3A_656] : memref<64x128xf32, #tpu.memory_space<hbm>> -> memref<32x128xf32, #tpu.memory_space<hbm>>
        %dma_wait3A_658 = arith.constant 0 : i32
        %dma_wait3A_659 = arith.constant 0 : i32
        %dma_wait3A_660 = tpu.memref_slice %arg9[%dma_wait3A_658, %dma_wait3A_659] : memref<64x128xf32, #tpu.memory_space<vmem>> -> memref<32x128xf32, #tpu.memory_space<vmem>>
        tpu.wait_dma2 semaphore(%arg12 : memref<!tpu.dma_semaphore, #tpu.memory_space<semaphore_mem>>) src(%dma_wait3A_660 : memref<32x128xf32, #tpu.memory_space<vmem>>) dst(%dma_wait3A_657 : memref<32x128xf32, #tpu.memory_space<hbm>>)
        %dma_wait3A_661 = arith.constant 32 : i32
        %dma_wait3A_662 = arith.constant 0 : i32
        %dma_wait3A_663 = tpu.memref_slice %arg9[%dma_wait3A_661, %dma_wait3A_662] : memref<64x128xf32, #tpu.memory_space<vmem>> -> memref<32x128xf32, #tpu.memory_space<vmem>>
        %dma_wait3A_664 = arith.constant 0 : i32
        %dma_wait3A_665 = tpu.memref_slice %arg4[%dma_wait3A_664, %add3A_624, %mul3A_642] : memref<64x384x384xf32, #tpu.memory_space<hbm>> -> memref<64x1x128xf32, #tpu.memory_space<hbm>>
        %dma_wait3A_666 = tpu.memref_squeeze %dma_wait3A_665 : memref<64x1x128xf32, #tpu.memory_space<hbm>> -> memref<64x128xf32, #tpu.memory_space<hbm>>
        %dma_wait3A_667 = arith.constant 32 : i32
        %dma_wait3A_668 = arith.constant 0 : i32
        %dma_wait3A_669 = tpu.memref_slice %dma_wait3A_666[%dma_wait3A_667, %dma_wait3A_668] : memref<64x128xf32, #tpu.memory_space<hbm>> -> memref<32x128xf32, #tpu.memory_space<hbm>>
        %dma_wait3A_670 = arith.constant 0 : i32
        %dma_wait3A_671 = tpu.memref_slice %arg4[%dma_wait3A_670, %add3A_624, %mul3A_642] : memref<64x384x384xf32, #tpu.memory_space<hbm>> -> memref<64x1x128xf32, #tpu.memory_space<hbm>>
        %dma_wait3A_672 = tpu.memref_squeeze %dma_wait3A_671 : memref<64x1x128xf32, #tpu.memory_space<hbm>> -> memref<64x128xf32, #tpu.memory_space<hbm>>
        %dma_wait3A_673 = arith.constant 32 : i32
        %dma_wait3A_674 = arith.constant 0 : i32
        %dma_wait3A_675 = tpu.memref_slice %dma_wait3A_672[%dma_wait3A_673, %dma_wait3A_674] : memref<64x128xf32, #tpu.memory_space<hbm>> -> memref<32x128xf32, #tpu.memory_space<hbm>>
        %dma_wait3A_676 = arith.constant 32 : i32
        %dma_wait3A_677 = arith.constant 0 : i32
        %dma_wait3A_678 = tpu.memref_slice %arg9[%dma_wait3A_676, %dma_wait3A_677] : memref<64x128xf32, #tpu.memory_space<vmem>> -> memref<32x128xf32, #tpu.memory_space<vmem>>
        tpu.wait_dma2 semaphore(%arg12 : memref<!tpu.dma_semaphore, #tpu.memory_space<semaphore_mem>>) src(%dma_wait3A_678 : memref<32x128xf32, #tpu.memory_space<vmem>>) dst(%dma_wait3A_675 : memref<32x128xf32, #tpu.memory_space<hbm>>)
      } else {
      }
      %parallel_loop3A = arith.constant 0 : i32
      %parallel_loop3A_200 = arith.constant 32 : i32
      %parallel_loop3A_201 = arith.constant 1 : i32
      scf.for %parallel_loop3A_598 = %parallel_loop3A to %parallel_loop3A_200 step %parallel_loop3A_201  : i32 {
        %parallel_loop3A_599 = arith.constant 128 : i32
        %parallel_loop3A_600 = arith.addi %parallel_loop3A_599, %parallel_loop3A_598 : i32
        %parallel_loop3A_601 = vector.broadcast %parallel_loop3A_600 : i32 to vector<16xi32>
        %parallel_loop3A_602 = tpu.vector_load_idx %arg7[%add3A_5, %parallel_loop3A_601] : memref<128x192xi32, #tpu.memory_space<vmem>>[vector<16xi32>, vector<16xi32>], vector<16xi32>,
        %parallel_loop3A_603 = tpu.vector_load_idx %arg5[%parallel_loop3A_602, %add3A_5] : memref<192x128xf32, #tpu.memory_space<vmem>>[vector<16xi32>, vector<16xi32>], vector<16xf32>,
        %parallel_loop3A_604 = arith.index_cast %parallel_loop3A_598 : i32 to index
        %parallel_loop3A_605 = arith.constant 0 : index
        %parallel_loop3A_606 = tpu.vector_load %arg9[%parallel_loop3A_604, %parallel_loop3A_605] {strides = array<i32>} : memref<64x128xf32, #tpu.memory_space<vmem>>, vector<16xf32>,
        tpu.vector_store %arg9[%parallel_loop3A_604, %parallel_loop3A_605], %parallel_loop3A_603 {strides = array<i32>} : memref<64x128xf32, #tpu.memory_space<vmem>>, vector<16xf32>,
        %parallel_loop3A_607 = tpu.vector_load_idx %arg7[%add3A_8, %parallel_loop3A_601] : memref<128x192xi32, #tpu.memory_space<vmem>>[vector<16xi32>, vector<16xi32>], vector<16xi32>,
        %parallel_loop3A_608 = tpu.vector_load_idx %arg5[%parallel_loop3A_607, %add3A_8] : memref<192x128xf32, #tpu.memory_space<vmem>>[vector<16xi32>, vector<16xi32>], vector<16xf32>,
        %parallel_loop3A_609 = arith.index_cast %parallel_loop3A_598 : i32 to index
        %parallel_loop3A_610 = arith.constant 16 : index
        %parallel_loop3A_611 = tpu.vector_load %arg9[%parallel_loop3A_609, %parallel_loop3A_610] {strides = array<i32>} : memref<64x128xf32, #tpu.memory_space<vmem>>, vector<16xf32>,
        tpu.vector_store %arg9[%parallel_loop3A_609, %parallel_loop3A_610], %parallel_loop3A_608 {strides = array<i32>} : memref<64x128xf32, #tpu.memory_space<vmem>>, vector<16xf32>,
        %parallel_loop3A_612 = tpu.vector_load_idx %arg7[%add3A_11, %parallel_loop3A_601] : memref<128x192xi32, #tpu.memory_space<vmem>>[vector<16xi32>, vector<16xi32>], vector<16xi32>,
        %parallel_loop3A_613 = tpu.vector_load_idx %arg5[%parallel_loop3A_612, %add3A_11] : memref<192x128xf32, #tpu.memory_space<vmem>>[vector<16xi32>, vector<16xi32>], vector<16xf32>,
        %parallel_loop3A_614 = arith.index_cast %parallel_loop3A_598 : i32 to index
        %parallel_loop3A_615 = arith.constant 32 : index
        %parallel_loop3A_616 = tpu.vector_load %arg9[%parallel_loop3A_614, %parallel_loop3A_615] {strides = array<i32>} : memref<64x128xf32, #tpu.memory_space<vmem>>, vector<16xf32>,
        tpu.vector_store %arg9[%parallel_loop3A_614, %parallel_loop3A_615], %parallel_loop3A_613 {strides = array<i32>} : memref<64x128xf32, #tpu.memory_space<vmem>>, vector<16xf32>,
        %parallel_loop3A_617 = tpu.vector_load_idx %arg7[%add3A_14, %parallel_loop3A_601] : memref<128x192xi32, #tpu.memory_space<vmem>>[vector<16xi32>, vector<16xi32>], vector<16xi32>,
        %parallel_loop3A_618 = tpu.vector_load_idx %arg5[%parallel_loop3A_617, %add3A_14] : memref<192x128xf32, #tpu.memory_space<vmem>>[vector<16xi32>, vector<16xi32>], vector<16xf32>,
        %parallel_loop3A_619 = arith.index_cast %parallel_loop3A_598 : i32 to index
        %parallel_loop3A_620 = arith.constant 48 : index
        %parallel_loop3A_621 = tpu.vector_load %arg9[%parallel_loop3A_619, %parallel_loop3A_620] {strides = array<i32>} : memref<64x128xf32, #tpu.memory_space<vmem>>, vector<16xf32>,
        tpu.vector_store %arg9[%parallel_loop3A_619, %parallel_loop3A_620], %parallel_loop3A_618 {strides = array<i32>} : memref<64x128xf32, #tpu.memory_space<vmem>>, vector<16xf32>,
        %parallel_loop3A_622 = tpu.vector_load_idx %arg7[%add3A_17, %parallel_loop3A_601] : memref<128x192xi32, #tpu.memory_space<vmem>>[vector<16xi32>, vector<16xi32>], vector<16xi32>,
        %parallel_loop3A_623 = tpu.vector_load_idx %arg5[%parallel_loop3A_622, %add3A_17] : memref<192x128xf32, #tpu.memory_space<vmem>>[vector<16xi32>, vector<16xi32>], vector<16xf32>,
        %parallel_loop3A_624 = arith.index_cast %parallel_loop3A_598 : i32 to index
        %parallel_loop3A_625 = arith.constant 64 : index
        %parallel_loop3A_626 = tpu.vector_load %arg9[%parallel_loop3A_624, %parallel_loop3A_625] {strides = array<i32>} : memref<64x128xf32, #tpu.memory_space<vmem>>, vector<16xf32>,
        tpu.vector_store %arg9[%parallel_loop3A_624, %parallel_loop3A_625], %parallel_loop3A_623 {strides = array<i32>} : memref<64x128xf32, #tpu.memory_space<vmem>>, vector<16xf32>,
        %parallel_loop3A_627 = tpu.vector_load_idx %arg7[%add3A_20, %parallel_loop3A_601] : memref<128x192xi32, #tpu.memory_space<vmem>>[vector<16xi32>, vector<16xi32>], vector<16xi32>,
        %parallel_loop3A_628 = tpu.vector_load_idx %arg5[%parallel_loop3A_627, %add3A_20] : memref<192x128xf32, #tpu.memory_space<vmem>>[vector<16xi32>, vector<16xi32>], vector<16xf32>,
        %parallel_loop3A_629 = arith.index_cast %parallel_loop3A_598 : i32 to index
        %parallel_loop3A_630 = arith.constant 80 : index
        %parallel_loop3A_631 = tpu.vector_load %arg9[%parallel_loop3A_629, %parallel_loop3A_630] {strides = array<i32>} : memref<64x128xf32, #tpu.memory_space<vmem>>, vector<16xf32>,
        tpu.vector_store %arg9[%parallel_loop3A_629, %parallel_loop3A_630], %parallel_loop3A_628 {strides = array<i32>} : memref<64x128xf32, #tpu.memory_space<vmem>>, vector<16xf32>,
        %parallel_loop3A_632 = tpu.vector_load_idx %arg7[%add3A_23, %parallel_loop3A_601] : memref<128x192xi32, #tpu.memory_space<vmem>>[vector<16xi32>, vector<16xi32>], vector<16xi32>,
        %parallel_loop3A_633 = tpu.vector_load_idx %arg5[%parallel_loop3A_632, %add3A_23] : memref<192x128xf32, #tpu.memory_space<vmem>>[vector<16xi32>, vector<16xi32>], vector<16xf32>,
        %parallel_loop3A_634 = arith.index_cast %parallel_loop3A_598 : i32 to index
        %parallel_loop3A_635 = arith.constant 96 : index
        %parallel_loop3A_636 = tpu.vector_load %arg9[%parallel_loop3A_634, %parallel_loop3A_635] {strides = array<i32>} : memref<64x128xf32, #tpu.memory_space<vmem>>, vector<16xf32>,
        tpu.vector_store %arg9[%parallel_loop3A_634, %parallel_loop3A_635], %parallel_loop3A_633 {strides = array<i32>} : memref<64x128xf32, #tpu.memory_space<vmem>>, vector<16xf32>,
        %parallel_loop3A_637 = tpu.vector_load_idx %arg7[%add3A_26, %parallel_loop3A_601] : memref<128x192xi32, #tpu.memory_space<vmem>>[vector<16xi32>, vector<16xi32>], vector<16xi32>,
        %parallel_loop3A_638 = tpu.vector_load_idx %arg5[%parallel_loop3A_637, %add3A_26] : memref<192x128xf32, #tpu.memory_space<vmem>>[vector<16xi32>, vector<16xi32>], vector<16xf32>,
        %parallel_loop3A_639 = arith.index_cast %parallel_loop3A_598 : i32 to index
        %parallel_loop3A_640 = arith.constant 112 : index
        %parallel_loop3A_641 = tpu.vector_load %arg9[%parallel_loop3A_639, %parallel_loop3A_640] {strides = array<i32>} : memref<64x128xf32, #tpu.memory_space<vmem>>, vector<16xf32>,
        tpu.vector_store %arg9[%parallel_loop3A_639, %parallel_loop3A_640], %parallel_loop3A_638 {strides = array<i32>} : memref<64x128xf32, #tpu.memory_space<vmem>>, vector<16xf32>,
      } {sc.loop_unroll_factor = 2 : i64, sc.parallel_access}
      %jit3A_202 = arith.constant 3 : i32
      %div3A_203 = arith.divsi %mul3A_95, %jit3A_202 : i32
      %sign3A_204 = arith.constant 0 : i32
      %sign3A_205 = arith.cmpi sgt, %mul3A_95, %sign3A_204 : i32
      %sign3A_206 = arith.extui %sign3A_205 : i1 to i32
      %sign3A_207 = arith.constant 0 : i32
      %sign3A_208 = arith.cmpi slt, %mul3A_95, %sign3A_207 : i32
      %sign3A_209 = arith.extui %sign3A_208 : i1 to i32
      %sign3A_210 = arith.subi %sign3A_206, %sign3A_209 : i32
      %sign3A_211 = arith.constant 0 : i32
      %sign3A_212 = arith.cmpi sgt, %jit3A_202, %sign3A_211 : i32
      %sign3A_213 = arith.extui %sign3A_212 : i1 to i32
      %sign3A_214 = arith.constant 0 : i32
      %sign3A_215 = arith.cmpi slt, %jit3A_202, %sign3A_214 : i32
      %sign3A_216 = arith.extui %sign3A_215 : i1 to i32
      %sign3A_217 = arith.subi %sign3A_213, %sign3A_216 : i32
      %ne3A_218 = arith.cmpi ne, %sign3A_210, %sign3A_217 : i32
      %rem3A_219 = arith.remsi %mul3A_95, %jit3A_202 : i32
      %ne3A_220 = arith.constant 0 : i32
      %ne3A_221 = arith.cmpi ne, %rem3A_219, %ne3A_220 : i32
      %and3A_222 = arith.andi %ne3A_218, %ne3A_221 : i1
      %sub3A_223 = arith.constant 1 : i32
      %sub3A_224 = arith.subi %div3A_203, %sub3A_223 : i32
      %select_n3A_225 = arith.select %and3A_222, %sub3A_224, %div3A_203 : i32
      %add3A_226 = arith.addi %mul3A_2, %select_n3A_225 : i32
      %jit3A_227 = arith.constant 3 : i32
      %eq3A_228 = arith.constant 0 : i32
      %eq3A_229 = arith.cmpi eq, %jit3A_227, %eq3A_228 : i32
      %jit3A_230 = arith.constant 1 : i32
      %select_n3A_231 = arith.select %eq3A_229, %jit3A_230, %jit3A_227 : i32
      %rem3A_232 = arith.remsi %mul3A_95, %select_n3A_231 : i32
      %ne3A_233 = arith.constant 0 : i32
      %ne3A_234 = arith.cmpi ne, %rem3A_232, %ne3A_233 : i32
      %lt3A_235 = arith.constant 0 : i32
      %lt3A_236 = arith.cmpi slt, %rem3A_232, %lt3A_235 : i32
      %lt3A_237 = arith.constant 0 : i32
      %lt3A_238 = arith.cmpi slt, %select_n3A_231, %lt3A_237 : i32
      %ne3A_239 = arith.xori %lt3A_236, %lt3A_238 : i1
      %and3A_240 = arith.andi %ne3A_239, %ne3A_234 : i1
      %add3A_241 = arith.addi %rem3A_232, %select_n3A_231 : i32
      %select_n3A_242 = arith.select %and3A_240, %add3A_241, %rem3A_232 : i32
      %mul3A_243 = arith.constant 128 : i32
      %mul3A_244 = arith.muli %select_n3A_242, %mul3A_243 : i32
      %dma_start3A_245 = arith.constant 0 : i32
      %dma_start3A_246 = arith.constant 0 : i32
      %dma_start3A_247 = tpu.memref_slice %arg9[%dma_start3A_245, %dma_start3A_246] : memref<64x128xf32, #tpu.memory_space<vmem>> -> memref<32x128xf32, #tpu.memory_space<vmem>>
      %dma_start3A_248 = arith.constant 0 : i32
      %dma_start3A_249 = tpu.memref_slice %arg4[%dma_start3A_248, %add3A_226, %mul3A_244] : memref<64x384x384xf32, #tpu.memory_space<hbm>> -> memref<64x1x128xf32, #tpu.memory_space<hbm>>
      %dma_start3A_250 = tpu.memref_squeeze %dma_start3A_249 : memref<64x1x128xf32, #tpu.memory_space<hbm>> -> memref<64x128xf32, #tpu.memory_space<hbm>>
      %dma_start3A_251 = arith.constant 0 : i32
      %dma_start3A_252 = arith.constant 0 : i32
      %dma_start3A_253 = tpu.memref_slice %dma_start3A_250[%dma_start3A_251, %dma_start3A_252] : memref<64x128xf32, #tpu.memory_space<hbm>> -> memref<32x128xf32, #tpu.memory_space<hbm>>
      %dma_start3A_254 = arith.constant 0 : i32
      %dma_start3A_255 = tpu.memref_slice %arg4[%dma_start3A_254, %add3A_226, %mul3A_244] : memref<64x384x384xf32, #tpu.memory_space<hbm>> -> memref<64x1x128xf32, #tpu.memory_space<hbm>>
      %dma_start3A_256 = tpu.memref_squeeze %dma_start3A_255 : memref<64x1x128xf32, #tpu.memory_space<hbm>> -> memref<64x128xf32, #tpu.memory_space<hbm>>
      %dma_start3A_257 = arith.constant 0 : i32
      %dma_start3A_258 = arith.constant 0 : i32
      %dma_start3A_259 = tpu.memref_slice %dma_start3A_256[%dma_start3A_257, %dma_start3A_258] : memref<64x128xf32, #tpu.memory_space<hbm>> -> memref<32x128xf32, #tpu.memory_space<hbm>>
      %dma_start3A_260 = arith.constant 0 : i32
      %dma_start3A_261 = arith.constant 0 : i32
      %dma_start3A_262 = tpu.memref_slice %arg9[%dma_start3A_260, %dma_start3A_261] : memref<64x128xf32, #tpu.memory_space<vmem>> -> memref<32x128xf32, #tpu.memory_space<vmem>>
      tpu.enqueue_dma source(%dma_start3A_262 : memref<32x128xf32, #tpu.memory_space<vmem>>) target(%dma_start3A_259 : memref<32x128xf32, #tpu.memory_space<hbm>>) target_semaphore(%arg12 : memref<!tpu.dma_semaphore, #tpu.memory_space<semaphore_mem>>)
      %parallel_loop3A_263 = arith.constant 32 : i32
      %parallel_loop3A_264 = arith.constant 64 : i32
      %parallel_loop3A_265 = arith.constant 1 : i32
      scf.for %parallel_loop3A_598 = %parallel_loop3A_263 to %parallel_loop3A_264 step %parallel_loop3A_265  : i32 {
        %parallel_loop3A_599 = arith.constant 128 : i32
        %parallel_loop3A_600 = arith.addi %parallel_loop3A_599, %parallel_loop3A_598 : i32
        %parallel_loop3A_601 = vector.broadcast %parallel_loop3A_600 : i32 to vector<16xi32>
        %parallel_loop3A_602 = tpu.vector_load_idx %arg7[%add3A_5, %parallel_loop3A_601] : memref<128x192xi32, #tpu.memory_space<vmem>>[vector<16xi32>, vector<16xi32>], vector<16xi32>,
        %parallel_loop3A_603 = tpu.vector_load_idx %arg5[%parallel_loop3A_602, %add3A_5] : memref<192x128xf32, #tpu.memory_space<vmem>>[vector<16xi32>, vector<16xi32>], vector<16xf32>,
        %parallel_loop3A_604 = arith.index_cast %parallel_loop3A_598 : i32 to index
        %parallel_loop3A_605 = arith.constant 0 : index
        %parallel_loop3A_606 = tpu.vector_load %arg9[%parallel_loop3A_604, %parallel_loop3A_605] {strides = array<i32>} : memref<64x128xf32, #tpu.memory_space<vmem>>, vector<16xf32>,
        tpu.vector_store %arg9[%parallel_loop3A_604, %parallel_loop3A_605], %parallel_loop3A_603 {strides = array<i32>} : memref<64x128xf32, #tpu.memory_space<vmem>>, vector<16xf32>,
        %parallel_loop3A_607 = tpu.vector_load_idx %arg7[%add3A_8, %parallel_loop3A_601] : memref<128x192xi32, #tpu.memory_space<vmem>>[vector<16xi32>, vector<16xi32>], vector<16xi32>,
        %parallel_loop3A_608 = tpu.vector_load_idx %arg5[%parallel_loop3A_607, %add3A_8] : memref<192x128xf32, #tpu.memory_space<vmem>>[vector<16xi32>, vector<16xi32>], vector<16xf32>,
        %parallel_loop3A_609 = arith.index_cast %parallel_loop3A_598 : i32 to index
        %parallel_loop3A_610 = arith.constant 16 : index
        %parallel_loop3A_611 = tpu.vector_load %arg9[%parallel_loop3A_609, %parallel_loop3A_610] {strides = array<i32>} : memref<64x128xf32, #tpu.memory_space<vmem>>, vector<16xf32>,
        tpu.vector_store %arg9[%parallel_loop3A_609, %parallel_loop3A_610], %parallel_loop3A_608 {strides = array<i32>} : memref<64x128xf32, #tpu.memory_space<vmem>>, vector<16xf32>,
        %parallel_loop3A_612 = tpu.vector_load_idx %arg7[%add3A_11, %parallel_loop3A_601] : memref<128x192xi32, #tpu.memory_space<vmem>>[vector<16xi32>, vector<16xi32>], vector<16xi32>,
        %parallel_loop3A_613 = tpu.vector_load_idx %arg5[%parallel_loop3A_612, %add3A_11] : memref<192x128xf32, #tpu.memory_space<vmem>>[vector<16xi32>, vector<16xi32>], vector<16xf32>,
        %parallel_loop3A_614 = arith.index_cast %parallel_loop3A_598 : i32 to index
        %parallel_loop3A_615 = arith.constant 32 : index
        %parallel_loop3A_616 = tpu.vector_load %arg9[%parallel_loop3A_614, %parallel_loop3A_615] {strides = array<i32>} : memref<64x128xf32, #tpu.memory_space<vmem>>, vector<16xf32>,
        tpu.vector_store %arg9[%parallel_loop3A_614, %parallel_loop3A_615], %parallel_loop3A_613 {strides = array<i32>} : memref<64x128xf32, #tpu.memory_space<vmem>>, vector<16xf32>,
        %parallel_loop3A_617 = tpu.vector_load_idx %arg7[%add3A_14, %parallel_loop3A_601] : memref<128x192xi32, #tpu.memory_space<vmem>>[vector<16xi32>, vector<16xi32>], vector<16xi32>,
        %parallel_loop3A_618 = tpu.vector_load_idx %arg5[%parallel_loop3A_617, %add3A_14] : memref<192x128xf32, #tpu.memory_space<vmem>>[vector<16xi32>, vector<16xi32>], vector<16xf32>,
        %parallel_loop3A_619 = arith.index_cast %parallel_loop3A_598 : i32 to index
        %parallel_loop3A_620 = arith.constant 48 : index
        %parallel_loop3A_621 = tpu.vector_load %arg9[%parallel_loop3A_619, %parallel_loop3A_620] {strides = array<i32>} : memref<64x128xf32, #tpu.memory_space<vmem>>, vector<16xf32>,
        tpu.vector_store %arg9[%parallel_loop3A_619, %parallel_loop3A_620], %parallel_loop3A_618 {strides = array<i32>} : memref<64x128xf32, #tpu.memory_space<vmem>>, vector<16xf32>,
        %parallel_loop3A_622 = tpu.vector_load_idx %arg7[%add3A_17, %parallel_loop3A_601] : memref<128x192xi32, #tpu.memory_space<vmem>>[vector<16xi32>, vector<16xi32>], vector<16xi32>,
        %parallel_loop3A_623 = tpu.vector_load_idx %arg5[%parallel_loop3A_622, %add3A_17] : memref<192x128xf32, #tpu.memory_space<vmem>>[vector<16xi32>, vector<16xi32>], vector<16xf32>,
        %parallel_loop3A_624 = arith.index_cast %parallel_loop3A_598 : i32 to index
        %parallel_loop3A_625 = arith.constant 64 : index
        %parallel_loop3A_626 = tpu.vector_load %arg9[%parallel_loop3A_624, %parallel_loop3A_625] {strides = array<i32>} : memref<64x128xf32, #tpu.memory_space<vmem>>, vector<16xf32>,
        tpu.vector_store %arg9[%parallel_loop3A_624, %parallel_loop3A_625], %parallel_loop3A_623 {strides = array<i32>} : memref<64x128xf32, #tpu.memory_space<vmem>>, vector<16xf32>,
        %parallel_loop3A_627 = tpu.vector_load_idx %arg7[%add3A_20, %parallel_loop3A_601] : memref<128x192xi32, #tpu.memory_space<vmem>>[vector<16xi32>, vector<16xi32>], vector<16xi32>,
        %parallel_loop3A_628 = tpu.vector_load_idx %arg5[%parallel_loop3A_627, %add3A_20] : memref<192x128xf32, #tpu.memory_space<vmem>>[vector<16xi32>, vector<16xi32>], vector<16xf32>,
        %parallel_loop3A_629 = arith.index_cast %parallel_loop3A_598 : i32 to index
        %parallel_loop3A_630 = arith.constant 80 : index
        %parallel_loop3A_631 = tpu.vector_load %arg9[%parallel_loop3A_629, %parallel_loop3A_630] {strides = array<i32>} : memref<64x128xf32, #tpu.memory_space<vmem>>, vector<16xf32>,
        tpu.vector_store %arg9[%parallel_loop3A_629, %parallel_loop3A_630], %parallel_loop3A_628 {strides = array<i32>} : memref<64x128xf32, #tpu.memory_space<vmem>>, vector<16xf32>,
        %parallel_loop3A_632 = tpu.vector_load_idx %arg7[%add3A_23, %parallel_loop3A_601] : memref<128x192xi32, #tpu.memory_space<vmem>>[vector<16xi32>, vector<16xi32>], vector<16xi32>,
        %parallel_loop3A_633 = tpu.vector_load_idx %arg5[%parallel_loop3A_632, %add3A_23] : memref<192x128xf32, #tpu.memory_space<vmem>>[vector<16xi32>, vector<16xi32>], vector<16xf32>,
        %parallel_loop3A_634 = arith.index_cast %parallel_loop3A_598 : i32 to index
        %parallel_loop3A_635 = arith.constant 96 : index
        %parallel_loop3A_636 = tpu.vector_load %arg9[%parallel_loop3A_634, %parallel_loop3A_635] {strides = array<i32>} : memref<64x128xf32, #tpu.memory_space<vmem>>, vector<16xf32>,
        tpu.vector_store %arg9[%parallel_loop3A_634, %parallel_loop3A_635], %parallel_loop3A_633 {strides = array<i32>} : memref<64x128xf32, #tpu.memory_space<vmem>>, vector<16xf32>,
        %parallel_loop3A_637 = tpu.vector_load_idx %arg7[%add3A_26, %parallel_loop3A_601] : memref<128x192xi32, #tpu.memory_space<vmem>>[vector<16xi32>, vector<16xi32>], vector<16xi32>,
        %parallel_loop3A_638 = tpu.vector_load_idx %arg5[%parallel_loop3A_637, %add3A_26] : memref<192x128xf32, #tpu.memory_space<vmem>>[vector<16xi32>, vector<16xi32>], vector<16xf32>,
        %parallel_loop3A_639 = arith.index_cast %parallel_loop3A_598 : i32 to index
        %parallel_loop3A_640 = arith.constant 112 : index
        %parallel_loop3A_641 = tpu.vector_load %arg9[%parallel_loop3A_639, %parallel_loop3A_640] {strides = array<i32>} : memref<64x128xf32, #tpu.memory_space<vmem>>, vector<16xf32>,
        tpu.vector_store %arg9[%parallel_loop3A_639, %parallel_loop3A_640], %parallel_loop3A_638 {strides = array<i32>} : memref<64x128xf32, #tpu.memory_space<vmem>>, vector<16xf32>,
      } {sc.loop_unroll_factor = 2 : i64, sc.parallel_access}
      %jit3A_266 = arith.constant 3 : i32
      %div3A_267 = arith.divsi %mul3A_95, %jit3A_266 : i32
      %sign3A_268 = arith.constant 0 : i32
      %sign3A_269 = arith.cmpi sgt, %mul3A_95, %sign3A_268 : i32
      %sign3A_270 = arith.extui %sign3A_269 : i1 to i32
      %sign3A_271 = arith.constant 0 : i32
      %sign3A_272 = arith.cmpi slt, %mul3A_95, %sign3A_271 : i32
      %sign3A_273 = arith.extui %sign3A_272 : i1 to i32
      %sign3A_274 = arith.subi %sign3A_270, %sign3A_273 : i32
      %sign3A_275 = arith.constant 0 : i32
      %sign3A_276 = arith.cmpi sgt, %jit3A_266, %sign3A_275 : i32
      %sign3A_277 = arith.extui %sign3A_276 : i1 to i32
      %sign3A_278 = arith.constant 0 : i32
      %sign3A_279 = arith.cmpi slt, %jit3A_266, %sign3A_278 : i32
      %sign3A_280 = arith.extui %sign3A_279 : i1 to i32
      %sign3A_281 = arith.subi %sign3A_277, %sign3A_280 : i32
      %ne3A_282 = arith.cmpi ne, %sign3A_274, %sign3A_281 : i32
      %rem3A_283 = arith.remsi %mul3A_95, %jit3A_266 : i32
      %ne3A_284 = arith.constant 0 : i32
      %ne3A_285 = arith.cmpi ne, %rem3A_283, %ne3A_284 : i32
      %and3A_286 = arith.andi %ne3A_282, %ne3A_285 : i1
      %sub3A_287 = arith.constant 1 : i32
      %sub3A_288 = arith.subi %div3A_267, %sub3A_287 : i32
      %select_n3A_289 = arith.select %and3A_286, %sub3A_288, %div3A_267 : i32
      %add3A_290 = arith.addi %mul3A_2, %select_n3A_289 : i32
      %jit3A_291 = arith.constant 3 : i32
      %eq3A_292 = arith.constant 0 : i32
      %eq3A_293 = arith.cmpi eq, %jit3A_291, %eq3A_292 : i32
      %jit3A_294 = arith.constant 1 : i32
      %select_n3A_295 = arith.select %eq3A_293, %jit3A_294, %jit3A_291 : i32
      %rem3A_296 = arith.remsi %mul3A_95, %select_n3A_295 : i32
      %ne3A_297 = arith.constant 0 : i32
      %ne3A_298 = arith.cmpi ne, %rem3A_296, %ne3A_297 : i32
      %lt3A_299 = arith.constant 0 : i32
      %lt3A_300 = arith.cmpi slt, %rem3A_296, %lt3A_299 : i32
      %lt3A_301 = arith.constant 0 : i32
      %lt3A_302 = arith.cmpi slt, %select_n3A_295, %lt3A_301 : i32
      %ne3A_303 = arith.xori %lt3A_300, %lt3A_302 : i1
      %and3A_304 = arith.andi %ne3A_303, %ne3A_298 : i1
      %add3A_305 = arith.addi %rem3A_296, %select_n3A_295 : i32
      %select_n3A_306 = arith.select %and3A_304, %add3A_305, %rem3A_296 : i32
      %mul3A_307 = arith.constant 128 : i32
      %mul3A_308 = arith.muli %select_n3A_306, %mul3A_307 : i32
      %dma_start3A_309 = arith.constant 32 : i32
      %dma_start3A_310 = arith.constant 0 : i32
      %dma_start3A_311 = tpu.memref_slice %arg9[%dma_start3A_309, %dma_start3A_310] : memref<64x128xf32, #tpu.memory_space<vmem>> -> memref<32x128xf32, #tpu.memory_space<vmem>>
      %dma_start3A_312 = arith.constant 0 : i32
      %dma_start3A_313 = tpu.memref_slice %arg4[%dma_start3A_312, %add3A_290, %mul3A_308] : memref<64x384x384xf32, #tpu.memory_space<hbm>> -> memref<64x1x128xf32, #tpu.memory_space<hbm>>
      %dma_start3A_314 = tpu.memref_squeeze %dma_start3A_313 : memref<64x1x128xf32, #tpu.memory_space<hbm>> -> memref<64x128xf32, #tpu.memory_space<hbm>>
      %dma_start3A_315 = arith.constant 32 : i32
      %dma_start3A_316 = arith.constant 0 : i32
      %dma_start3A_317 = tpu.memref_slice %dma_start3A_314[%dma_start3A_315, %dma_start3A_316] : memref<64x128xf32, #tpu.memory_space<hbm>> -> memref<32x128xf32, #tpu.memory_space<hbm>>
      %dma_start3A_318 = arith.constant 0 : i32
      %dma_start3A_319 = tpu.memref_slice %arg4[%dma_start3A_318, %add3A_290, %mul3A_308] : memref<64x384x384xf32, #tpu.memory_space<hbm>> -> memref<64x1x128xf32, #tpu.memory_space<hbm>>
      %dma_start3A_320 = tpu.memref_squeeze %dma_start3A_319 : memref<64x1x128xf32, #tpu.memory_space<hbm>> -> memref<64x128xf32, #tpu.memory_space<hbm>>
      %dma_start3A_321 = arith.constant 32 : i32
      %dma_start3A_322 = arith.constant 0 : i32
      %dma_start3A_323 = tpu.memref_slice %dma_start3A_320[%dma_start3A_321, %dma_start3A_322] : memref<64x128xf32, #tpu.memory_space<hbm>> -> memref<32x128xf32, #tpu.memory_space<hbm>>
      %dma_start3A_324 = arith.constant 32 : i32
      %dma_start3A_325 = arith.constant 0 : i32
      %dma_start3A_326 = tpu.memref_slice %arg9[%dma_start3A_324, %dma_start3A_325] : memref<64x128xf32, #tpu.memory_space<vmem>> -> memref<32x128xf32, #tpu.memory_space<vmem>>
      tpu.enqueue_dma source(%dma_start3A_326 : memref<32x128xf32, #tpu.memory_space<vmem>>) target(%dma_start3A_323 : memref<32x128xf32, #tpu.memory_space<hbm>>) target_semaphore(%arg12 : memref<!tpu.dma_semaphore, #tpu.memory_space<semaphore_mem>>)
      %lt3A_327 = arith.constant 17 : i32
      %lt3A_328 = arith.cmpi slt, %add3A_93, %lt3A_327 : i32
      %convert_element_type3A_329 = arith.extui %lt3A_328 : i1 to i32
      %cond3A_330 = arith.constant 0 : i32
      %cond3A_331 = arith.cmpi ne, %convert_element_type3A_329, %cond3A_330 : i32
      scf.if %cond3A_331 {
        %add3A_598 = arith.constant 2 : i32
        %add3A_599 = arith.addi %mul3A_95, %add3A_598 : i32
        %jit3A_600 = arith.constant 3 : i32
        %div3A_601 = arith.divsi %add3A_599, %jit3A_600 : i32
        %sign3A_602 = arith.constant 0 : i32
        %sign3A_603 = arith.cmpi sgt, %add3A_599, %sign3A_602 : i32
        %sign3A_604 = arith.extui %sign3A_603 : i1 to i32
        %sign3A_605 = arith.constant 0 : i32
        %sign3A_606 = arith.cmpi slt, %add3A_599, %sign3A_605 : i32
        %sign3A_607 = arith.extui %sign3A_606 : i1 to i32
        %sign3A_608 = arith.subi %sign3A_604, %sign3A_607 : i32
        %sign3A_609 = arith.constant 0 : i32
        %sign3A_610 = arith.cmpi sgt, %jit3A_600, %sign3A_609 : i32
        %sign3A_611 = arith.extui %sign3A_610 : i1 to i32
        %sign3A_612 = arith.constant 0 : i32
        %sign3A_613 = arith.cmpi slt, %jit3A_600, %sign3A_612 : i32
        %sign3A_614 = arith.extui %sign3A_613 : i1 to i32
        %sign3A_615 = arith.subi %sign3A_611, %sign3A_614 : i32
        %ne3A_616 = arith.cmpi ne, %sign3A_608, %sign3A_615 : i32
        %rem3A_617 = arith.remsi %add3A_599, %jit3A_600 : i32
        %ne3A_618 = arith.constant 0 : i32
        %ne3A_619 = arith.cmpi ne, %rem3A_617, %ne3A_618 : i32
        %and3A_620 = arith.andi %ne3A_616, %ne3A_619 : i1
        %sub3A_621 = arith.constant 1 : i32
        %sub3A_622 = arith.subi %div3A_601, %sub3A_621 : i32
        %select_n3A_623 = arith.select %and3A_620, %sub3A_622, %div3A_601 : i32
        %add3A_624 = arith.addi %mul3A_2, %select_n3A_623 : i32
        %jit3A_625 = arith.constant 3 : i32
        %eq3A_626 = arith.constant 0 : i32
        %eq3A_627 = arith.cmpi eq, %jit3A_625, %eq3A_626 : i32
        %jit3A_628 = arith.constant 1 : i32
        %select_n3A_629 = arith.select %eq3A_627, %jit3A_628, %jit3A_625 : i32
        %rem3A_630 = arith.remsi %add3A_599, %select_n3A_629 : i32
        %ne3A_631 = arith.constant 0 : i32
        %ne3A_632 = arith.cmpi ne, %rem3A_630, %ne3A_631 : i32
        %lt3A_633 = arith.constant 0 : i32
        %lt3A_634 = arith.cmpi slt, %rem3A_630, %lt3A_633 : i32
        %lt3A_635 = arith.constant 0 : i32
        %lt3A_636 = arith.cmpi slt, %select_n3A_629, %lt3A_635 : i32
        %ne3A_637 = arith.xori %lt3A_634, %lt3A_636 : i1
        %and3A_638 = arith.andi %ne3A_637, %ne3A_632 : i1
        %add3A_639 = arith.addi %rem3A_630, %select_n3A_629 : i32
        %select_n3A_640 = arith.select %and3A_638, %add3A_639, %rem3A_630 : i32
        %mul3A_641 = arith.constant 128 : i32
        %mul3A_642 = arith.muli %select_n3A_640, %mul3A_641 : i32
        %dma_start3A_643 = arith.constant 0 : i32
        %dma_start3A_644 = tpu.memref_slice %arg2[%dma_start3A_643, %add3A_624, %mul3A_642] : memref<192x384x384xf32, #tpu.memory_space<hbm>> -> memref<192x1x128xf32, #tpu.memory_space<hbm>>
        %dma_start3A_645 = tpu.memref_squeeze %dma_start3A_644 : memref<192x1x128xf32, #tpu.memory_space<hbm>> -> memref<192x128xf32, #tpu.memory_space<hbm>>
        %dma_start3A_646 = arith.constant 0 : i32
        %dma_start3A_647 = tpu.memref_slice %arg2[%dma_start3A_646, %add3A_624, %mul3A_642] : memref<192x384x384xf32, #tpu.memory_space<hbm>> -> memref<192x1x128xf32, #tpu.memory_space<hbm>>
        %dma_start3A_648 = tpu.memref_squeeze %dma_start3A_647 : memref<192x1x128xf32, #tpu.memory_space<hbm>> -> memref<192x128xf32, #tpu.memory_space<hbm>>
        tpu.enqueue_dma source(%dma_start3A_648 : memref<192x128xf32, #tpu.memory_space<hbm>>) target(%arg5 : memref<192x128xf32, #tpu.memory_space<vmem>>) target_semaphore(%arg10 : memref<!tpu.dma_semaphore, #tpu.memory_space<semaphore_mem>>)
        %dma_start3A_649 = arith.constant 0 : i32
        %dma_start3A_650 = tpu.memref_slice %arg3[%add3A_624, %mul3A_642, %dma_start3A_649] : memref<384x384x192xi32, #tpu.memory_space<hbm>> -> memref<1x128x192xi32, #tpu.memory_space<hbm>>
        %dma_start3A_651 = tpu.memref_squeeze %dma_start3A_650 : memref<1x128x192xi32, #tpu.memory_space<hbm>> -> memref<128x192xi32, #tpu.memory_space<hbm>>
        %dma_start3A_652 = arith.constant 0 : i32
        %dma_start3A_653 = tpu.memref_slice %arg3[%add3A_624, %mul3A_642, %dma_start3A_652] : memref<384x384x192xi32, #tpu.memory_space<hbm>> -> memref<1x128x192xi32, #tpu.memory_space<hbm>>
        %dma_start3A_654 = tpu.memref_squeeze %dma_start3A_653 : memref<1x128x192xi32, #tpu.memory_space<hbm>> -> memref<128x192xi32, #tpu.memory_space<hbm>>
        tpu.enqueue_dma source(%dma_start3A_654 : memref<128x192xi32, #tpu.memory_space<hbm>>) target(%arg7 : memref<128x192xi32, #tpu.memory_space<vmem>>) target_semaphore(%arg10 : memref<!tpu.dma_semaphore, #tpu.memory_space<semaphore_mem>>)
      } else {
      }
      %add3A_332 = arith.constant 1 : i32
      %add3A_333 = arith.addi %mul3A_95, %add3A_332 : i32
      %jit3A_334 = arith.constant 3 : i32
      %div3A_335 = arith.divsi %add3A_333, %jit3A_334 : i32
      %sign3A_336 = arith.constant 0 : i32
      %sign3A_337 = arith.cmpi sgt, %add3A_333, %sign3A_336 : i32
      %sign3A_338 = arith.extui %sign3A_337 : i1 to i32
      %sign3A_339 = arith.constant 0 : i32
      %sign3A_340 = arith.cmpi slt, %add3A_333, %sign3A_339 : i32
      %sign3A_341 = arith.extui %sign3A_340 : i1 to i32
      %sign3A_342 = arith.subi %sign3A_338, %sign3A_341 : i32
      %sign3A_343 = arith.constant 0 : i32
      %sign3A_344 = arith.cmpi sgt, %jit3A_334, %sign3A_343 : i32
      %sign3A_345 = arith.extui %sign3A_344 : i1 to i32
      %sign3A_346 = arith.constant 0 : i32
      %sign3A_347 = arith.cmpi slt, %jit3A_334, %sign3A_346 : i32
      %sign3A_348 = arith.extui %sign3A_347 : i1 to i32
      %sign3A_349 = arith.subi %sign3A_345, %sign3A_348 : i32
      %ne3A_350 = arith.cmpi ne, %sign3A_342, %sign3A_349 : i32
      %rem3A_351 = arith.remsi %add3A_333, %jit3A_334 : i32
      %ne3A_352 = arith.constant 0 : i32
      %ne3A_353 = arith.cmpi ne, %rem3A_351, %ne3A_352 : i32
      %and3A_354 = arith.andi %ne3A_350, %ne3A_353 : i1
      %sub3A_355 = arith.constant 1 : i32
      %sub3A_356 = arith.subi %div3A_335, %sub3A_355 : i32
      %select_n3A_357 = arith.select %and3A_354, %sub3A_356, %div3A_335 : i32
      %add3A_358 = arith.addi %mul3A_2, %select_n3A_357 : i32
      %jit3A_359 = arith.constant 3 : i32
      %eq3A_360 = arith.constant 0 : i32
      %eq3A_361 = arith.cmpi eq, %jit3A_359, %eq3A_360 : i32
      %jit3A_362 = arith.constant 1 : i32
      %select_n3A_363 = arith.select %eq3A_361, %jit3A_362, %jit3A_359 : i32
      %rem3A_364 = arith.remsi %add3A_333, %select_n3A_363 : i32
      %ne3A_365 = arith.constant 0 : i32
      %ne3A_366 = arith.cmpi ne, %rem3A_364, %ne3A_365 : i32
      %lt3A_367 = arith.constant 0 : i32
      %lt3A_368 = arith.cmpi slt, %rem3A_364, %lt3A_367 : i32
      %lt3A_369 = arith.constant 0 : i32
      %lt3A_370 = arith.cmpi slt, %select_n3A_363, %lt3A_369 : i32
      %ne3A_371 = arith.xori %lt3A_368, %lt3A_370 : i1
      %and3A_372 = arith.andi %ne3A_371, %ne3A_366 : i1
      %add3A_373 = arith.addi %rem3A_364, %select_n3A_363 : i32
      %select_n3A_374 = arith.select %and3A_372, %add3A_373, %rem3A_364 : i32
      %mul3A_375 = arith.constant 128 : i32
      %mul3A_376 = arith.muli %select_n3A_374, %mul3A_375 : i32
      %dma_wait3A_377 = arith.constant 0 : i32
      %dma_wait3A_378 = tpu.memref_slice %arg2[%dma_wait3A_377, %add3A_358, %mul3A_376] : memref<192x384x384xf32, #tpu.memory_space<hbm>> -> memref<192x1x128xf32, #tpu.memory_space<hbm>>
      %dma_wait3A_379 = tpu.memref_squeeze %dma_wait3A_378 : memref<192x1x128xf32, #tpu.memory_space<hbm>> -> memref<192x128xf32, #tpu.memory_space<hbm>>
      %dma_wait3A_380 = arith.constant 0 : i32
      %dma_wait3A_381 = tpu.memref_slice %arg2[%dma_wait3A_380, %add3A_358, %mul3A_376] : memref<192x384x384xf32, #tpu.memory_space<hbm>> -> memref<192x1x128xf32, #tpu.memory_space<hbm>>
      %dma_wait3A_382 = tpu.memref_squeeze %dma_wait3A_381 : memref<192x1x128xf32, #tpu.memory_space<hbm>> -> memref<192x128xf32, #tpu.memory_space<hbm>>
      tpu.wait_dma2 semaphore(%arg11 : memref<!tpu.dma_semaphore, #tpu.memory_space<semaphore_mem>>) src(%dma_wait3A_382 : memref<192x128xf32, #tpu.memory_space<hbm>>) dst(%arg6 : memref<192x128xf32, #tpu.memory_space<vmem>>)
      %dma_wait3A_383 = arith.constant 0 : i32
      %dma_wait3A_384 = tpu.memref_slice %arg3[%add3A_358, %mul3A_376, %dma_wait3A_383] : memref<384x384x192xi32, #tpu.memory_space<hbm>> -> memref<1x128x192xi32, #tpu.memory_space<hbm>>
      %dma_wait3A_385 = tpu.memref_squeeze %dma_wait3A_384 : memref<1x128x192xi32, #tpu.memory_space<hbm>> -> memref<128x192xi32, #tpu.memory_space<hbm>>
      %dma_wait3A_386 = arith.constant 0 : i32
      %dma_wait3A_387 = tpu.memref_slice %arg3[%add3A_358, %mul3A_376, %dma_wait3A_386] : memref<384x384x192xi32, #tpu.memory_space<hbm>> -> memref<1x128x192xi32, #tpu.memory_space<hbm>>
      %dma_wait3A_388 = tpu.memref_squeeze %dma_wait3A_387 : memref<1x128x192xi32, #tpu.memory_space<hbm>> -> memref<128x192xi32, #tpu.memory_space<hbm>>
      tpu.wait_dma2 semaphore(%arg11 : memref<!tpu.dma_semaphore, #tpu.memory_space<semaphore_mem>>) src(%dma_wait3A_388 : memref<128x192xi32, #tpu.memory_space<hbm>>) dst(%arg8 : memref<128x192xi32, #tpu.memory_space<vmem>>)
      %jit3A_389 = arith.constant 3 : i32
      %div3A_390 = arith.divsi %mul3A_95, %jit3A_389 : i32
      %sign3A_391 = arith.constant 0 : i32
      %sign3A_392 = arith.cmpi sgt, %mul3A_95, %sign3A_391 : i32
      %sign3A_393 = arith.extui %sign3A_392 : i1 to i32
      %sign3A_394 = arith.constant 0 : i32
      %sign3A_395 = arith.cmpi slt, %mul3A_95, %sign3A_394 : i32
      %sign3A_396 = arith.extui %sign3A_395 : i1 to i32
      %sign3A_397 = arith.subi %sign3A_393, %sign3A_396 : i32
      %sign3A_398 = arith.constant 0 : i32
      %sign3A_399 = arith.cmpi sgt, %jit3A_389, %sign3A_398 : i32
      %sign3A_400 = arith.extui %sign3A_399 : i1 to i32
      %sign3A_401 = arith.constant 0 : i32
      %sign3A_402 = arith.cmpi slt, %jit3A_389, %sign3A_401 : i32
      %sign3A_403 = arith.extui %sign3A_402 : i1 to i32
      %sign3A_404 = arith.subi %sign3A_400, %sign3A_403 : i32
      %ne3A_405 = arith.cmpi ne, %sign3A_397, %sign3A_404 : i32
      %rem3A_406 = arith.remsi %mul3A_95, %jit3A_389 : i32
      %ne3A_407 = arith.constant 0 : i32
      %ne3A_408 = arith.cmpi ne, %rem3A_406, %ne3A_407 : i32
      %and3A_409 = arith.andi %ne3A_405, %ne3A_408 : i1
      %sub3A_410 = arith.constant 1 : i32
      %sub3A_411 = arith.subi %div3A_390, %sub3A_410 : i32
      %select_n3A_412 = arith.select %and3A_409, %sub3A_411, %div3A_390 : i32
      %add3A_413 = arith.addi %mul3A_2, %select_n3A_412 : i32
      %jit3A_414 = arith.constant 3 : i32
      %eq3A_415 = arith.constant 0 : i32
      %eq3A_416 = arith.cmpi eq, %jit3A_414, %eq3A_415 : i32
      %jit3A_417 = arith.constant 1 : i32
      %select_n3A_418 = arith.select %eq3A_416, %jit3A_417, %jit3A_414 : i32
      %rem3A_419 = arith.remsi %mul3A_95, %select_n3A_418 : i32
      %ne3A_420 = arith.constant 0 : i32
      %ne3A_421 = arith.cmpi ne, %rem3A_419, %ne3A_420 : i32
      %lt3A_422 = arith.constant 0 : i32
      %lt3A_423 = arith.cmpi slt, %rem3A_419, %lt3A_422 : i32
      %lt3A_424 = arith.constant 0 : i32
      %lt3A_425 = arith.cmpi slt, %select_n3A_418, %lt3A_424 : i32
      %ne3A_426 = arith.xori %lt3A_423, %lt3A_425 : i1
      %and3A_427 = arith.andi %ne3A_426, %ne3A_421 : i1
      %add3A_428 = arith.addi %rem3A_419, %select_n3A_418 : i32
      %select_n3A_429 = arith.select %and3A_427, %add3A_428, %rem3A_419 : i32
      %mul3A_430 = arith.constant 128 : i32
      %mul3A_431 = arith.muli %select_n3A_429, %mul3A_430 : i32
      %dma_wait3A_432 = arith.constant 0 : i32
      %dma_wait3A_433 = arith.constant 0 : i32
      %dma_wait3A_434 = tpu.memref_slice %arg9[%dma_wait3A_432, %dma_wait3A_433] : memref<64x128xf32, #tpu.memory_space<vmem>> -> memref<32x128xf32, #tpu.memory_space<vmem>>
      %dma_wait3A_435 = arith.constant 0 : i32
      %dma_wait3A_436 = tpu.memref_slice %arg4[%dma_wait3A_435, %add3A_413, %mul3A_431] : memref<64x384x384xf32, #tpu.memory_space<hbm>> -> memref<64x1x128xf32, #tpu.memory_space<hbm>>
      %dma_wait3A_437 = tpu.memref_squeeze %dma_wait3A_436 : memref<64x1x128xf32, #tpu.memory_space<hbm>> -> memref<64x128xf32, #tpu.memory_space<hbm>>
      %dma_wait3A_438 = arith.constant 0 : i32
      %dma_wait3A_439 = arith.constant 0 : i32
      %dma_wait3A_440 = tpu.memref_slice %dma_wait3A_437[%dma_wait3A_438, %dma_wait3A_439] : memref<64x128xf32, #tpu.memory_space<hbm>> -> memref<32x128xf32, #tpu.memory_space<hbm>>
      %dma_wait3A_441 = arith.constant 0 : i32
      %dma_wait3A_442 = tpu.memref_slice %arg4[%dma_wait3A_441, %add3A_413, %mul3A_431] : memref<64x384x384xf32, #tpu.memory_space<hbm>> -> memref<64x1x128xf32, #tpu.memory_space<hbm>>
      %dma_wait3A_443 = tpu.memref_squeeze %dma_wait3A_442 : memref<64x1x128xf32, #tpu.memory_space<hbm>> -> memref<64x128xf32, #tpu.memory_space<hbm>>
      %dma_wait3A_444 = arith.constant 0 : i32
      %dma_wait3A_445 = arith.constant 0 : i32
      %dma_wait3A_446 = tpu.memref_slice %dma_wait3A_443[%dma_wait3A_444, %dma_wait3A_445] : memref<64x128xf32, #tpu.memory_space<hbm>> -> memref<32x128xf32, #tpu.memory_space<hbm>>
      %dma_wait3A_447 = arith.constant 0 : i32
      %dma_wait3A_448 = arith.constant 0 : i32
      %dma_wait3A_449 = tpu.memref_slice %arg9[%dma_wait3A_447, %dma_wait3A_448] : memref<64x128xf32, #tpu.memory_space<vmem>> -> memref<32x128xf32, #tpu.memory_space<vmem>>
      tpu.wait_dma2 semaphore(%arg12 : memref<!tpu.dma_semaphore, #tpu.memory_space<semaphore_mem>>) src(%dma_wait3A_449 : memref<32x128xf32, #tpu.memory_space<vmem>>) dst(%dma_wait3A_446 : memref<32x128xf32, #tpu.memory_space<hbm>>)
      %dma_wait3A_450 = arith.constant 32 : i32
      %dma_wait3A_451 = arith.constant 0 : i32
      %dma_wait3A_452 = tpu.memref_slice %arg9[%dma_wait3A_450, %dma_wait3A_451] : memref<64x128xf32, #tpu.memory_space<vmem>> -> memref<32x128xf32, #tpu.memory_space<vmem>>
      %dma_wait3A_453 = arith.constant 0 : i32
      %dma_wait3A_454 = tpu.memref_slice %arg4[%dma_wait3A_453, %add3A_413, %mul3A_431] : memref<64x384x384xf32, #tpu.memory_space<hbm>> -> memref<64x1x128xf32, #tpu.memory_space<hbm>>
      %dma_wait3A_455 = tpu.memref_squeeze %dma_wait3A_454 : memref<64x1x128xf32, #tpu.memory_space<hbm>> -> memref<64x128xf32, #tpu.memory_space<hbm>>
      %dma_wait3A_456 = arith.constant 32 : i32
      %dma_wait3A_457 = arith.constant 0 : i32
      %dma_wait3A_458 = tpu.memref_slice %dma_wait3A_455[%dma_wait3A_456, %dma_wait3A_457] : memref<64x128xf32, #tpu.memory_space<hbm>> -> memref<32x128xf32, #tpu.memory_space<hbm>>
      %dma_wait3A_459 = arith.constant 0 : i32
      %dma_wait3A_460 = tpu.memref_slice %arg4[%dma_wait3A_459, %add3A_413, %mul3A_431] : memref<64x384x384xf32, #tpu.memory_space<hbm>> -> memref<64x1x128xf32, #tpu.memory_space<hbm>>
      %dma_wait3A_461 = tpu.memref_squeeze %dma_wait3A_460 : memref<64x1x128xf32, #tpu.memory_space<hbm>> -> memref<64x128xf32, #tpu.memory_space<hbm>>
      %dma_wait3A_462 = arith.constant 32 : i32
      %dma_wait3A_463 = arith.constant 0 : i32
      %dma_wait3A_464 = tpu.memref_slice %dma_wait3A_461[%dma_wait3A_462, %dma_wait3A_463] : memref<64x128xf32, #tpu.memory_space<hbm>> -> memref<32x128xf32, #tpu.memory_space<hbm>>
      %dma_wait3A_465 = arith.constant 32 : i32
      %dma_wait3A_466 = arith.constant 0 : i32
      %dma_wait3A_467 = tpu.memref_slice %arg9[%dma_wait3A_465, %dma_wait3A_466] : memref<64x128xf32, #tpu.memory_space<vmem>> -> memref<32x128xf32, #tpu.memory_space<vmem>>
      tpu.wait_dma2 semaphore(%arg12 : memref<!tpu.dma_semaphore, #tpu.memory_space<semaphore_mem>>) src(%dma_wait3A_467 : memref<32x128xf32, #tpu.memory_space<vmem>>) dst(%dma_wait3A_464 : memref<32x128xf32, #tpu.memory_space<hbm>>)
      %add3A_468 = arith.constant 1 : i32
      %add3A_469 = arith.addi %mul3A_95, %add3A_468 : i32
      %parallel_loop3A_470 = arith.constant 0 : i32
      %parallel_loop3A_471 = arith.constant 32 : i32
      %parallel_loop3A_472 = arith.constant 1 : i32
      scf.for %parallel_loop3A_598 = %parallel_loop3A_470 to %parallel_loop3A_471 step %parallel_loop3A_472  : i32 {
        %parallel_loop3A_599 = arith.constant 128 : i32
        %parallel_loop3A_600 = arith.addi %parallel_loop3A_599, %parallel_loop3A_598 : i32
        %parallel_loop3A_601 = vector.broadcast %parallel_loop3A_600 : i32 to vector<16xi32>
        %parallel_loop3A_602 = tpu.vector_load_idx %arg8[%add3A_5, %parallel_loop3A_601] : memref<128x192xi32, #tpu.memory_space<vmem>>[vector<16xi32>, vector<16xi32>], vector<16xi32>,
        %parallel_loop3A_603 = tpu.vector_load_idx %arg6[%parallel_loop3A_602, %add3A_5] : memref<192x128xf32, #tpu.memory_space<vmem>>[vector<16xi32>, vector<16xi32>], vector<16xf32>,
        %parallel_loop3A_604 = arith.index_cast %parallel_loop3A_598 : i32 to index
        %parallel_loop3A_605 = arith.constant 0 : index
        %parallel_loop3A_606 = tpu.vector_load %arg9[%parallel_loop3A_604, %parallel_loop3A_605] {strides = array<i32>} : memref<64x128xf32, #tpu.memory_space<vmem>>, vector<16xf32>,
        tpu.vector_store %arg9[%parallel_loop3A_604, %parallel_loop3A_605], %parallel_loop3A_603 {strides = array<i32>} : memref<64x128xf32, #tpu.memory_space<vmem>>, vector<16xf32>,
        %parallel_loop3A_607 = tpu.vector_load_idx %arg8[%add3A_8, %parallel_loop3A_601] : memref<128x192xi32, #tpu.memory_space<vmem>>[vector<16xi32>, vector<16xi32>], vector<16xi32>,
        %parallel_loop3A_608 = tpu.vector_load_idx %arg6[%parallel_loop3A_607, %add3A_8] : memref<192x128xf32, #tpu.memory_space<vmem>>[vector<16xi32>, vector<16xi32>], vector<16xf32>,
        %parallel_loop3A_609 = arith.index_cast %parallel_loop3A_598 : i32 to index
        %parallel_loop3A_610 = arith.constant 16 : index
        %parallel_loop3A_611 = tpu.vector_load %arg9[%parallel_loop3A_609, %parallel_loop3A_610] {strides = array<i32>} : memref<64x128xf32, #tpu.memory_space<vmem>>, vector<16xf32>,
        tpu.vector_store %arg9[%parallel_loop3A_609, %parallel_loop3A_610], %parallel_loop3A_608 {strides = array<i32>} : memref<64x128xf32, #tpu.memory_space<vmem>>, vector<16xf32>,
        %parallel_loop3A_612 = tpu.vector_load_idx %arg8[%add3A_11, %parallel_loop3A_601] : memref<128x192xi32, #tpu.memory_space<vmem>>[vector<16xi32>, vector<16xi32>], vector<16xi32>,
        %parallel_loop3A_613 = tpu.vector_load_idx %arg6[%parallel_loop3A_612, %add3A_11] : memref<192x128xf32, #tpu.memory_space<vmem>>[vector<16xi32>, vector<16xi32>], vector<16xf32>,
        %parallel_loop3A_614 = arith.index_cast %parallel_loop3A_598 : i32 to index
        %parallel_loop3A_615 = arith.constant 32 : index
        %parallel_loop3A_616 = tpu.vector_load %arg9[%parallel_loop3A_614, %parallel_loop3A_615] {strides = array<i32>} : memref<64x128xf32, #tpu.memory_space<vmem>>, vector<16xf32>,
        tpu.vector_store %arg9[%parallel_loop3A_614, %parallel_loop3A_615], %parallel_loop3A_613 {strides = array<i32>} : memref<64x128xf32, #tpu.memory_space<vmem>>, vector<16xf32>,
        %parallel_loop3A_617 = tpu.vector_load_idx %arg8[%add3A_14, %parallel_loop3A_601] : memref<128x192xi32, #tpu.memory_space<vmem>>[vector<16xi32>, vector<16xi32>], vector<16xi32>,
        %parallel_loop3A_618 = tpu.vector_load_idx %arg6[%parallel_loop3A_617, %add3A_14] : memref<192x128xf32, #tpu.memory_space<vmem>>[vector<16xi32>, vector<16xi32>], vector<16xf32>,
        %parallel_loop3A_619 = arith.index_cast %parallel_loop3A_598 : i32 to index
        %parallel_loop3A_620 = arith.constant 48 : index
        %parallel_loop3A_621 = tpu.vector_load %arg9[%parallel_loop3A_619, %parallel_loop3A_620] {strides = array<i32>} : memref<64x128xf32, #tpu.memory_space<vmem>>, vector<16xf32>,
        tpu.vector_store %arg9[%parallel_loop3A_619, %parallel_loop3A_620], %parallel_loop3A_618 {strides = array<i32>} : memref<64x128xf32, #tpu.memory_space<vmem>>, vector<16xf32>,
        %parallel_loop3A_622 = tpu.vector_load_idx %arg8[%add3A_17, %parallel_loop3A_601] : memref<128x192xi32, #tpu.memory_space<vmem>>[vector<16xi32>, vector<16xi32>], vector<16xi32>,
        %parallel_loop3A_623 = tpu.vector_load_idx %arg6[%parallel_loop3A_622, %add3A_17] : memref<192x128xf32, #tpu.memory_space<vmem>>[vector<16xi32>, vector<16xi32>], vector<16xf32>,
        %parallel_loop3A_624 = arith.index_cast %parallel_loop3A_598 : i32 to index
        %parallel_loop3A_625 = arith.constant 64 : index
        %parallel_loop3A_626 = tpu.vector_load %arg9[%parallel_loop3A_624, %parallel_loop3A_625] {strides = array<i32>} : memref<64x128xf32, #tpu.memory_space<vmem>>, vector<16xf32>,
        tpu.vector_store %arg9[%parallel_loop3A_624, %parallel_loop3A_625], %parallel_loop3A_623 {strides = array<i32>} : memref<64x128xf32, #tpu.memory_space<vmem>>, vector<16xf32>,
        %parallel_loop3A_627 = tpu.vector_load_idx %arg8[%add3A_20, %parallel_loop3A_601] : memref<128x192xi32, #tpu.memory_space<vmem>>[vector<16xi32>, vector<16xi32>], vector<16xi32>,
        %parallel_loop3A_628 = tpu.vector_load_idx %arg6[%parallel_loop3A_627, %add3A_20] : memref<192x128xf32, #tpu.memory_space<vmem>>[vector<16xi32>, vector<16xi32>], vector<16xf32>,
        %parallel_loop3A_629 = arith.index_cast %parallel_loop3A_598 : i32 to index
        %parallel_loop3A_630 = arith.constant 80 : index
        %parallel_loop3A_631 = tpu.vector_load %arg9[%parallel_loop3A_629, %parallel_loop3A_630] {strides = array<i32>} : memref<64x128xf32, #tpu.memory_space<vmem>>, vector<16xf32>,
        tpu.vector_store %arg9[%parallel_loop3A_629, %parallel_loop3A_630], %parallel_loop3A_628 {strides = array<i32>} : memref<64x128xf32, #tpu.memory_space<vmem>>, vector<16xf32>,
        %parallel_loop3A_632 = tpu.vector_load_idx %arg8[%add3A_23, %parallel_loop3A_601] : memref<128x192xi32, #tpu.memory_space<vmem>>[vector<16xi32>, vector<16xi32>], vector<16xi32>,
        %parallel_loop3A_633 = tpu.vector_load_idx %arg6[%parallel_loop3A_632, %add3A_23] : memref<192x128xf32, #tpu.memory_space<vmem>>[vector<16xi32>, vector<16xi32>], vector<16xf32>,
        %parallel_loop3A_634 = arith.index_cast %parallel_loop3A_598 : i32 to index
        %parallel_loop3A_635 = arith.constant 96 : index
        %parallel_loop3A_636 = tpu.vector_load %arg9[%parallel_loop3A_634, %parallel_loop3A_635] {strides = array<i32>} : memref<64x128xf32, #tpu.memory_space<vmem>>, vector<16xf32>,
        tpu.vector_store %arg9[%parallel_loop3A_634, %parallel_loop3A_635], %parallel_loop3A_633 {strides = array<i32>} : memref<64x128xf32, #tpu.memory_space<vmem>>, vector<16xf32>,
        %parallel_loop3A_637 = tpu.vector_load_idx %arg8[%add3A_26, %parallel_loop3A_601] : memref<128x192xi32, #tpu.memory_space<vmem>>[vector<16xi32>, vector<16xi32>], vector<16xi32>,
        %parallel_loop3A_638 = tpu.vector_load_idx %arg6[%parallel_loop3A_637, %add3A_26] : memref<192x128xf32, #tpu.memory_space<vmem>>[vector<16xi32>, vector<16xi32>], vector<16xf32>,
        %parallel_loop3A_639 = arith.index_cast %parallel_loop3A_598 : i32 to index
        %parallel_loop3A_640 = arith.constant 112 : index
        %parallel_loop3A_641 = tpu.vector_load %arg9[%parallel_loop3A_639, %parallel_loop3A_640] {strides = array<i32>} : memref<64x128xf32, #tpu.memory_space<vmem>>, vector<16xf32>,
        tpu.vector_store %arg9[%parallel_loop3A_639, %parallel_loop3A_640], %parallel_loop3A_638 {strides = array<i32>} : memref<64x128xf32, #tpu.memory_space<vmem>>, vector<16xf32>,
      } {sc.loop_unroll_factor = 2 : i64, sc.parallel_access}
      %jit3A_473 = arith.constant 3 : i32
      %div3A_474 = arith.divsi %add3A_469, %jit3A_473 : i32
      %sign3A_475 = arith.constant 0 : i32
      %sign3A_476 = arith.cmpi sgt, %add3A_469, %sign3A_475 : i32
      %sign3A_477 = arith.extui %sign3A_476 : i1 to i32
      %sign3A_478 = arith.constant 0 : i32
      %sign3A_479 = arith.cmpi slt, %add3A_469, %sign3A_478 : i32
      %sign3A_480 = arith.extui %sign3A_479 : i1 to i32
      %sign3A_481 = arith.subi %sign3A_477, %sign3A_480 : i32
      %sign3A_482 = arith.constant 0 : i32
      %sign3A_483 = arith.cmpi sgt, %jit3A_473, %sign3A_482 : i32
      %sign3A_484 = arith.extui %sign3A_483 : i1 to i32
      %sign3A_485 = arith.constant 0 : i32
      %sign3A_486 = arith.cmpi slt, %jit3A_473, %sign3A_485 : i32
      %sign3A_487 = arith.extui %sign3A_486 : i1 to i32
      %sign3A_488 = arith.subi %sign3A_484, %sign3A_487 : i32
      %ne3A_489 = arith.cmpi ne, %sign3A_481, %sign3A_488 : i32
      %rem3A_490 = arith.remsi %add3A_469, %jit3A_473 : i32
      %ne3A_491 = arith.constant 0 : i32
      %ne3A_492 = arith.cmpi ne, %rem3A_490, %ne3A_491 : i32
      %and3A_493 = arith.andi %ne3A_489, %ne3A_492 : i1
      %sub3A_494 = arith.constant 1 : i32
      %sub3A_495 = arith.subi %div3A_474, %sub3A_494 : i32
      %select_n3A_496 = arith.select %and3A_493, %sub3A_495, %div3A_474 : i32
      %add3A_497 = arith.addi %mul3A_2, %select_n3A_496 : i32
      %jit3A_498 = arith.constant 3 : i32
      %eq3A_499 = arith.constant 0 : i32
      %eq3A_500 = arith.cmpi eq, %jit3A_498, %eq3A_499 : i32
      %jit3A_501 = arith.constant 1 : i32
      %select_n3A_502 = arith.select %eq3A_500, %jit3A_501, %jit3A_498 : i32
      %rem3A_503 = arith.remsi %add3A_469, %select_n3A_502 : i32
      %ne3A_504 = arith.constant 0 : i32
      %ne3A_505 = arith.cmpi ne, %rem3A_503, %ne3A_504 : i32
      %lt3A_506 = arith.constant 0 : i32
      %lt3A_507 = arith.cmpi slt, %rem3A_503, %lt3A_506 : i32
      %lt3A_508 = arith.constant 0 : i32
      %lt3A_509 = arith.cmpi slt, %select_n3A_502, %lt3A_508 : i32
      %ne3A_510 = arith.xori %lt3A_507, %lt3A_509 : i1
      %and3A_511 = arith.andi %ne3A_510, %ne3A_505 : i1
      %add3A_512 = arith.addi %rem3A_503, %select_n3A_502 : i32
      %select_n3A_513 = arith.select %and3A_511, %add3A_512, %rem3A_503 : i32
      %mul3A_514 = arith.constant 128 : i32
      %mul3A_515 = arith.muli %select_n3A_513, %mul3A_514 : i32
      %dma_start3A_516 = arith.constant 0 : i32
      %dma_start3A_517 = arith.constant 0 : i32
      %dma_start3A_518 = tpu.memref_slice %arg9[%dma_start3A_516, %dma_start3A_517] : memref<64x128xf32, #tpu.memory_space<vmem>> -> memref<32x128xf32, #tpu.memory_space<vmem>>
      %dma_start3A_519 = arith.constant 0 : i32
      %dma_start3A_520 = tpu.memref_slice %arg4[%dma_start3A_519, %add3A_497, %mul3A_515] : memref<64x384x384xf32, #tpu.memory_space<hbm>> -> memref<64x1x128xf32, #tpu.memory_space<hbm>>
      %dma_start3A_521 = tpu.memref_squeeze %dma_start3A_520 : memref<64x1x128xf32, #tpu.memory_space<hbm>> -> memref<64x128xf32, #tpu.memory_space<hbm>>
      %dma_start3A_522 = arith.constant 0 : i32
      %dma_start3A_523 = arith.constant 0 : i32
      %dma_start3A_524 = tpu.memref_slice %dma_start3A_521[%dma_start3A_522, %dma_start3A_523] : memref<64x128xf32, #tpu.memory_space<hbm>> -> memref<32x128xf32, #tpu.memory_space<hbm>>
      %dma_start3A_525 = arith.constant 0 : i32
      %dma_start3A_526 = tpu.memref_slice %arg4[%dma_start3A_525, %add3A_497, %mul3A_515] : memref<64x384x384xf32, #tpu.memory_space<hbm>> -> memref<64x1x128xf32, #tpu.memory_space<hbm>>
      %dma_start3A_527 = tpu.memref_squeeze %dma_start3A_526 : memref<64x1x128xf32, #tpu.memory_space<hbm>> -> memref<64x128xf32, #tpu.memory_space<hbm>>
      %dma_start3A_528 = arith.constant 0 : i32
      %dma_start3A_529 = arith.constant 0 : i32
      %dma_start3A_530 = tpu.memref_slice %dma_start3A_527[%dma_start3A_528, %dma_start3A_529] : memref<64x128xf32, #tpu.memory_space<hbm>> -> memref<32x128xf32, #tpu.memory_space<hbm>>
      %dma_start3A_531 = arith.constant 0 : i32
      %dma_start3A_532 = arith.constant 0 : i32
      %dma_start3A_533 = tpu.memref_slice %arg9[%dma_start3A_531, %dma_start3A_532] : memref<64x128xf32, #tpu.memory_space<vmem>> -> memref<32x128xf32, #tpu.memory_space<vmem>>
      tpu.enqueue_dma source(%dma_start3A_533 : memref<32x128xf32, #tpu.memory_space<vmem>>) target(%dma_start3A_530 : memref<32x128xf32, #tpu.memory_space<hbm>>) target_semaphore(%arg12 : memref<!tpu.dma_semaphore, #tpu.memory_space<semaphore_mem>>)
      %parallel_loop3A_534 = arith.constant 32 : i32
      %parallel_loop3A_535 = arith.constant 64 : i32
      %parallel_loop3A_536 = arith.constant 1 : i32
      scf.for %parallel_loop3A_598 = %parallel_loop3A_534 to %parallel_loop3A_535 step %parallel_loop3A_536  : i32 {
        %parallel_loop3A_599 = arith.constant 128 : i32
        %parallel_loop3A_600 = arith.addi %parallel_loop3A_599, %parallel_loop3A_598 : i32
        %parallel_loop3A_601 = vector.broadcast %parallel_loop3A_600 : i32 to vector<16xi32>
        %parallel_loop3A_602 = tpu.vector_load_idx %arg8[%add3A_5, %parallel_loop3A_601] : memref<128x192xi32, #tpu.memory_space<vmem>>[vector<16xi32>, vector<16xi32>], vector<16xi32>,
        %parallel_loop3A_603 = tpu.vector_load_idx %arg6[%parallel_loop3A_602, %add3A_5] : memref<192x128xf32, #tpu.memory_space<vmem>>[vector<16xi32>, vector<16xi32>], vector<16xf32>,
        %parallel_loop3A_604 = arith.index_cast %parallel_loop3A_598 : i32 to index
        %parallel_loop3A_605 = arith.constant 0 : index
        %parallel_loop3A_606 = tpu.vector_load %arg9[%parallel_loop3A_604, %parallel_loop3A_605] {strides = array<i32>} : memref<64x128xf32, #tpu.memory_space<vmem>>, vector<16xf32>,
        tpu.vector_store %arg9[%parallel_loop3A_604, %parallel_loop3A_605], %parallel_loop3A_603 {strides = array<i32>} : memref<64x128xf32, #tpu.memory_space<vmem>>, vector<16xf32>,
        %parallel_loop3A_607 = tpu.vector_load_idx %arg8[%add3A_8, %parallel_loop3A_601] : memref<128x192xi32, #tpu.memory_space<vmem>>[vector<16xi32>, vector<16xi32>], vector<16xi32>,
        %parallel_loop3A_608 = tpu.vector_load_idx %arg6[%parallel_loop3A_607, %add3A_8] : memref<192x128xf32, #tpu.memory_space<vmem>>[vector<16xi32>, vector<16xi32>], vector<16xf32>,
        %parallel_loop3A_609 = arith.index_cast %parallel_loop3A_598 : i32 to index
        %parallel_loop3A_610 = arith.constant 16 : index
        %parallel_loop3A_611 = tpu.vector_load %arg9[%parallel_loop3A_609, %parallel_loop3A_610] {strides = array<i32>} : memref<64x128xf32, #tpu.memory_space<vmem>>, vector<16xf32>,
        tpu.vector_store %arg9[%parallel_loop3A_609, %parallel_loop3A_610], %parallel_loop3A_608 {strides = array<i32>} : memref<64x128xf32, #tpu.memory_space<vmem>>, vector<16xf32>,
        %parallel_loop3A_612 = tpu.vector_load_idx %arg8[%add3A_11, %parallel_loop3A_601] : memref<128x192xi32, #tpu.memory_space<vmem>>[vector<16xi32>, vector<16xi32>], vector<16xi32>,
        %parallel_loop3A_613 = tpu.vector_load_idx %arg6[%parallel_loop3A_612, %add3A_11] : memref<192x128xf32, #tpu.memory_space<vmem>>[vector<16xi32>, vector<16xi32>], vector<16xf32>,
        %parallel_loop3A_614 = arith.index_cast %parallel_loop3A_598 : i32 to index
        %parallel_loop3A_615 = arith.constant 32 : index
        %parallel_loop3A_616 = tpu.vector_load %arg9[%parallel_loop3A_614, %parallel_loop3A_615] {strides = array<i32>} : memref<64x128xf32, #tpu.memory_space<vmem>>, vector<16xf32>,
        tpu.vector_store %arg9[%parallel_loop3A_614, %parallel_loop3A_615], %parallel_loop3A_613 {strides = array<i32>} : memref<64x128xf32, #tpu.memory_space<vmem>>, vector<16xf32>,
        %parallel_loop3A_617 = tpu.vector_load_idx %arg8[%add3A_14, %parallel_loop3A_601] : memref<128x192xi32, #tpu.memory_space<vmem>>[vector<16xi32>, vector<16xi32>], vector<16xi32>,
        %parallel_loop3A_618 = tpu.vector_load_idx %arg6[%parallel_loop3A_617, %add3A_14] : memref<192x128xf32, #tpu.memory_space<vmem>>[vector<16xi32>, vector<16xi32>], vector<16xf32>,
        %parallel_loop3A_619 = arith.index_cast %parallel_loop3A_598 : i32 to index
        %parallel_loop3A_620 = arith.constant 48 : index
        %parallel_loop3A_621 = tpu.vector_load %arg9[%parallel_loop3A_619, %parallel_loop3A_620] {strides = array<i32>} : memref<64x128xf32, #tpu.memory_space<vmem>>, vector<16xf32>,
        tpu.vector_store %arg9[%parallel_loop3A_619, %parallel_loop3A_620], %parallel_loop3A_618 {strides = array<i32>} : memref<64x128xf32, #tpu.memory_space<vmem>>, vector<16xf32>,
        %parallel_loop3A_622 = tpu.vector_load_idx %arg8[%add3A_17, %parallel_loop3A_601] : memref<128x192xi32, #tpu.memory_space<vmem>>[vector<16xi32>, vector<16xi32>], vector<16xi32>,
        %parallel_loop3A_623 = tpu.vector_load_idx %arg6[%parallel_loop3A_622, %add3A_17] : memref<192x128xf32, #tpu.memory_space<vmem>>[vector<16xi32>, vector<16xi32>], vector<16xf32>,
        %parallel_loop3A_624 = arith.index_cast %parallel_loop3A_598 : i32 to index
        %parallel_loop3A_625 = arith.constant 64 : index
        %parallel_loop3A_626 = tpu.vector_load %arg9[%parallel_loop3A_624, %parallel_loop3A_625] {strides = array<i32>} : memref<64x128xf32, #tpu.memory_space<vmem>>, vector<16xf32>,
        tpu.vector_store %arg9[%parallel_loop3A_624, %parallel_loop3A_625], %parallel_loop3A_623 {strides = array<i32>} : memref<64x128xf32, #tpu.memory_space<vmem>>, vector<16xf32>,
        %parallel_loop3A_627 = tpu.vector_load_idx %arg8[%add3A_20, %parallel_loop3A_601] : memref<128x192xi32, #tpu.memory_space<vmem>>[vector<16xi32>, vector<16xi32>], vector<16xi32>,
        %parallel_loop3A_628 = tpu.vector_load_idx %arg6[%parallel_loop3A_627, %add3A_20] : memref<192x128xf32, #tpu.memory_space<vmem>>[vector<16xi32>, vector<16xi32>], vector<16xf32>,
        %parallel_loop3A_629 = arith.index_cast %parallel_loop3A_598 : i32 to index
        %parallel_loop3A_630 = arith.constant 80 : index
        %parallel_loop3A_631 = tpu.vector_load %arg9[%parallel_loop3A_629, %parallel_loop3A_630] {strides = array<i32>} : memref<64x128xf32, #tpu.memory_space<vmem>>, vector<16xf32>,
        tpu.vector_store %arg9[%parallel_loop3A_629, %parallel_loop3A_630], %parallel_loop3A_628 {strides = array<i32>} : memref<64x128xf32, #tpu.memory_space<vmem>>, vector<16xf32>,
        %parallel_loop3A_632 = tpu.vector_load_idx %arg8[%add3A_23, %parallel_loop3A_601] : memref<128x192xi32, #tpu.memory_space<vmem>>[vector<16xi32>, vector<16xi32>], vector<16xi32>,
        %parallel_loop3A_633 = tpu.vector_load_idx %arg6[%parallel_loop3A_632, %add3A_23] : memref<192x128xf32, #tpu.memory_space<vmem>>[vector<16xi32>, vector<16xi32>], vector<16xf32>,
        %parallel_loop3A_634 = arith.index_cast %parallel_loop3A_598 : i32 to index
        %parallel_loop3A_635 = arith.constant 96 : index
        %parallel_loop3A_636 = tpu.vector_load %arg9[%parallel_loop3A_634, %parallel_loop3A_635] {strides = array<i32>} : memref<64x128xf32, #tpu.memory_space<vmem>>, vector<16xf32>,
        tpu.vector_store %arg9[%parallel_loop3A_634, %parallel_loop3A_635], %parallel_loop3A_633 {strides = array<i32>} : memref<64x128xf32, #tpu.memory_space<vmem>>, vector<16xf32>,
        %parallel_loop3A_637 = tpu.vector_load_idx %arg8[%add3A_26, %parallel_loop3A_601] : memref<128x192xi32, #tpu.memory_space<vmem>>[vector<16xi32>, vector<16xi32>], vector<16xi32>,
        %parallel_loop3A_638 = tpu.vector_load_idx %arg6[%parallel_loop3A_637, %add3A_26] : memref<192x128xf32, #tpu.memory_space<vmem>>[vector<16xi32>, vector<16xi32>], vector<16xf32>,
        %parallel_loop3A_639 = arith.index_cast %parallel_loop3A_598 : i32 to index
        %parallel_loop3A_640 = arith.constant 112 : index
        %parallel_loop3A_641 = tpu.vector_load %arg9[%parallel_loop3A_639, %parallel_loop3A_640] {strides = array<i32>} : memref<64x128xf32, #tpu.memory_space<vmem>>, vector<16xf32>,
        tpu.vector_store %arg9[%parallel_loop3A_639, %parallel_loop3A_640], %parallel_loop3A_638 {strides = array<i32>} : memref<64x128xf32, #tpu.memory_space<vmem>>, vector<16xf32>,
      } {sc.loop_unroll_factor = 2 : i64, sc.parallel_access}
      %jit3A_537 = arith.constant 3 : i32
      %div3A_538 = arith.divsi %add3A_469, %jit3A_537 : i32
      %sign3A_539 = arith.constant 0 : i32
      %sign3A_540 = arith.cmpi sgt, %add3A_469, %sign3A_539 : i32
      %sign3A_541 = arith.extui %sign3A_540 : i1 to i32
      %sign3A_542 = arith.constant 0 : i32
      %sign3A_543 = arith.cmpi slt, %add3A_469, %sign3A_542 : i32
      %sign3A_544 = arith.extui %sign3A_543 : i1 to i32
      %sign3A_545 = arith.subi %sign3A_541, %sign3A_544 : i32
      %sign3A_546 = arith.constant 0 : i32
      %sign3A_547 = arith.cmpi sgt, %jit3A_537, %sign3A_546 : i32
      %sign3A_548 = arith.extui %sign3A_547 : i1 to i32
      %sign3A_549 = arith.constant 0 : i32
      %sign3A_550 = arith.cmpi slt, %jit3A_537, %sign3A_549 : i32
      %sign3A_551 = arith.extui %sign3A_550 : i1 to i32
      %sign3A_552 = arith.subi %sign3A_548, %sign3A_551 : i32
      %ne3A_553 = arith.cmpi ne, %sign3A_545, %sign3A_552 : i32
      %rem3A_554 = arith.remsi %add3A_469, %jit3A_537 : i32
      %ne3A_555 = arith.constant 0 : i32
      %ne3A_556 = arith.cmpi ne, %rem3A_554, %ne3A_555 : i32
      %and3A_557 = arith.andi %ne3A_553, %ne3A_556 : i1
      %sub3A_558 = arith.constant 1 : i32
      %sub3A_559 = arith.subi %div3A_538, %sub3A_558 : i32
      %select_n3A_560 = arith.select %and3A_557, %sub3A_559, %div3A_538 : i32
      %add3A_561 = arith.addi %mul3A_2, %select_n3A_560 : i32
      %jit3A_562 = arith.constant 3 : i32
      %eq3A_563 = arith.constant 0 : i32
      %eq3A_564 = arith.cmpi eq, %jit3A_562, %eq3A_563 : i32
      %jit3A_565 = arith.constant 1 : i32
      %select_n3A_566 = arith.select %eq3A_564, %jit3A_565, %jit3A_562 : i32
      %rem3A_567 = arith.remsi %add3A_469, %select_n3A_566 : i32
      %ne3A_568 = arith.constant 0 : i32
      %ne3A_569 = arith.cmpi ne, %rem3A_567, %ne3A_568 : i32
      %lt3A_570 = arith.constant 0 : i32
      %lt3A_571 = arith.cmpi slt, %rem3A_567, %lt3A_570 : i32
      %lt3A_572 = arith.constant 0 : i32
      %lt3A_573 = arith.cmpi slt, %select_n3A_566, %lt3A_572 : i32
      %ne3A_574 = arith.xori %lt3A_571, %lt3A_573 : i1
      %and3A_575 = arith.andi %ne3A_574, %ne3A_569 : i1
      %add3A_576 = arith.addi %rem3A_567, %select_n3A_566 : i32
      %select_n3A_577 = arith.select %and3A_575, %add3A_576, %rem3A_567 : i32
      %mul3A_578 = arith.constant 128 : i32
      %mul3A_579 = arith.muli %select_n3A_577, %mul3A_578 : i32
      %dma_start3A_580 = arith.constant 32 : i32
      %dma_start3A_581 = arith.constant 0 : i32
      %dma_start3A_582 = tpu.memref_slice %arg9[%dma_start3A_580, %dma_start3A_581] : memref<64x128xf32, #tpu.memory_space<vmem>> -> memref<32x128xf32, #tpu.memory_space<vmem>>
      %dma_start3A_583 = arith.constant 0 : i32
      %dma_start3A_584 = tpu.memref_slice %arg4[%dma_start3A_583, %add3A_561, %mul3A_579] : memref<64x384x384xf32, #tpu.memory_space<hbm>> -> memref<64x1x128xf32, #tpu.memory_space<hbm>>
      %dma_start3A_585 = tpu.memref_squeeze %dma_start3A_584 : memref<64x1x128xf32, #tpu.memory_space<hbm>> -> memref<64x128xf32, #tpu.memory_space<hbm>>
      %dma_start3A_586 = arith.constant 32 : i32
      %dma_start3A_587 = arith.constant 0 : i32
      %dma_start3A_588 = tpu.memref_slice %dma_start3A_585[%dma_start3A_586, %dma_start3A_587] : memref<64x128xf32, #tpu.memory_space<hbm>> -> memref<32x128xf32, #tpu.memory_space<hbm>>
      %dma_start3A_589 = arith.constant 0 : i32
      %dma_start3A_590 = tpu.memref_slice %arg4[%dma_start3A_589, %add3A_561, %mul3A_579] : memref<64x384x384xf32, #tpu.memory_space<hbm>> -> memref<64x1x128xf32, #tpu.memory_space<hbm>>
      %dma_start3A_591 = tpu.memref_squeeze %dma_start3A_590 : memref<64x1x128xf32, #tpu.memory_space<hbm>> -> memref<64x128xf32, #tpu.memory_space<hbm>>
      %dma_start3A_592 = arith.constant 32 : i32
      %dma_start3A_593 = arith.constant 0 : i32
      %dma_start3A_594 = tpu.memref_slice %dma_start3A_591[%dma_start3A_592, %dma_start3A_593] : memref<64x128xf32, #tpu.memory_space<hbm>> -> memref<32x128xf32, #tpu.memory_space<hbm>>
      %dma_start3A_595 = arith.constant 32 : i32
      %dma_start3A_596 = arith.constant 0 : i32
      %dma_start3A_597 = tpu.memref_slice %arg9[%dma_start3A_595, %dma_start3A_596] : memref<64x128xf32, #tpu.memory_space<vmem>> -> memref<32x128xf32, #tpu.memory_space<vmem>>
      tpu.enqueue_dma source(%dma_start3A_597 : memref<32x128xf32, #tpu.memory_space<vmem>>) target(%dma_start3A_594 : memref<32x128xf32, #tpu.memory_space<hbm>>) target_semaphore(%arg12 : memref<!tpu.dma_semaphore, #tpu.memory_space<semaphore_mem>>)
    }
    %scan3A_47 = arith.constant 18 : i32
    %add3A_48 = arith.constant 11 : i32
    %add3A_49 = arith.addi %mul3A_2, %add3A_48 : i32
    %dma_wait3A = arith.constant 0 : i32
    %dma_wait3A_50 = arith.constant 0 : i32
    %dma_wait3A_51 = tpu.memref_slice %arg9[%dma_wait3A, %dma_wait3A_50] : memref<64x128xf32, #tpu.memory_space<vmem>> -> memref<32x128xf32, #tpu.memory_space<vmem>>
    %dma_wait3A_52 = arith.constant 0 : i32
    %dma_wait3A_53 = arith.constant 256 : i32
    %dma_wait3A_54 = tpu.memref_slice %arg4[%dma_wait3A_52, %add3A_49, %dma_wait3A_53] : memref<64x384x384xf32, #tpu.memory_space<hbm>> -> memref<64x1x128xf32, #tpu.memory_space<hbm>>
    %dma_wait3A_55 = tpu.memref_squeeze %dma_wait3A_54 : memref<64x1x128xf32, #tpu.memory_space<hbm>> -> memref<64x128xf32, #tpu.memory_space<hbm>>
    %dma_wait3A_56 = arith.constant 0 : i32
    %dma_wait3A_57 = arith.constant 0 : i32
    %dma_wait3A_58 = tpu.memref_slice %dma_wait3A_55[%dma_wait3A_56, %dma_wait3A_57] : memref<64x128xf32, #tpu.memory_space<hbm>> -> memref<32x128xf32, #tpu.memory_space<hbm>>
    %dma_wait3A_59 = arith.constant 0 : i32
    %dma_wait3A_60 = arith.constant 256 : i32
    %dma_wait3A_61 = tpu.memref_slice %arg4[%dma_wait3A_59, %add3A_49, %dma_wait3A_60] : memref<64x384x384xf32, #tpu.memory_space<hbm>> -> memref<64x1x128xf32, #tpu.memory_space<hbm>>
    %dma_wait3A_62 = tpu.memref_squeeze %dma_wait3A_61 : memref<64x1x128xf32, #tpu.memory_space<hbm>> -> memref<64x128xf32, #tpu.memory_space<hbm>>
    %dma_wait3A_63 = arith.constant 0 : i32
    %dma_wait3A_64 = arith.constant 0 : i32
    %dma_wait3A_65 = tpu.memref_slice %dma_wait3A_62[%dma_wait3A_63, %dma_wait3A_64] : memref<64x128xf32, #tpu.memory_space<hbm>> -> memref<32x128xf32, #tpu.memory_space<hbm>>
    %dma_wait3A_66 = arith.constant 0 : i32
    %dma_wait3A_67 = arith.constant 0 : i32
    %dma_wait3A_68 = tpu.memref_slice %arg9[%dma_wait3A_66, %dma_wait3A_67] : memref<64x128xf32, #tpu.memory_space<vmem>> -> memref<32x128xf32, #tpu.memory_space<vmem>>
    tpu.wait_dma2 semaphore(%arg12 : memref<!tpu.dma_semaphore, #tpu.memory_space<semaphore_mem>>) src(%dma_wait3A_68 : memref<32x128xf32, #tpu.memory_space<vmem>>) dst(%dma_wait3A_65 : memref<32x128xf32, #tpu.memory_space<hbm>>)
    %dma_wait3A_69 = arith.constant 32 : i32
    %dma_wait3A_70 = arith.constant 0 : i32
    %dma_wait3A_71 = tpu.memref_slice %arg9[%dma_wait3A_69, %dma_wait3A_70] : memref<64x128xf32, #tpu.memory_space<vmem>> -> memref<32x128xf32, #tpu.memory_space<vmem>>
    %dma_wait3A_72 = arith.constant 0 : i32
    %dma_wait3A_73 = arith.constant 256 : i32
    %dma_wait3A_74 = tpu.memref_slice %arg4[%dma_wait3A_72, %add3A_49, %dma_wait3A_73] : memref<64x384x384xf32, #tpu.memory_space<hbm>> -> memref<64x1x128xf32, #tpu.memory_space<hbm>>
    %dma_wait3A_75 = tpu.memref_squeeze %dma_wait3A_74 : memref<64x1x128xf32, #tpu.memory_space<hbm>> -> memref<64x128xf32, #tpu.memory_space<hbm>>
    %dma_wait3A_76 = arith.constant 32 : i32
    %dma_wait3A_77 = arith.constant 0 : i32
    %dma_wait3A_78 = tpu.memref_slice %dma_wait3A_75[%dma_wait3A_76, %dma_wait3A_77] : memref<64x128xf32, #tpu.memory_space<hbm>> -> memref<32x128xf32, #tpu.memory_space<hbm>>
    %dma_wait3A_79 = arith.constant 0 : i32
    %dma_wait3A_80 = arith.constant 256 : i32
    %dma_wait3A_81 = tpu.memref_slice %arg4[%dma_wait3A_79, %add3A_49, %dma_wait3A_80] : memref<64x384x384xf32, #tpu.memory_space<hbm>> -> memref<64x1x128xf32, #tpu.memory_space<hbm>>
    %dma_wait3A_82 = tpu.memref_squeeze %dma_wait3A_81 : memref<64x1x128xf32, #tpu.memory_space<hbm>> -> memref<64x128xf32, #tpu.memory_space<hbm>>
    %dma_wait3A_83 = arith.constant 32 : i32
    %dma_wait3A_84 = arith.constant 0 : i32
    %dma_wait3A_85 = tpu.memref_slice %dma_wait3A_82[%dma_wait3A_83, %dma_wait3A_84] : memref<64x128xf32, #tpu.memory_space<hbm>> -> memref<32x128xf32, #tpu.memory_space<hbm>>
    %dma_wait3A_86 = arith.constant 32 : i32
    %dma_wait3A_87 = arith.constant 0 : i32
    %dma_wait3A_88 = tpu.memref_slice %arg9[%dma_wait3A_86, %dma_wait3A_87] : memref<64x128xf32, #tpu.memory_space<vmem>> -> memref<32x128xf32, #tpu.memory_space<vmem>>
    tpu.wait_dma2 semaphore(%arg12 : memref<!tpu.dma_semaphore, #tpu.memory_space<semaphore_mem>>) src(%dma_wait3A_88 : memref<32x128xf32, #tpu.memory_space<vmem>>) dst(%dma_wait3A_85 : memref<32x128xf32, #tpu.memory_space<hbm>>)
    return
  }
}

module attributes {stable_mosaic.version = 14 : i64} {
  func.func @body(%arg0: i32, %arg1: i32, %arg2: memref<192x8x128xf32, #tpu.memory_space<vmem>>, %arg3: memref<8x128x128xi32, #tpu.memory_space<vmem>>, %arg4: memref<128x8x128xf32, #tpu.memory_space<vmem>>) attributes {dimension_semantics = [#tpu.dimension_semantics<parallel>, #tpu.dimension_semantics<parallel>], iteration_bounds = array<i64: 48, 3>, scalar_prefetch = 0 : i64, scratch_operands = 0 : i64, tpu.core_type = #tpu.core_type<tc>, window_params = [{transform_indices = @transform_0, window_bounds = array<i64: 192, 8, 128>}, {transform_indices = @transform_1, window_bounds = array<i64: 8, 128, 128>}, {transform_indices = @transform_2, window_bounds = array<i64: 128, 8, 128>}]} {
    %get3A = arith.constant 0 : index
    %get3A_0 = arith.constant 0 : index
    %get3A_1 = arith.constant 0 : index
    %get3A_2 = vector.load %arg2[%get3A, %get3A_0, %get3A_1] : memref<192x8x128xf32, #tpu.memory_space<vmem>>, vector<192x1x128xf32>
    %get3A_3 = vector.shape_cast %get3A_2 : vector<192x1x128xf32> to vector<192x128xf32>
    %get3A_4 = arith.constant 0 : index
    %get3A_5 = arith.constant 0 : index
    %get3A_6 = arith.constant 0 : index
    %get3A_7 = vector.load %arg3[%get3A_4, %get3A_5, %get3A_6] : memref<8x128x128xi32, #tpu.memory_space<vmem>>, vector<1x128x128xi32>
    %get3A_8 = vector.shape_cast %get3A_7 : vector<1x128x128xi32> to vector<128x128xi32>
    %transpose3A = tpu.transpose %get3A_3, [1, 0] : vector<192x128xf32> -> vector<128x192xf32>
    %slice3A = vector.extract_strided_slice %transpose3A {offsets = [0, 0], sizes = [128, 128], strides = [1, 1]} : vector<128x192xf32> to vector<128x128xf32>
    %slice3A_9 = vector.extract_strided_slice %transpose3A {offsets = [0, 128], sizes = [128, 64], strides = [1, 1]} : vector<128x192xf32> to vector<128x64xf32>
    %ge3A = arith.constant 128 : i32
    %ge3A_10 = vector.broadcast %ge3A : i32 to vector<128x128xi32>
    %ge3A_11 = arith.cmpi sge, %get3A_8, %ge3A_10 : vector<128x128xi32>
    %and3A = arith.constant 127 : i32
    %and3A_12 = vector.broadcast %and3A : i32 to vector<128x128xi32>
    %and3A_13 = arith.andi %get3A_8, %and3A_12 : vector<128x128xi32>
    %lt3A = arith.constant 0 : i32
    %lt3A_14 = vector.broadcast %lt3A : i32 to vector<128x128xi32>
    %lt3A_15 = arith.cmpi slt, %and3A_13, %lt3A_14 : vector<128x128xi32>
    %add3A = arith.constant 128 : i32
    %add3A_16 = vector.broadcast %add3A : i32 to vector<128x128xi32>
    %add3A_17 = arith.addi %and3A_13, %add3A_16 : vector<128x128xi32>
    %select_n3A = arith.select %lt3A_15, %add3A_17, %and3A_13 : vector<128x128xi1>, vector<128x128xi32>
    %reshape3A = vector.shape_cast %select_n3A : vector<128x128xi32> to vector<128x128x1xi32>
    %gather3A = vector.shape_cast %reshape3A : vector<128x128x1xi32> to vector<128x128xi32>
    %gather3A_18 = tpu.dynamic_gather %slice3A[%gather3A] in [1] : vector<128x128xf32>, vector<128x128xi32> -> vector<128x128xf32>
    %lt3A_19 = arith.constant 0 : i32
    %lt3A_20 = vector.broadcast %lt3A_19 : i32 to vector<128x128xi32>
    %lt3A_21 = arith.cmpi slt, %and3A_13, %lt3A_20 : vector<128x128xi32>
    %add3A_22 = arith.constant 64 : i32
    %add3A_23 = vector.broadcast %add3A_22 : i32 to vector<128x128xi32>
    %add3A_24 = arith.addi %and3A_13, %add3A_23 : vector<128x128xi32>
    %select_n3A_25 = arith.select %lt3A_21, %add3A_24, %and3A_13 : vector<128x128xi1>, vector<128x128xi32>
    %reshape3A_26 = vector.shape_cast %select_n3A_25 : vector<128x128xi32> to vector<128x128x1xi32>
    %gather3A_27 = vector.shape_cast %reshape3A_26 : vector<128x128x1xi32> to vector<128x128xi32>
    %gather3A_28 = tpu.dynamic_gather %slice3A_9[%gather3A_27] in [1] : vector<128x64xf32>, vector<128x128xi32> -> vector<128x128xf32>
    %select_n3A_29 = arith.select %ge3A_11, %gather3A_28, %gather3A_18 : vector<128x128xi1>, vector<128x128xf32>
    %transpose3A_30 = tpu.transpose %select_n3A_29, [1, 0] : vector<128x128xf32> -> vector<128x128xf32>
    %swap3A = arith.constant 0 : index
    %swap3A_31 = arith.constant 0 : index
    %swap3A_32 = arith.constant 0 : index
    %swap3A_33 = vector.load %arg4[%swap3A, %swap3A_31, %swap3A_32] : memref<128x8x128xf32, #tpu.memory_space<vmem>>, vector<128x1x128xf32>
    %swap3A_34 = vector.shape_cast %swap3A_33 : vector<128x1x128xf32> to vector<128x128xf32>
    %swap3A_35 = vector.shape_cast %transpose3A_30 : vector<128x128xf32> to vector<128x1x128xf32>
    tpu.vector_store %arg4[%swap3A, %swap3A_31, %swap3A_32], %swap3A_35 {strides = array<i32>} : memref<128x8x128xf32, #tpu.memory_space<vmem>>, vector<128x1x128xf32>,
    %get3A_36 = arith.constant 0 : index
    %get3A_37 = arith.constant 1 : index
    %get3A_38 = arith.constant 0 : index
    %get3A_39 = vector.load %arg2[%get3A_36, %get3A_37, %get3A_38] : memref<192x8x128xf32, #tpu.memory_space<vmem>>, vector<192x1x128xf32>
    %get3A_40 = vector.shape_cast %get3A_39 : vector<192x1x128xf32> to vector<192x128xf32>
    %get3A_41 = arith.constant 1 : index
    %get3A_42 = arith.constant 0 : index
    %get3A_43 = arith.constant 0 : index
    %get3A_44 = vector.load %arg3[%get3A_41, %get3A_42, %get3A_43] : memref<8x128x128xi32, #tpu.memory_space<vmem>>, vector<1x128x128xi32>
    %get3A_45 = vector.shape_cast %get3A_44 : vector<1x128x128xi32> to vector<128x128xi32>
    %transpose3A_46 = tpu.transpose %get3A_40, [1, 0] : vector<192x128xf32> -> vector<128x192xf32>
    %slice3A_47 = vector.extract_strided_slice %transpose3A_46 {offsets = [0, 0], sizes = [128, 128], strides = [1, 1]} : vector<128x192xf32> to vector<128x128xf32>
    %slice3A_48 = vector.extract_strided_slice %transpose3A_46 {offsets = [0, 128], sizes = [128, 64], strides = [1, 1]} : vector<128x192xf32> to vector<128x64xf32>
    %ge3A_49 = arith.constant 128 : i32
    %ge3A_50 = vector.broadcast %ge3A_49 : i32 to vector<128x128xi32>
    %ge3A_51 = arith.cmpi sge, %get3A_45, %ge3A_50 : vector<128x128xi32>
    %and3A_52 = arith.constant 127 : i32
    %and3A_53 = vector.broadcast %and3A_52 : i32 to vector<128x128xi32>
    %and3A_54 = arith.andi %get3A_45, %and3A_53 : vector<128x128xi32>
    %lt3A_55 = arith.constant 0 : i32
    %lt3A_56 = vector.broadcast %lt3A_55 : i32 to vector<128x128xi32>
    %lt3A_57 = arith.cmpi slt, %and3A_54, %lt3A_56 : vector<128x128xi32>
    %add3A_58 = arith.constant 128 : i32
    %add3A_59 = vector.broadcast %add3A_58 : i32 to vector<128x128xi32>
    %add3A_60 = arith.addi %and3A_54, %add3A_59 : vector<128x128xi32>
    %select_n3A_61 = arith.select %lt3A_57, %add3A_60, %and3A_54 : vector<128x128xi1>, vector<128x128xi32>
    %reshape3A_62 = vector.shape_cast %select_n3A_61 : vector<128x128xi32> to vector<128x128x1xi32>
    %gather3A_63 = vector.shape_cast %reshape3A_62 : vector<128x128x1xi32> to vector<128x128xi32>
    %gather3A_64 = tpu.dynamic_gather %slice3A_47[%gather3A_63] in [1] : vector<128x128xf32>, vector<128x128xi32> -> vector<128x128xf32>
    %lt3A_65 = arith.constant 0 : i32
    %lt3A_66 = vector.broadcast %lt3A_65 : i32 to vector<128x128xi32>
    %lt3A_67 = arith.cmpi slt, %and3A_54, %lt3A_66 : vector<128x128xi32>
    %add3A_68 = arith.constant 64 : i32
    %add3A_69 = vector.broadcast %add3A_68 : i32 to vector<128x128xi32>
    %add3A_70 = arith.addi %and3A_54, %add3A_69 : vector<128x128xi32>
    %select_n3A_71 = arith.select %lt3A_67, %add3A_70, %and3A_54 : vector<128x128xi1>, vector<128x128xi32>
    %reshape3A_72 = vector.shape_cast %select_n3A_71 : vector<128x128xi32> to vector<128x128x1xi32>
    %gather3A_73 = vector.shape_cast %reshape3A_72 : vector<128x128x1xi32> to vector<128x128xi32>
    %gather3A_74 = tpu.dynamic_gather %slice3A_48[%gather3A_73] in [1] : vector<128x64xf32>, vector<128x128xi32> -> vector<128x128xf32>
    %select_n3A_75 = arith.select %ge3A_51, %gather3A_74, %gather3A_64 : vector<128x128xi1>, vector<128x128xf32>
    %transpose3A_76 = tpu.transpose %select_n3A_75, [1, 0] : vector<128x128xf32> -> vector<128x128xf32>
    %swap3A_77 = arith.constant 0 : index
    %swap3A_78 = arith.constant 1 : index
    %swap3A_79 = arith.constant 0 : index
    %swap3A_80 = vector.load %arg4[%swap3A_77, %swap3A_78, %swap3A_79] : memref<128x8x128xf32, #tpu.memory_space<vmem>>, vector<128x1x128xf32>
    %swap3A_81 = vector.shape_cast %swap3A_80 : vector<128x1x128xf32> to vector<128x128xf32>
    %swap3A_82 = vector.shape_cast %transpose3A_76 : vector<128x128xf32> to vector<128x1x128xf32>
    tpu.vector_store %arg4[%swap3A_77, %swap3A_78, %swap3A_79], %swap3A_82 {strides = array<i32>} : memref<128x8x128xf32, #tpu.memory_space<vmem>>, vector<128x1x128xf32>,
    %get3A_83 = arith.constant 0 : index
    %get3A_84 = arith.constant 2 : index
    %get3A_85 = arith.constant 0 : index
    %get3A_86 = vector.load %arg2[%get3A_83, %get3A_84, %get3A_85] : memref<192x8x128xf32, #tpu.memory_space<vmem>>, vector<192x1x128xf32>
    %get3A_87 = vector.shape_cast %get3A_86 : vector<192x1x128xf32> to vector<192x128xf32>
    %get3A_88 = arith.constant 2 : index
    %get3A_89 = arith.constant 0 : index
    %get3A_90 = arith.constant 0 : index
    %get3A_91 = vector.load %arg3[%get3A_88, %get3A_89, %get3A_90] : memref<8x128x128xi32, #tpu.memory_space<vmem>>, vector<1x128x128xi32>
    %get3A_92 = vector.shape_cast %get3A_91 : vector<1x128x128xi32> to vector<128x128xi32>
    %transpose3A_93 = tpu.transpose %get3A_87, [1, 0] : vector<192x128xf32> -> vector<128x192xf32>
    %slice3A_94 = vector.extract_strided_slice %transpose3A_93 {offsets = [0, 0], sizes = [128, 128], strides = [1, 1]} : vector<128x192xf32> to vector<128x128xf32>
    %slice3A_95 = vector.extract_strided_slice %transpose3A_93 {offsets = [0, 128], sizes = [128, 64], strides = [1, 1]} : vector<128x192xf32> to vector<128x64xf32>
    %ge3A_96 = arith.constant 128 : i32
    %ge3A_97 = vector.broadcast %ge3A_96 : i32 to vector<128x128xi32>
    %ge3A_98 = arith.cmpi sge, %get3A_92, %ge3A_97 : vector<128x128xi32>
    %and3A_99 = arith.constant 127 : i32
    %and3A_100 = vector.broadcast %and3A_99 : i32 to vector<128x128xi32>
    %and3A_101 = arith.andi %get3A_92, %and3A_100 : vector<128x128xi32>
    %lt3A_102 = arith.constant 0 : i32
    %lt3A_103 = vector.broadcast %lt3A_102 : i32 to vector<128x128xi32>
    %lt3A_104 = arith.cmpi slt, %and3A_101, %lt3A_103 : vector<128x128xi32>
    %add3A_105 = arith.constant 128 : i32
    %add3A_106 = vector.broadcast %add3A_105 : i32 to vector<128x128xi32>
    %add3A_107 = arith.addi %and3A_101, %add3A_106 : vector<128x128xi32>
    %select_n3A_108 = arith.select %lt3A_104, %add3A_107, %and3A_101 : vector<128x128xi1>, vector<128x128xi32>
    %reshape3A_109 = vector.shape_cast %select_n3A_108 : vector<128x128xi32> to vector<128x128x1xi32>
    %gather3A_110 = vector.shape_cast %reshape3A_109 : vector<128x128x1xi32> to vector<128x128xi32>
    %gather3A_111 = tpu.dynamic_gather %slice3A_94[%gather3A_110] in [1] : vector<128x128xf32>, vector<128x128xi32> -> vector<128x128xf32>
    %lt3A_112 = arith.constant 0 : i32
    %lt3A_113 = vector.broadcast %lt3A_112 : i32 to vector<128x128xi32>
    %lt3A_114 = arith.cmpi slt, %and3A_101, %lt3A_113 : vector<128x128xi32>
    %add3A_115 = arith.constant 64 : i32
    %add3A_116 = vector.broadcast %add3A_115 : i32 to vector<128x128xi32>
    %add3A_117 = arith.addi %and3A_101, %add3A_116 : vector<128x128xi32>
    %select_n3A_118 = arith.select %lt3A_114, %add3A_117, %and3A_101 : vector<128x128xi1>, vector<128x128xi32>
    %reshape3A_119 = vector.shape_cast %select_n3A_118 : vector<128x128xi32> to vector<128x128x1xi32>
    %gather3A_120 = vector.shape_cast %reshape3A_119 : vector<128x128x1xi32> to vector<128x128xi32>
    %gather3A_121 = tpu.dynamic_gather %slice3A_95[%gather3A_120] in [1] : vector<128x64xf32>, vector<128x128xi32> -> vector<128x128xf32>
    %select_n3A_122 = arith.select %ge3A_98, %gather3A_121, %gather3A_111 : vector<128x128xi1>, vector<128x128xf32>
    %transpose3A_123 = tpu.transpose %select_n3A_122, [1, 0] : vector<128x128xf32> -> vector<128x128xf32>
    %swap3A_124 = arith.constant 0 : index
    %swap3A_125 = arith.constant 2 : index
    %swap3A_126 = arith.constant 0 : index
    %swap3A_127 = vector.load %arg4[%swap3A_124, %swap3A_125, %swap3A_126] : memref<128x8x128xf32, #tpu.memory_space<vmem>>, vector<128x1x128xf32>
    %swap3A_128 = vector.shape_cast %swap3A_127 : vector<128x1x128xf32> to vector<128x128xf32>
    %swap3A_129 = vector.shape_cast %transpose3A_123 : vector<128x128xf32> to vector<128x1x128xf32>
    tpu.vector_store %arg4[%swap3A_124, %swap3A_125, %swap3A_126], %swap3A_129 {strides = array<i32>} : memref<128x8x128xf32, #tpu.memory_space<vmem>>, vector<128x1x128xf32>,
    %get3A_130 = arith.constant 0 : index
    %get3A_131 = arith.constant 3 : index
    %get3A_132 = arith.constant 0 : index
    %get3A_133 = vector.load %arg2[%get3A_130, %get3A_131, %get3A_132] : memref<192x8x128xf32, #tpu.memory_space<vmem>>, vector<192x1x128xf32>
    %get3A_134 = vector.shape_cast %get3A_133 : vector<192x1x128xf32> to vector<192x128xf32>
    %get3A_135 = arith.constant 3 : index
    %get3A_136 = arith.constant 0 : index
    %get3A_137 = arith.constant 0 : index
    %get3A_138 = vector.load %arg3[%get3A_135, %get3A_136, %get3A_137] : memref<8x128x128xi32, #tpu.memory_space<vmem>>, vector<1x128x128xi32>
    %get3A_139 = vector.shape_cast %get3A_138 : vector<1x128x128xi32> to vector<128x128xi32>
    %transpose3A_140 = tpu.transpose %get3A_134, [1, 0] : vector<192x128xf32> -> vector<128x192xf32>
    %slice3A_141 = vector.extract_strided_slice %transpose3A_140 {offsets = [0, 0], sizes = [128, 128], strides = [1, 1]} : vector<128x192xf32> to vector<128x128xf32>
    %slice3A_142 = vector.extract_strided_slice %transpose3A_140 {offsets = [0, 128], sizes = [128, 64], strides = [1, 1]} : vector<128x192xf32> to vector<128x64xf32>
    %ge3A_143 = arith.constant 128 : i32
    %ge3A_144 = vector.broadcast %ge3A_143 : i32 to vector<128x128xi32>
    %ge3A_145 = arith.cmpi sge, %get3A_139, %ge3A_144 : vector<128x128xi32>
    %and3A_146 = arith.constant 127 : i32
    %and3A_147 = vector.broadcast %and3A_146 : i32 to vector<128x128xi32>
    %and3A_148 = arith.andi %get3A_139, %and3A_147 : vector<128x128xi32>
    %lt3A_149 = arith.constant 0 : i32
    %lt3A_150 = vector.broadcast %lt3A_149 : i32 to vector<128x128xi32>
    %lt3A_151 = arith.cmpi slt, %and3A_148, %lt3A_150 : vector<128x128xi32>
    %add3A_152 = arith.constant 128 : i32
    %add3A_153 = vector.broadcast %add3A_152 : i32 to vector<128x128xi32>
    %add3A_154 = arith.addi %and3A_148, %add3A_153 : vector<128x128xi32>
    %select_n3A_155 = arith.select %lt3A_151, %add3A_154, %and3A_148 : vector<128x128xi1>, vector<128x128xi32>
    %reshape3A_156 = vector.shape_cast %select_n3A_155 : vector<128x128xi32> to vector<128x128x1xi32>
    %gather3A_157 = vector.shape_cast %reshape3A_156 : vector<128x128x1xi32> to vector<128x128xi32>
    %gather3A_158 = tpu.dynamic_gather %slice3A_141[%gather3A_157] in [1] : vector<128x128xf32>, vector<128x128xi32> -> vector<128x128xf32>
    %lt3A_159 = arith.constant 0 : i32
    %lt3A_160 = vector.broadcast %lt3A_159 : i32 to vector<128x128xi32>
    %lt3A_161 = arith.cmpi slt, %and3A_148, %lt3A_160 : vector<128x128xi32>
    %add3A_162 = arith.constant 64 : i32
    %add3A_163 = vector.broadcast %add3A_162 : i32 to vector<128x128xi32>
    %add3A_164 = arith.addi %and3A_148, %add3A_163 : vector<128x128xi32>
    %select_n3A_165 = arith.select %lt3A_161, %add3A_164, %and3A_148 : vector<128x128xi1>, vector<128x128xi32>
    %reshape3A_166 = vector.shape_cast %select_n3A_165 : vector<128x128xi32> to vector<128x128x1xi32>
    %gather3A_167 = vector.shape_cast %reshape3A_166 : vector<128x128x1xi32> to vector<128x128xi32>
    %gather3A_168 = tpu.dynamic_gather %slice3A_142[%gather3A_167] in [1] : vector<128x64xf32>, vector<128x128xi32> -> vector<128x128xf32>
    %select_n3A_169 = arith.select %ge3A_145, %gather3A_168, %gather3A_158 : vector<128x128xi1>, vector<128x128xf32>
    %transpose3A_170 = tpu.transpose %select_n3A_169, [1, 0] : vector<128x128xf32> -> vector<128x128xf32>
    %swap3A_171 = arith.constant 0 : index
    %swap3A_172 = arith.constant 3 : index
    %swap3A_173 = arith.constant 0 : index
    %swap3A_174 = vector.load %arg4[%swap3A_171, %swap3A_172, %swap3A_173] : memref<128x8x128xf32, #tpu.memory_space<vmem>>, vector<128x1x128xf32>
    %swap3A_175 = vector.shape_cast %swap3A_174 : vector<128x1x128xf32> to vector<128x128xf32>
    %swap3A_176 = vector.shape_cast %transpose3A_170 : vector<128x128xf32> to vector<128x1x128xf32>
    tpu.vector_store %arg4[%swap3A_171, %swap3A_172, %swap3A_173], %swap3A_176 {strides = array<i32>} : memref<128x8x128xf32, #tpu.memory_space<vmem>>, vector<128x1x128xf32>,
    %get3A_177 = arith.constant 0 : index
    %get3A_178 = arith.constant 4 : index
    %get3A_179 = arith.constant 0 : index
    %get3A_180 = vector.load %arg2[%get3A_177, %get3A_178, %get3A_179] : memref<192x8x128xf32, #tpu.memory_space<vmem>>, vector<192x1x128xf32>
    %get3A_181 = vector.shape_cast %get3A_180 : vector<192x1x128xf32> to vector<192x128xf32>
    %get3A_182 = arith.constant 4 : index
    %get3A_183 = arith.constant 0 : index
    %get3A_184 = arith.constant 0 : index
    %get3A_185 = vector.load %arg3[%get3A_182, %get3A_183, %get3A_184] : memref<8x128x128xi32, #tpu.memory_space<vmem>>, vector<1x128x128xi32>
    %get3A_186 = vector.shape_cast %get3A_185 : vector<1x128x128xi32> to vector<128x128xi32>
    %transpose3A_187 = tpu.transpose %get3A_181, [1, 0] : vector<192x128xf32> -> vector<128x192xf32>
    %slice3A_188 = vector.extract_strided_slice %transpose3A_187 {offsets = [0, 0], sizes = [128, 128], strides = [1, 1]} : vector<128x192xf32> to vector<128x128xf32>
    %slice3A_189 = vector.extract_strided_slice %transpose3A_187 {offsets = [0, 128], sizes = [128, 64], strides = [1, 1]} : vector<128x192xf32> to vector<128x64xf32>
    %ge3A_190 = arith.constant 128 : i32
    %ge3A_191 = vector.broadcast %ge3A_190 : i32 to vector<128x128xi32>
    %ge3A_192 = arith.cmpi sge, %get3A_186, %ge3A_191 : vector<128x128xi32>
    %and3A_193 = arith.constant 127 : i32
    %and3A_194 = vector.broadcast %and3A_193 : i32 to vector<128x128xi32>
    %and3A_195 = arith.andi %get3A_186, %and3A_194 : vector<128x128xi32>
    %lt3A_196 = arith.constant 0 : i32
    %lt3A_197 = vector.broadcast %lt3A_196 : i32 to vector<128x128xi32>
    %lt3A_198 = arith.cmpi slt, %and3A_195, %lt3A_197 : vector<128x128xi32>
    %add3A_199 = arith.constant 128 : i32
    %add3A_200 = vector.broadcast %add3A_199 : i32 to vector<128x128xi32>
    %add3A_201 = arith.addi %and3A_195, %add3A_200 : vector<128x128xi32>
    %select_n3A_202 = arith.select %lt3A_198, %add3A_201, %and3A_195 : vector<128x128xi1>, vector<128x128xi32>
    %reshape3A_203 = vector.shape_cast %select_n3A_202 : vector<128x128xi32> to vector<128x128x1xi32>
    %gather3A_204 = vector.shape_cast %reshape3A_203 : vector<128x128x1xi32> to vector<128x128xi32>
    %gather3A_205 = tpu.dynamic_gather %slice3A_188[%gather3A_204] in [1] : vector<128x128xf32>, vector<128x128xi32> -> vector<128x128xf32>
    %lt3A_206 = arith.constant 0 : i32
    %lt3A_207 = vector.broadcast %lt3A_206 : i32 to vector<128x128xi32>
    %lt3A_208 = arith.cmpi slt, %and3A_195, %lt3A_207 : vector<128x128xi32>
    %add3A_209 = arith.constant 64 : i32
    %add3A_210 = vector.broadcast %add3A_209 : i32 to vector<128x128xi32>
    %add3A_211 = arith.addi %and3A_195, %add3A_210 : vector<128x128xi32>
    %select_n3A_212 = arith.select %lt3A_208, %add3A_211, %and3A_195 : vector<128x128xi1>, vector<128x128xi32>
    %reshape3A_213 = vector.shape_cast %select_n3A_212 : vector<128x128xi32> to vector<128x128x1xi32>
    %gather3A_214 = vector.shape_cast %reshape3A_213 : vector<128x128x1xi32> to vector<128x128xi32>
    %gather3A_215 = tpu.dynamic_gather %slice3A_189[%gather3A_214] in [1] : vector<128x64xf32>, vector<128x128xi32> -> vector<128x128xf32>
    %select_n3A_216 = arith.select %ge3A_192, %gather3A_215, %gather3A_205 : vector<128x128xi1>, vector<128x128xf32>
    %transpose3A_217 = tpu.transpose %select_n3A_216, [1, 0] : vector<128x128xf32> -> vector<128x128xf32>
    %swap3A_218 = arith.constant 0 : index
    %swap3A_219 = arith.constant 4 : index
    %swap3A_220 = arith.constant 0 : index
    %swap3A_221 = vector.load %arg4[%swap3A_218, %swap3A_219, %swap3A_220] : memref<128x8x128xf32, #tpu.memory_space<vmem>>, vector<128x1x128xf32>
    %swap3A_222 = vector.shape_cast %swap3A_221 : vector<128x1x128xf32> to vector<128x128xf32>
    %swap3A_223 = vector.shape_cast %transpose3A_217 : vector<128x128xf32> to vector<128x1x128xf32>
    tpu.vector_store %arg4[%swap3A_218, %swap3A_219, %swap3A_220], %swap3A_223 {strides = array<i32>} : memref<128x8x128xf32, #tpu.memory_space<vmem>>, vector<128x1x128xf32>,
    %get3A_224 = arith.constant 0 : index
    %get3A_225 = arith.constant 5 : index
    %get3A_226 = arith.constant 0 : index
    %get3A_227 = vector.load %arg2[%get3A_224, %get3A_225, %get3A_226] : memref<192x8x128xf32, #tpu.memory_space<vmem>>, vector<192x1x128xf32>
    %get3A_228 = vector.shape_cast %get3A_227 : vector<192x1x128xf32> to vector<192x128xf32>
    %get3A_229 = arith.constant 5 : index
    %get3A_230 = arith.constant 0 : index
    %get3A_231 = arith.constant 0 : index
    %get3A_232 = vector.load %arg3[%get3A_229, %get3A_230, %get3A_231] : memref<8x128x128xi32, #tpu.memory_space<vmem>>, vector<1x128x128xi32>
    %get3A_233 = vector.shape_cast %get3A_232 : vector<1x128x128xi32> to vector<128x128xi32>
    %transpose3A_234 = tpu.transpose %get3A_228, [1, 0] : vector<192x128xf32> -> vector<128x192xf32>
    %slice3A_235 = vector.extract_strided_slice %transpose3A_234 {offsets = [0, 0], sizes = [128, 128], strides = [1, 1]} : vector<128x192xf32> to vector<128x128xf32>
    %slice3A_236 = vector.extract_strided_slice %transpose3A_234 {offsets = [0, 128], sizes = [128, 64], strides = [1, 1]} : vector<128x192xf32> to vector<128x64xf32>
    %ge3A_237 = arith.constant 128 : i32
    %ge3A_238 = vector.broadcast %ge3A_237 : i32 to vector<128x128xi32>
    %ge3A_239 = arith.cmpi sge, %get3A_233, %ge3A_238 : vector<128x128xi32>
    %and3A_240 = arith.constant 127 : i32
    %and3A_241 = vector.broadcast %and3A_240 : i32 to vector<128x128xi32>
    %and3A_242 = arith.andi %get3A_233, %and3A_241 : vector<128x128xi32>
    %lt3A_243 = arith.constant 0 : i32
    %lt3A_244 = vector.broadcast %lt3A_243 : i32 to vector<128x128xi32>
    %lt3A_245 = arith.cmpi slt, %and3A_242, %lt3A_244 : vector<128x128xi32>
    %add3A_246 = arith.constant 128 : i32
    %add3A_247 = vector.broadcast %add3A_246 : i32 to vector<128x128xi32>
    %add3A_248 = arith.addi %and3A_242, %add3A_247 : vector<128x128xi32>
    %select_n3A_249 = arith.select %lt3A_245, %add3A_248, %and3A_242 : vector<128x128xi1>, vector<128x128xi32>
    %reshape3A_250 = vector.shape_cast %select_n3A_249 : vector<128x128xi32> to vector<128x128x1xi32>
    %gather3A_251 = vector.shape_cast %reshape3A_250 : vector<128x128x1xi32> to vector<128x128xi32>
    %gather3A_252 = tpu.dynamic_gather %slice3A_235[%gather3A_251] in [1] : vector<128x128xf32>, vector<128x128xi32> -> vector<128x128xf32>
    %lt3A_253 = arith.constant 0 : i32
    %lt3A_254 = vector.broadcast %lt3A_253 : i32 to vector<128x128xi32>
    %lt3A_255 = arith.cmpi slt, %and3A_242, %lt3A_254 : vector<128x128xi32>
    %add3A_256 = arith.constant 64 : i32
    %add3A_257 = vector.broadcast %add3A_256 : i32 to vector<128x128xi32>
    %add3A_258 = arith.addi %and3A_242, %add3A_257 : vector<128x128xi32>
    %select_n3A_259 = arith.select %lt3A_255, %add3A_258, %and3A_242 : vector<128x128xi1>, vector<128x128xi32>
    %reshape3A_260 = vector.shape_cast %select_n3A_259 : vector<128x128xi32> to vector<128x128x1xi32>
    %gather3A_261 = vector.shape_cast %reshape3A_260 : vector<128x128x1xi32> to vector<128x128xi32>
    %gather3A_262 = tpu.dynamic_gather %slice3A_236[%gather3A_261] in [1] : vector<128x64xf32>, vector<128x128xi32> -> vector<128x128xf32>
    %select_n3A_263 = arith.select %ge3A_239, %gather3A_262, %gather3A_252 : vector<128x128xi1>, vector<128x128xf32>
    %transpose3A_264 = tpu.transpose %select_n3A_263, [1, 0] : vector<128x128xf32> -> vector<128x128xf32>
    %swap3A_265 = arith.constant 0 : index
    %swap3A_266 = arith.constant 5 : index
    %swap3A_267 = arith.constant 0 : index
    %swap3A_268 = vector.load %arg4[%swap3A_265, %swap3A_266, %swap3A_267] : memref<128x8x128xf32, #tpu.memory_space<vmem>>, vector<128x1x128xf32>
    %swap3A_269 = vector.shape_cast %swap3A_268 : vector<128x1x128xf32> to vector<128x128xf32>
    %swap3A_270 = vector.shape_cast %transpose3A_264 : vector<128x128xf32> to vector<128x1x128xf32>
    tpu.vector_store %arg4[%swap3A_265, %swap3A_266, %swap3A_267], %swap3A_270 {strides = array<i32>} : memref<128x8x128xf32, #tpu.memory_space<vmem>>, vector<128x1x128xf32>,
    %get3A_271 = arith.constant 0 : index
    %get3A_272 = arith.constant 6 : index
    %get3A_273 = arith.constant 0 : index
    %get3A_274 = vector.load %arg2[%get3A_271, %get3A_272, %get3A_273] : memref<192x8x128xf32, #tpu.memory_space<vmem>>, vector<192x1x128xf32>
    %get3A_275 = vector.shape_cast %get3A_274 : vector<192x1x128xf32> to vector<192x128xf32>
    %get3A_276 = arith.constant 6 : index
    %get3A_277 = arith.constant 0 : index
    %get3A_278 = arith.constant 0 : index
    %get3A_279 = vector.load %arg3[%get3A_276, %get3A_277, %get3A_278] : memref<8x128x128xi32, #tpu.memory_space<vmem>>, vector<1x128x128xi32>
    %get3A_280 = vector.shape_cast %get3A_279 : vector<1x128x128xi32> to vector<128x128xi32>
    %transpose3A_281 = tpu.transpose %get3A_275, [1, 0] : vector<192x128xf32> -> vector<128x192xf32>
    %slice3A_282 = vector.extract_strided_slice %transpose3A_281 {offsets = [0, 0], sizes = [128, 128], strides = [1, 1]} : vector<128x192xf32> to vector<128x128xf32>
    %slice3A_283 = vector.extract_strided_slice %transpose3A_281 {offsets = [0, 128], sizes = [128, 64], strides = [1, 1]} : vector<128x192xf32> to vector<128x64xf32>
    %ge3A_284 = arith.constant 128 : i32
    %ge3A_285 = vector.broadcast %ge3A_284 : i32 to vector<128x128xi32>
    %ge3A_286 = arith.cmpi sge, %get3A_280, %ge3A_285 : vector<128x128xi32>
    %and3A_287 = arith.constant 127 : i32
    %and3A_288 = vector.broadcast %and3A_287 : i32 to vector<128x128xi32>
    %and3A_289 = arith.andi %get3A_280, %and3A_288 : vector<128x128xi32>
    %lt3A_290 = arith.constant 0 : i32
    %lt3A_291 = vector.broadcast %lt3A_290 : i32 to vector<128x128xi32>
    %lt3A_292 = arith.cmpi slt, %and3A_289, %lt3A_291 : vector<128x128xi32>
    %add3A_293 = arith.constant 128 : i32
    %add3A_294 = vector.broadcast %add3A_293 : i32 to vector<128x128xi32>
    %add3A_295 = arith.addi %and3A_289, %add3A_294 : vector<128x128xi32>
    %select_n3A_296 = arith.select %lt3A_292, %add3A_295, %and3A_289 : vector<128x128xi1>, vector<128x128xi32>
    %reshape3A_297 = vector.shape_cast %select_n3A_296 : vector<128x128xi32> to vector<128x128x1xi32>
    %gather3A_298 = vector.shape_cast %reshape3A_297 : vector<128x128x1xi32> to vector<128x128xi32>
    %gather3A_299 = tpu.dynamic_gather %slice3A_282[%gather3A_298] in [1] : vector<128x128xf32>, vector<128x128xi32> -> vector<128x128xf32>
    %lt3A_300 = arith.constant 0 : i32
    %lt3A_301 = vector.broadcast %lt3A_300 : i32 to vector<128x128xi32>
    %lt3A_302 = arith.cmpi slt, %and3A_289, %lt3A_301 : vector<128x128xi32>
    %add3A_303 = arith.constant 64 : i32
    %add3A_304 = vector.broadcast %add3A_303 : i32 to vector<128x128xi32>
    %add3A_305 = arith.addi %and3A_289, %add3A_304 : vector<128x128xi32>
    %select_n3A_306 = arith.select %lt3A_302, %add3A_305, %and3A_289 : vector<128x128xi1>, vector<128x128xi32>
    %reshape3A_307 = vector.shape_cast %select_n3A_306 : vector<128x128xi32> to vector<128x128x1xi32>
    %gather3A_308 = vector.shape_cast %reshape3A_307 : vector<128x128x1xi32> to vector<128x128xi32>
    %gather3A_309 = tpu.dynamic_gather %slice3A_283[%gather3A_308] in [1] : vector<128x64xf32>, vector<128x128xi32> -> vector<128x128xf32>
    %select_n3A_310 = arith.select %ge3A_286, %gather3A_309, %gather3A_299 : vector<128x128xi1>, vector<128x128xf32>
    %transpose3A_311 = tpu.transpose %select_n3A_310, [1, 0] : vector<128x128xf32> -> vector<128x128xf32>
    %swap3A_312 = arith.constant 0 : index
    %swap3A_313 = arith.constant 6 : index
    %swap3A_314 = arith.constant 0 : index
    %swap3A_315 = vector.load %arg4[%swap3A_312, %swap3A_313, %swap3A_314] : memref<128x8x128xf32, #tpu.memory_space<vmem>>, vector<128x1x128xf32>
    %swap3A_316 = vector.shape_cast %swap3A_315 : vector<128x1x128xf32> to vector<128x128xf32>
    %swap3A_317 = vector.shape_cast %transpose3A_311 : vector<128x128xf32> to vector<128x1x128xf32>
    tpu.vector_store %arg4[%swap3A_312, %swap3A_313, %swap3A_314], %swap3A_317 {strides = array<i32>} : memref<128x8x128xf32, #tpu.memory_space<vmem>>, vector<128x1x128xf32>,
    %get3A_318 = arith.constant 0 : index
    %get3A_319 = arith.constant 7 : index
    %get3A_320 = arith.constant 0 : index
    %get3A_321 = vector.load %arg2[%get3A_318, %get3A_319, %get3A_320] : memref<192x8x128xf32, #tpu.memory_space<vmem>>, vector<192x1x128xf32>
    %get3A_322 = vector.shape_cast %get3A_321 : vector<192x1x128xf32> to vector<192x128xf32>
    %get3A_323 = arith.constant 7 : index
    %get3A_324 = arith.constant 0 : index
    %get3A_325 = arith.constant 0 : index
    %get3A_326 = vector.load %arg3[%get3A_323, %get3A_324, %get3A_325] : memref<8x128x128xi32, #tpu.memory_space<vmem>>, vector<1x128x128xi32>
    %get3A_327 = vector.shape_cast %get3A_326 : vector<1x128x128xi32> to vector<128x128xi32>
    %transpose3A_328 = tpu.transpose %get3A_322, [1, 0] : vector<192x128xf32> -> vector<128x192xf32>
    %slice3A_329 = vector.extract_strided_slice %transpose3A_328 {offsets = [0, 0], sizes = [128, 128], strides = [1, 1]} : vector<128x192xf32> to vector<128x128xf32>
    %slice3A_330 = vector.extract_strided_slice %transpose3A_328 {offsets = [0, 128], sizes = [128, 64], strides = [1, 1]} : vector<128x192xf32> to vector<128x64xf32>
    %ge3A_331 = arith.constant 128 : i32
    %ge3A_332 = vector.broadcast %ge3A_331 : i32 to vector<128x128xi32>
    %ge3A_333 = arith.cmpi sge, %get3A_327, %ge3A_332 : vector<128x128xi32>
    %and3A_334 = arith.constant 127 : i32
    %and3A_335 = vector.broadcast %and3A_334 : i32 to vector<128x128xi32>
    %and3A_336 = arith.andi %get3A_327, %and3A_335 : vector<128x128xi32>
    %lt3A_337 = arith.constant 0 : i32
    %lt3A_338 = vector.broadcast %lt3A_337 : i32 to vector<128x128xi32>
    %lt3A_339 = arith.cmpi slt, %and3A_336, %lt3A_338 : vector<128x128xi32>
    %add3A_340 = arith.constant 128 : i32
    %add3A_341 = vector.broadcast %add3A_340 : i32 to vector<128x128xi32>
    %add3A_342 = arith.addi %and3A_336, %add3A_341 : vector<128x128xi32>
    %select_n3A_343 = arith.select %lt3A_339, %add3A_342, %and3A_336 : vector<128x128xi1>, vector<128x128xi32>
    %reshape3A_344 = vector.shape_cast %select_n3A_343 : vector<128x128xi32> to vector<128x128x1xi32>
    %gather3A_345 = vector.shape_cast %reshape3A_344 : vector<128x128x1xi32> to vector<128x128xi32>
    %gather3A_346 = tpu.dynamic_gather %slice3A_329[%gather3A_345] in [1] : vector<128x128xf32>, vector<128x128xi32> -> vector<128x128xf32>
    %lt3A_347 = arith.constant 0 : i32
    %lt3A_348 = vector.broadcast %lt3A_347 : i32 to vector<128x128xi32>
    %lt3A_349 = arith.cmpi slt, %and3A_336, %lt3A_348 : vector<128x128xi32>
    %add3A_350 = arith.constant 64 : i32
    %add3A_351 = vector.broadcast %add3A_350 : i32 to vector<128x128xi32>
    %add3A_352 = arith.addi %and3A_336, %add3A_351 : vector<128x128xi32>
    %select_n3A_353 = arith.select %lt3A_349, %add3A_352, %and3A_336 : vector<128x128xi1>, vector<128x128xi32>
    %reshape3A_354 = vector.shape_cast %select_n3A_353 : vector<128x128xi32> to vector<128x128x1xi32>
    %gather3A_355 = vector.shape_cast %reshape3A_354 : vector<128x128x1xi32> to vector<128x128xi32>
    %gather3A_356 = tpu.dynamic_gather %slice3A_330[%gather3A_355] in [1] : vector<128x64xf32>, vector<128x128xi32> -> vector<128x128xf32>
    %select_n3A_357 = arith.select %ge3A_333, %gather3A_356, %gather3A_346 : vector<128x128xi1>, vector<128x128xf32>
    %transpose3A_358 = tpu.transpose %select_n3A_357, [1, 0] : vector<128x128xf32> -> vector<128x128xf32>
    %swap3A_359 = arith.constant 0 : index
    %swap3A_360 = arith.constant 7 : index
    %swap3A_361 = arith.constant 0 : index
    %swap3A_362 = vector.load %arg4[%swap3A_359, %swap3A_360, %swap3A_361] : memref<128x8x128xf32, #tpu.memory_space<vmem>>, vector<128x1x128xf32>
    %swap3A_363 = vector.shape_cast %swap3A_362 : vector<128x1x128xf32> to vector<128x128xf32>
    %swap3A_364 = vector.shape_cast %transpose3A_358 : vector<128x128xf32> to vector<128x1x128xf32>
    tpu.vector_store %arg4[%swap3A_359, %swap3A_360, %swap3A_361], %swap3A_364 {strides = array<i32>} : memref<128x8x128xf32, #tpu.memory_space<vmem>>, vector<128x1x128xf32>,
    return
  }
  func.func @transform_0(%arg0: i32, %arg1: i32) -> (i32, i32, i32) {
    %c0_i32 = arith.constant 0 : i32
    %c0_i32_0 = arith.constant 0 : i32
    return %c0_i32, %arg0, %arg1 : i32, i32, i32
  }
  func.func @transform_1(%arg0: i32, %arg1: i32) -> (i32, i32, i32) {
    %c0_i32 = arith.constant 0 : i32
    %c0_i32_0 = arith.constant 0 : i32
    return %arg0, %arg1, %c0_i32 : i32, i32, i32
  }
  func.func @transform_2(%arg0: i32, %arg1: i32) -> (i32, i32, i32) {
    %c0_i32 = arith.constant 0 : i32
    %c0_i32_0 = arith.constant 0 : i32
    return %c0_i32, %arg0, %arg1 : i32, i32, i32
  }
}

</mosaic_0001>

<sc_bundles>
// kernel: kernel.4.cloned.1.call-start
scs
__scs_entry_jumppad:
0x0: {  	(pc) =	sbr.rel $0x88, $3  }
0x1: {  	(tag) =	ssettag $0x0;
	lr =	simm.s32 $0x1  }
0x2: {  	[smem:$0x3F9F] =	sst lr;
	_ =	strace $0xD0000000  }
0x3: {  	_ = 	snop  }
0x4: {  	_ = 	snop  }
0x5: {  	_ = 	snop  }
0x6: {  	_ = 	snop  }
0x7: {  	_ = 	snop  }
__scs_overlays_trampoline_lowered:
0x8: {  	[smem:$0x3FAE] =	sst s0  }
0x9: {  	[smem:$0x3FAF] =	sst s1  }
0xa: {  	[smem:$0x3FB0] =	sst s2  }
0xb: {  	[smem:$0x3FB1] =	sst s3  }
0xc: {  	[smem:$0x3FB2] =	sst s4  }
0xd: {  	[smem:$0x3FB3] =	sst s5  }
0xe: {  	[smem:$0x3FB4] =	sst s6  }
0xf: {  	[smem:$0x3FB5] =	sst s7  }
0x10: {  	[smem:$0x3FB6] =	sst s8  }
0x11: {  	[smem:$0x3FB7] =	sst s9;
	s0 =	simm.s32 @!p0 $0x0  }
0x12: {  	s1 =	sld [smem:$0x3F9D];
	s0 =	simm.s32 @p0 $0x1  }
0x13: {  	[smem:$0x3FB8] =	sst s0;
	s0 =	simm.s32 @!p1 $0x0  }
0x14: {  	s2 =	sld [smem:$0x3F9C];
	s0 =	simm.s32 @p1 $0x1  }
0x15: {  	[smem:$0x3FB9] =	sst s0;
	s0 =	simm.s32 @!p2 $0x0  }
0x16: {  	s3 =	sld [smem:$0x3FDB];
	s0 =	simm.s32 @p2 $0x1  }
0x17: {  	s4 =	simm.s32 $0x1BF5;
	[smem:$0x3FBB] =	sst s0  }
0x18: {  	s0 =	sld [smem:$0x3F9E];
	_ =	swait.ge [sflag:s4], $0x0  }
0x19: {  	s7 =	sld [smem:$0x3F9F]  }
0x1a: {  	s8 =	sadd.s32 $0xFFFFE003, lr  }
0x1b: {  	s9 =	sadd.s32 $0xFFFFFEF7, lr;
	s5 =	simm.s32 $0xFFFFFFFF;
	p2 =	slt.u32 s8, $0xFFFFF086  }
0x1c: {  	p1 =	slt.u32 s9, $0xF7A;
	s5 =	simm.s32 @!p2 $0x0  }
0x1d: {  	s5 =	simm.s32 @p1 $0x1;
	p0 =	seq.s32 s7, s2  }
0x1e: {  	s7 =	smul.u32 @!p0 $0xF7A, s2;
	p2 =	seq.s32 @!p0 s5, $0x0  }
0x1f: {  	s9 =	smul.u32 $0xF7A, s1;
	s8 =	simm.s32 @!p0 $0x1BF5;
	p2 =	por !p2, p0  }
0x20: {  	[sflag:s8] =	ssyncset.s32 @!p0 $0xFFFFF086;
	s6 =	sadd.s32 @!p0 s3, s7;
	s7 =	simm.s32 @!p0 $0x108  }
0x21: {  	s3 =	sadd.s32 s3, s9;
	s6 =	sadd.s32 @!p0 $0x88, s6;
	s7 =	simm.s32 @p2 $0x1082  }
0x22: {  	[simem:s7], [sflag:s8] =	dma.local @!p0 [hbm:s6], $0xF7A  }
0x23: {  	s9 =	sor.u32 $0xD0000000, s2;
	s6 =	simm.s32 $0x108;
	_ =	swait.ge @!p0 [sflag:s8], $0x0  }
0x24: {  	s3 =	sadd.s32 $0x88, s3;
	s6 =	simm.s32 @!p1 $0x1082;
	[sflag:s4] =	ssyncset.s32 $0xFFFFF086  }
0x25: {  	[simem:s6], [sflag:s4] =	dma.local [hbm:s3], $0xF7A  }
0x26: {  	[smem:$0x3F9F] =	sst s1;
	(tag) =	ssettag s2;
	_ =	strace s9  }
0x27: {  	s1 =	sld [smem:$0x3FAF]  }
0x28: {  	s2 =	sld [smem:$0x3FB0]  }
0x29: {  	s4 =	sld [smem:$0x3FB2]  }
0x2a: {  	p0 =	seq.s32 s5, $0x0;
	s5 =	sld [smem:$0x3FB3]  }
0x2b: {  	s6 =	sld [smem:$0x3FB4]  }
0x2c: {  	s7 =	sld [smem:$0x3FB5]  }
0x2d: {  	s3 =	simm.s32 $0x108;
	s8 =	sld [smem:$0x3FB6]  }
0x2e: {  	s3 =	simm.s32 @!p0 $0x1082;
	s9 =	sld [smem:$0x3FB7]  }
0x2f: {  	lr =	sadd.s32 s0, s3;
	s0 =	sld [smem:$0x3FAE]  }
0x30: {  	s3 =	sld [smem:$0x3FB1]  }
0x31: {  	[smem:$0x3FBA] =	sst s10  }
0x32: {  	s10 =	sld [smem:$0x3FB8];
	_ =	sdelay $0x3  }
0x33: {  	p0 =	seq.s32 s10, $0x1;
	s10 =	sld [smem:$0x3FBA];
	_ =	sdelay $0x3  }
0x34: {  	[smem:$0x3FBA] =	sst s10  }
0x35: {  	s10 =	sld [smem:$0x3FB9];
	_ =	sdelay $0x3  }
0x36: {  	p1 =	seq.s32 s10, $0x1;
	s10 =	sld [smem:$0x3FBA];
	_ =	sdelay $0x3  }
0x37: {  	[smem:$0x3FBA] =	sst s10  }
0x38: {  	s10 =	sld [smem:$0x3FBB]  }
0x39: {  	_ = 	snop;
	(pc) =	sbr.ind lr, $3  }
0x3a: {  	_ = 	snop  }
0x3b: {  	_ = 	snop  }
0x3c: {  	p2 =	seq.s32 s10, $0x1;
	s10 =	sld [smem:$0x3FBA]  }
0x3d: {  	_ =	shalt  }
0x3e: {  	_ =	shalt  }
0x3f: {  	_ =	shalt  }
0x40: {  	_ =	shalt  }
0x41: {  	_ =	shalt  }
0x42: {  	_ =	shalt  }
0x43: {  	_ =	shalt  }
0x44: {  	_ =	shalt  }
0x45: {  	_ =	shalt  }
0x46: {  	_ =	shalt  }
0x47: {  	_ =	shalt  }
0x48: {  	_ =	shalt  }
0x49: {  	_ =	shalt  }
0x4a: {  	_ =	shalt  }
0x4b: {  	_ =	shalt  }
0x4c: {  	_ =	shalt  }
0x4d: {  	_ =	shalt  }
0x4e: {  	_ =	shalt  }
0x4f: {  	_ =	shalt  }
0x50: {  	_ =	shalt  }
0x51: {  	_ =	shalt  }
0x52: {  	_ =	shalt  }
0x53: {  	_ =	shalt  }
0x54: {  	_ =	shalt  }
0x55: {  	_ =	shalt  }
0x56: {  	_ =	shalt  }
0x57: {  	_ =	shalt  }
0x58: {  	_ =	shalt  }
0x59: {  	_ =	shalt  }
0x5a: {  	_ =	shalt  }
0x5b: {  	_ =	shalt  }
0x5c: {  	_ =	shalt  }
0x5d: {  	_ =	shalt  }
0x5e: {  	_ =	shalt  }
0x5f: {  	_ =	shalt  }
0x60: {  	_ =	shalt  }
0x61: {  	_ =	shalt  }
0x62: {  	_ =	shalt  }
0x63: {  	_ =	shalt  }
0x64: {  	_ =	shalt  }
0x65: {  	_ =	shalt  }
0x66: {  	_ =	shalt  }
0x67: {  	_ =	shalt  }
0x68: {  	_ =	shalt  }
0x69: {  	_ =	shalt  }
0x6a: {  	_ =	shalt  }
0x6b: {  	_ =	shalt  }
0x6c: {  	_ =	shalt  }
0x6d: {  	_ =	shalt  }
0x6e: {  	_ =	shalt  }
0x6f: {  	_ =	shalt  }
0x70: {  	_ =	shalt  }
0x71: {  	_ =	shalt  }
0x72: {  	_ =	shalt  }
0x73: {  	_ =	shalt  }
0x74: {  	_ =	shalt  }
0x75: {  	_ =	shalt  }
0x76: {  	_ =	shalt  }
0x77: {  	_ =	shalt  }
0x78: {  	_ =	shalt  }
0x79: {  	_ =	shalt  }
0x7a: {  	_ =	shalt  }
0x7b: {  	_ =	shalt  }
0x7c: {  	_ =	shalt  }
0x7d: {  	_ =	shalt  }
0x7e: {  	_ =	shalt  }
0x7f: {  	_ =	shalt  }
0x80: {  	_ =	shalt  }
0x81: {  	_ =	shalt  }
0x82: {  	_ =	shalt  }
0x83: {  	_ =	shalt  }
0x84: {  	_ =	shalt  }
0x85: {  	_ =	shalt  }
0x86: {  	_ =	shalt  }
0x87: {  	_ =	shalt  }
.Lfunc_end0:
.L_simem_size_0:
called_computation_lowered:
.L_overlay_start_0:
0x88: {  	s2 =	sld [smem:$0x3FD9]  }
0x89: {  	s3 =	sld [smem:$0x3FFE];
	_ =	sdelay $0x1  }
0x8a: {  	s1 =	srdreg.scid  }
0x8b: {  	s0 =	sand.u32 $0x1, s1  }
0x8c: {  	s17 =	sshll.u32 s0, $0xA;
	s2 =	sadd.s32 s3, s2  }
0x8d: {  	s2 =	sadd.s32 s2, s17  }
0x8e: {  	[smem:$0x3FC6] =	sst s2  }
0x8f: {  	_ = 	snop  }
0x90: {  	s2 =	sld [smem:$0x3FC9];
	(tm) =	ssettm $0x1  }
0x91: {  	s18 =	sld [smem:$0x3FFB];
	_ =	sdelay $0x3  }
0x92: {  	_ =	strace s18  }
0x93: {  	s3 =	sld [smem:$0x3FFC];
	_ =	sdelay $0x3  }
0x94: {  	_ =	strace s3  }
0x95: {  	s3 =	sld [smem:$0x3FFD];
	_ =	sdelay $0x3  }
0x96: {  	_ =	strace s3  }
0x97: {  	_ =	strace $0x8FFFFFFF  }
0x98: {  	s19 =	sld [smem:$0x3FDB];
	_ =	sdelay $0x1  }
0x99: {  	s4 =	simm.s32 $_scs_section_size  }
0x9a: {  	s5 =	simm.s32 $_size__tile_overlayer_lowered;
	s6 =	simm.s32 $_tile_overlayer_lowered  }
0x9b: {  	s22 =	simm.s32 $0x1BFF;
	s21 =	sshll.u32 s6, $0x1;
	s3 =	sadd.s32 s4, s19  }
0x9c: {  	s7 =	simm.s32 $0x0;
	s20 =	sshll.u32 s5, $0x1;
	s5 =	sadd.s32 s21, s3  }
0x9d: {  	[timem:s7], [sflag:s22] =	dma.local [hbm:s5], s20  }
0x9e: {  	_ =	swait.ge [sflag:s22], s20  }
0x9f: {  	s4 =	ssub.s32 $0x0, s20;
	[sflag:s22] =	ssyncset.done $0x0  }
0xa0: {  	[sflag:s22] =	ssyncadd.s32 s4;
	_ =	sdelay $0x1  }
0xa1: {  	s23 =	simm.s32 $0x1B8B  }
0xa2: {  	_ =	swait.ge [sflag:s23], $0x1  }
0xa3: {  	[sflag:s23] =	ssyncset.done $0x0  }
0xa4: {  	s25 =	simm.s32 $0x1B8E;
	s24 =	sld [smem:$0x3FFE];
	[sflag:s23] =	ssyncadd.s32 $0xFFFFFFFF  }
0xa5: {  	s26 =	simm.s32 $execute0_lowered;
	[smem:$0x3FD2] =	sst s25  }
0xa6: {  	s5 =	sshll.u32 s26, $0x1;
	_ =	strace $0x80000046;
	[dreg:$0x1] =	wrdreg $0xFFFFFFFF  }
0xa7: {  	s28 =	simm.s32 $_size_execute0_lowered;
	s3 =	sadd.s32 s3, s5;
	[dreg:$0x0] =	wrdreg $0x0  }
0xa8: {  	s5 =	sshll.u32 s28, $0x1;
	[dreg:$0x2] =	wrdreg s3  }
0xa9: {  	[dreg:$0x3] =	wrdreg s5  }
0xaa: {  	[dreg:$0x4] =	wrdreg $0xC0  }
0xab: {  	_ =	task [dreg:s7], $0x5FFFF  }
0xac: {  	[dreg:$0x1] =	wrdreg $0xFFFFFFFF  }
0xad: {  	[dreg:$0x0] =	wrdreg $0x60  }
0xae: {  	[dreg:$0x2] =	wrdreg s2  }
0xaf: {  	[dreg:$0x3] =	wrdreg s24  }
0xb0: {  	[dreg:$0x4] =	wrdreg $0x9  }
0xb1: {  	_ =	task.clear_ibuf [dreg:s7], $0x5FFFF;
	_ =	strace $0x90000046  }
0xb2: {  	s29 =	simm.s32 $0x9;
	_ =	strace $0x80000048  }
0xb3: {  	_ =	swait.ge [sflag:s29], $0x1  }
0xb4: {  	[sflag:s29] =	ssyncadd.s32 $0xFFFFFFFF  }
0xb5: {  	_ =	strace $0x90000048  }
0xb6: {  	_ =	sfence  }
0xb7: {  	s30 =	sld [smem:$0x0];
	_ =	sdelay $0x2  }
0xb8: {  	s31 =	sshll.u32 s1, $0xD;
	s1 =	sshrl.u32 s1, $0x2  }
0xb9: {  	s3 =	sand.u32 $0x4000, s31;
	s1 =	sadd.s32 s1, s30  }
0xba: {  	s0 =	sor.u32 s3, s0;
	s1 =	sshll.u32 s1, $0x11  }
0xbb: {  	s0 =	sor.u32 s1, s0  }
0xbc: {  	s0 =	sadd.s32 $0x8F2B, s0  }
0xbd: {  	[sflag:s0] =	ssyncadd.remote.s32 $0x1  }
0xbe: {  	_ =	sfence.sel $0xFFFF  }
0xbf: {  	[dreg:$0x0] =	wrdreg $0xFFFFFFFF;
	(pc) =	sbr.abs _section_cstart, $3  }
0xc0: {  	[dreg:$0x1] =	wrdreg $0xFFFFFFFF  }
0xc1: {  	_ =	task.clear_ibuf [dreg:s7], $0x2FFFF;
	_ =	strace $0x9FFFFFFF  }
0xc2: {  	(tm) =	ssettm $0x7FFFFFFF  }
0xc3: {  	_ =	shalt  }
tec
execute0_lowered:
.L_overlay_start_1:
0x0: {  	(tag) =	ssettag $0x1  }
0x1: {  	v0 =	vimm.s32 $0xF80  }
0x2: {  	vm14 =	vcmask $0x300;
	vm13 =	vcmask $0x704;
	v1 =	vimm.s32 $0x1F80  }
0x3: {  	vm12 =	vcmask $0xB08;
	vm11 =	vcmask $0xF0C;
	vm10 =	vcmask $0x1310  }
0x4: {  	vm9 =	vcmask $0x1714;
	vm8 =	vcmask $0x1B18;
	vm7 =	vcmask $0x1F1C  }
0x5: {  	vm6 =	vcmask $0x2320;
	vm5 =	vcmask $0x2724;
	vm4 =	vcmask $0x2B28  }
0x6: {  	vm3 =	vcmask $0x2F2C;
	vm2 =	vcmask $0x3330;
	vm1 =	vcmask $0x3734  }
0x7: {  	vm0 =	vcmask $0x3B38;
	v4 =	vimm.s32 $0x2F80;
	v5 =	vimm.s32 $0x3F80  }
0x8: {  	v6 =	vimm.s32 $0x4F80;
	v10 =	vimm.s32 $0x5F80;
	v11 =	vimm.s32 $0x6F80  }
0x9: {  	v12 =	vimm.s32 $0x7F80;
	v0 =	vsel vm14, $0x400, v0;
	v1 =	vsel vm14, $0x1400, v1  }
0xa: {  	v4 =	vsel vm14, $0x2400, v4;
	v5 =	vsel vm14, $0x3400, v5;
	v6 =	vsel vm14, $0x4400, v6  }
0xb: {  	v10 =	vsel vm14, $0x5400, v10;
	v11 =	vsel vm14, $0x6400, v11;
	v12 =	vsel vm14, $0x7400, v12  }
0xc: {  	v0 =	vsel vm13, $0x480, v0;
	v1 =	vsel vm13, $0x1480, v1;
	v4 =	vsel vm13, $0x2480, v4  }
0xd: {  	v5 =	vsel vm13, $0x3480, v5;
	v6 =	vsel vm13, $0x4480, v6;
	v10 =	vsel vm13, $0x5480, v10  }
0xe: {  	v11 =	vsel vm13, $0x6480, v11;
	v12 =	vsel vm13, $0x7480, v12;
	v0 =	vsel vm12, $0x500, v0  }
0xf: {  	v1 =	vsel vm12, $0x1500, v1;
	v4 =	vsel vm12, $0x2500, v4;
	v5 =	vsel vm12, $0x3500, v5  }
0x10: {  	v6 =	vsel vm12, $0x4500, v6;
	v10 =	vsel vm12, $0x5500, v10;
	v11 =	vsel vm12, $0x6500, v11  }
0x11: {  	v12 =	vsel vm12, $0x7500, v12;
	v0 =	vsel vm11, $0x580, v0;
	v1 =	vsel vm11, $0x1580, v1  }
0x12: {  	v4 =	vsel vm11, $0x2580, v4;
	v5 =	vsel vm11, $0x3580, v5;
	v6 =	vsel vm11, $0x4580, v6  }
0x13: {  	v10 =	vsel vm11, $0x5580, v10;
	v11 =	vsel vm11, $0x6580, v11;
	v12 =	vsel vm11, $0x7580, v12  }
0x14: {  	v0 =	vsel vm10, $0x600, v0;
	v1 =	vsel vm10, $0x1600, v1;
	v4 =	vsel vm10, $0x2600, v4  }
0x15: {  	v5 =	vsel vm10, $0x3600, v5;
	v6 =	vsel vm10, $0x4600, v6;
	v10 =	vsel vm10, $0x5600, v10  }
0x16: {  	v11 =	vsel vm10, $0x6600, v11;
	v12 =	vsel vm10, $0x7600, v12;
	v0 =	vsel vm9, $0x680, v0  }
0x17: {  	v1 =	vsel vm9, $0x1680, v1;
	v4 =	vsel vm9, $0x2680, v4;
	v5 =	vsel vm9, $0x3680, v5  }
0x18: {  	v6 =	vsel vm9, $0x4680, v6;
	v10 =	vsel vm9, $0x5680, v10;
	v11 =	vsel vm9, $0x6680, v11  }
0x19: {  	v12 =	vsel vm9, $0x7680, v12;
	v0 =	vsel vm8, $0x700, v0;
	v1 =	vsel vm8, $0x1700, v1  }
0x1a: {  	v4 =	vsel vm8, $0x2700, v4;
	v5 =	vsel vm8, $0x3700, v5;
	v6 =	vsel vm8, $0x4700, v6  }
0x1b: {  	v10 =	vsel vm8, $0x5700, v10;
	v11 =	vsel vm8, $0x6700, v11;
	v12 =	vsel vm8, $0x7700, v12  }
0x1c: {  	v0 =	vsel vm7, $0x780, v0;
	v1 =	vsel vm7, $0x1780, v1;
	v4 =	vsel vm7, $0x2780, v4  }
0x1d: {  	v5 =	vsel vm7, $0x3780, v5;
	v6 =	vsel vm7, $0x4780, v6;
	v10 =	vsel vm7, $0x5780, v10  }
0x1e: {  	v11 =	vsel vm7, $0x6780, v11;
	v12 =	vsel vm7, $0x7780, v12;
	v0 =	vsel vm6, $0xC00, v0  }
0x1f: {  	v1 =	vsel vm6, $0x1C00, v1;
	v4 =	vsel vm6, $0x2C00, v4;
	v5 =	vsel vm6, $0x3C00, v5  }
0x20: {  	v6 =	vsel vm6, $0x4C00, v6;
	v10 =	vsel vm6, $0x5C00, v10;
	v11 =	vsel vm6, $0x6C00, v11  }
0x21: {  	v12 =	vsel vm6, $0x7C00, v12;
	v0 =	vsel vm5, $0xC80, v0;
	v1 =	vsel vm5, $0x1C80, v1  }
0x22: {  	v4 =	vsel vm5, $0x2C80, v4;
	v5 =	vsel vm5, $0x3C80, v5;
	v6 =	vsel vm5, $0x4C80, v6  }
0x23: {  	v10 =	vsel vm5, $0x5C80, v10;
	v11 =	vsel vm5, $0x6C80, v11;
	v12 =	vsel vm5, $0x7C80, v12  }
0x24: {  	v0 =	vsel vm4, $0xD00, v0;
	v1 =	vsel vm4, $0x1D00, v1;
	v4 =	vsel vm4, $0x2D00, v4  }
0x25: {  	v5 =	vsel vm4, $0x3D00, v5;
	v6 =	vsel vm4, $0x4D00, v6;
	v10 =	vsel vm4, $0x5D00, v10  }
0x26: {  	v11 =	vsel vm4, $0x6D00, v11;
	v12 =	vsel vm4, $0x7D00, v12;
	v0 =	vsel vm3, $0xD80, v0  }
0x27: {  	s1 =	srdreg.scid;
	v1 =	vsel vm3, $0x1D80, v1;
	v4 =	vsel vm3, $0x2D80, v4;
	v5 =	vsel vm3, $0x3D80, v5  }
0x28: {  	s0 =	stileid.u32;
	s8 =	rddreg [dreg:$0x1];
	v6 =	vsel vm3, $0x4D80, v6;
	v10 =	vsel vm3, $0x5D80, v10;
	v11 =	vsel vm3, $0x6D80, v11  }
0x29: {  	s4 =	simm.s32 $0x0;
	s12 =	simm.s32 $0xC000;
	s13 =	simm.s32 $0x6000;
	v12 =	vsel vm3, $0x7D80, v12;
	v0 =	vsel vm2, $0xE00, v0;
	v1 =	vsel vm2, $0x1E00, v1  }
0x2a: {  	s14 =	simm.s32 $0x14000;
	s6 =	sand.u32 $0x1, s1;
	s2 =	sshll.u32 s0, $0x1;
	v4 =	vsel vm2, $0x2E00, v4;
	v5 =	vsel vm2, $0x3E00, v5;
	v8 =	vsel vm2, $0x4E00, v6  }
0x2b: {  	s15 =	simm.s32 $0x1;
	s16 =	simm.s32 $0x1C000;
	s7 =	sor.u32 s6, s2;
	v10 =	vsel vm2, $0x5E00, v10;
	v11 =	vsel vm2, $0x6E00, v11;
	v14 =	vsel vm2, $0x7E00, v12  }
0x2c: {  	s17 =	simm.s32 $0x1D000;
	s18 =	simm.s32 $0x2;
	s3 =	smul.u32 $0xC, s7;
	v0 =	vsel vm1, $0xE80, v0;
	v2 =	vsel vm1, $0x1E80, v1;
	v1 =	vlaneseq.u32  }
0x2d: {  	s19 =	simm.s32 $0x3;
	s20 =	simm.s32 $0x0;
	[smem:$0x7FF] =	sst s4;
	v4 =	vsel vm1, $0x2E80, v4;
	v7 =	vsel vm1, $0x3E80, v5;
	v8 =	vsel vm1, $0x4E80, v8  }
0x2e: {  	s1 =	rddreg [dreg:$0x0];
	_ =	strace $0x80000047;
	s5 =	sshrl.u32 s3, $0x3;
	v10 =	vsel vm1, $0x5E80, v10;
	v13 =	vsel vm1, $0x6E80, v11;
	v14 =	vsel vm1, $0x7E80, v14  }
0x2f: {  	s10 =	sshll.u32 s6, $0x9;
	s11 =	ssub.s32 $0x2, s6;
	s9 =	smul.u32 $0xC00, s5;
	v0 =	vsel vm0, $0xF00, v0;
	v2 =	vsel vm0, $0x1F00, v2;
	v3 =	vor.u32 $0x10, v1  }
0x30: {  	s6 =	sadd.s32 $0x480400, s8;
	s28 =	smul.u32 $0x24000, s7;
	s29 =	sshrl.u32 s11, $0x1;
	v4 =	vsel vm0, $0x2F00, v4;
	v5 =	vor.u32 $0x20, v1;
	v6 =	vsel vm0, $0x3F00, v7  }
0x31: {  	s31 =	ssub.s32 s11, s29;
	s5 =	sadd.s32 $0x400, s8;
	s9 =	sor.u32 s10, s9;
	v7 =	vor.u32 $0x30, v1;
	v8 =	vsel vm0, $0x4F00, v8;
	v9 =	vor.u32 $0x40, v1  }
0x32: {  	s11 =	simm.s32 $0x24000;
	s8 =	sadd.s32 s5, s28;
	s30 =	sshrl.u32 s9, $0x3;
	v10 =	vsel vm0, $0x5F00, v10;
	v11 =	vor.u32 $0x50, v1;
	v12 =	vsel vm0, $0x6F00, v13  }
0x33: {  	s10 =	simm.s32 $0x80;
	s9 =	smax.u32 s31, $0x1;
	s7 =	sadd.s32 s1, s30;
	v13 =	vor.u32 $0x60, v1;
	v14 =	vsel vm0, $0x7F00, v14;
	v15 =	vor.u32 $0x70, v1  }
.LBB2_1:
0x34: {  	[tilespmem:s4], [sflag:$0x1] =	stream.strided.gather [hbm4b:s7+s10], $0x6000, s11, s10, $0x38;
	[tilespmem:$0x1E000] =	vst v63  }
0x35: {  	s21 =	simm.s32 $0x0  }
0x36: {  	[tilespmem:s12], [sflag:$0x1] =	stream.linear.gather [hbm4b:s8+s4], $0x8000, $0x38;
	[tilespmem:$0x1E000] =	vst v63  }
.LBB2_2:
0x37: {  	s22 =	sshllo.u32 s21, $0x1  }
0x38: {  	s23 =	sand.u32 $0xFF, s22  }
0x39: {  	s23 =	smul.u32 $0xAB, s23;
	_ =	sdelay $0x1  }
0x3a: {  	s23 =	sshrl.u32 s23, $0x9  }
0x3b: {  	s24 =	smul.u32 $0x3, s23  }
0x3c: {  	s23 =	sadd.s32 s23, s3  }
0x3d: {  	s25 =	sshrl.u32 s23, $0x3;
	s22 =	ssub.s32 s22, s24  }
0x3e: {  	s2 =	smul.u32 $0xC00, s25;
	s25 =	sand.u32 $0xFF, s22  }
0x3f: {  	s26 =	sshll.u32 s23, $0x7;
	s22 =	sshll.u32 s25, $0xA  }
0x40: {  	s23 =	smul.u32 $0x18000, s23;
	s26 =	sand.u32 $0x380, s26;
	s22 =	sadd.s32 s22, s2  }
0x41: {  	s22 =	sor.u32 s26, s22;
	s26 =	sshll.u32 s25, $0xF  }
0x42: {  	s22 =	sshrl.u32 s22, $0x3;
	s23 =	sadd.s32 s26, s23  }
0x43: {  	s2 =	sadd.s32 s1, s22;
	s23 =	sshrl.u32 s23, $0x3  }
0x44: {  	[tilespmem:s13], [sflag:$0x2] =	stream.strided.gather [hbm4b:s2+s10], $0x6000, s11, s10, $0x38;
	[tilespmem:$0x1E000] =	vst v63  }
0x45: {  	s23 =	sadd.s32 s5, s23  }
0x46: {  	[tilespmem:s14], [sflag:$0x2] =	stream.linear.gather [hbm4b:s23+s4], $0x8000, $0x38;
	[tilespmem:$0x1E000] =	vst v63  }
0x47: {  	_ =	swait.ge [sflag:s15], $0x6000  }
0x48: {  	[sflag:s15] =	ssyncset.done $0x0  }
0x49: {  	s2 =	simm.s32 $0x81;
	[sflag:s15] =	ssyncadd.s32 $0xFFFFA000  }
0x4a: {  	v16 =	vmov s2;
	_ =	swait.ge [sflag:s15], $0x8000  }
0x4b: {  	p0 =	seq.s32 s21, $0x0;
	v16 =	vand.u32 $0x1F, v16;
	[sflag:s15] =	ssyncset.done $0x0  }
0x4c: {  	s23 =	simm.s32 @!p0 $0x3;
	v24 =	vbroadcast v16, $0x0;
	[sflag:s15] =	ssyncadd.s32 $0xFFFF8000  }
0x4d: {  	_ =	swait.ge @!p0 [sflag:s23], $0x1000  }
0x4e: {  	v16 =	vor.u32 v0, v24;
	[sflag:s23] =	ssyncset.done @!p0 $0x0  }
0x4f: {  	[sflag:s23] =	ssyncadd.s32 @!p0 $0xFFFFF000  }
0x50: {  	_ =	swait.ge @!p0 [sflag:s23], $0x1000  }
0x51: {  	[sflag:s23] =	ssyncset.done @!p0 $0x0  }
0x52: {  	[sflag:s23] =	ssyncadd.s32 @!p0 $0xFFFFF000  }
0x53: {  	s24 =	simm.s32 $0x0;
	v16 =	vld.idx.msk [tilespmem:v16+s12+$0x0], $0xffff  }
0x54: {  	v17 =	vmov s24  }
0x55: {  	v17 =	vand.u32 $0x1E, v17  }
0x56: {  	v27 =	vbroadcast v17, $0x0;
	_ =	sdelay $0x1  }
0x57: {  	v17 =	vor.u32 v0, v27;
	v16 =	vshll.u32 v16, $0x7  }
0x58: {  	v16 =	vor.u32 v1, v16;
	_ =	sdelay $0x3  }
0x59: {  	v17 =	vld.idx.msk [tilespmem:v17+s12+$0x0], $0xffff  }
0x5a: {  	v16 =	vld.idx.msk [tilespmem:v16+s4+$0x0], $0xffff  }
0x5b: {  	v18 =	vor.u32 v2, v24;
	_ =	sdelay $0x2  }
0x5c: {  	s24 =	simm.s32 $0x1C080;
	v17 =	vshll.u32 v17, $0x7  }
0x5d: {  	v17 =	vor.u32 v1, v17;
	[tilespmem:s24+$0x0] =	vst v16  }
0x5e: {  	v18 =	vld.idx.msk [tilespmem:v18+s12+$0x0], $0xffff;
	_ =	sdelay $0x1  }
0x5f: {  	s25 =	simm.s32 $0x83  }
0x60: {  	v16 =	vmov s25  }
0x61: {  	v17 =	vld.idx.msk [tilespmem:v17+s4+$0x0], $0xffff;
	v16 =	vand.u32 $0x1F, v16  }
0x62: {  	v19 =	vor.u32 v2, v27;
	v16 =	vbroadcast v16, $0x0;
	v18 =	vshll.u32 v18, $0x7  }
0x63: {  	v18 =	vor.u32 v3, v18  }
0x64: {  	v20 =	vor.u32 v0, v16;
	_ =	sdelay $0x1  }
0x65: {  	[tilespmem:s24+$0xFFFFFF80] =	vst v17  }
0x66: {  	s26 =	simm.s32 $0x2;
	v19 =	vld.idx.msk [tilespmem:v19+s12+$0x0], $0xffff  }
0x67: {  	v17 =	vmov s26;
	v18 =	vld.idx.msk [tilespmem:v18+s4+$0x0], $0xffff  }
0x68: {  	v21 =	vor.u32 v4, v24;
	v17 =	vand.u32 $0x1E, v17;
	v20 =	vld.idx.msk [tilespmem:v20+s12+$0x0], $0xffff  }
0x69: {  	v17 =	vbroadcast v17, $0x0;
	_ =	sdelay $0x1  }
0x6a: {  	v22 =	vor.u32 v0, v17;
	v19 =	vshll.u32 v19, $0x7  }
0x6b: {  	v19 =	vor.u32 v3, v19;
	[tilespmem:s24+$0x10] =	vst v18  }
0x6c: {  	v18 =	vshll.u32 v20, $0x7;
	v20 =	vld.idx.msk [tilespmem:v21+s12+$0x0], $0xffff  }
0x6d: {  	v18 =	vor.u32 v1, v18;
	_ =	sdelay $0x1  }
0x6e: {  	v21 =	vld.idx.msk [tilespmem:v22+s12+$0x0], $0xffff  }
0x6f: {  	v19 =	vld.idx.msk [tilespmem:v19+s4+$0x0], $0xffff  }
0x70: {  	v22 =	vor.u32 v4, v27;
	v20 =	vshll.u32 v20, $0x7  }
0x71: {  	v18 =	vld.idx.msk [tilespmem:v18+s4+$0x0], $0xffff;
	v20 =	vor.u32 v5, v20  }
0x72: {  	v23 =	vor.u32 v2, v16  }
0x73: {  	v21 =	vshll.u32 v21, $0x7  }
0x74: {  	[tilespmem:s24+$0xFFFFFF90] =	vst v19;
	v21 =	vor.u32 v1, v21  }
0x75: {  	s25 =	simm.s32 $0x1C180;
	v19 =	vld.idx.msk [tilespmem:v22+s12+$0x0], $0xffff  }
0x76: {  	[tilespmem:s25+$0x0] =	vst v18;
	v20 =	vld.idx.msk [tilespmem:v20+s4+$0x0], $0xffff  }
0x77: {  	s2 =	simm.s32 $0x85;
	v22 =	vld.idx.msk [tilespmem:v23+s12+$0x0], $0xffff;
	v23 =	vor.u32 v6, v24  }
0x78: {  	v18 =	vmov s2  }
0x79: {  	v21 =	vld.idx.msk [tilespmem:v21+s4+$0x0], $0xffff;
	v18 =	vand.u32 $0x1F, v18  }
0x7a: {  	s26 =	simm.s32 $0x4;
	v25 =	vor.u32 v2, v17;
	v19 =	vshll.u32 v19, $0x7;
	v18 =	vbroadcast v18, $0x0  }
0x7b: {  	v26 =	vmov s26;
	v28 =	vor.u32 v5, v19;
	[tilespmem:s24+$0x20] =	vst v20  }
0x7c: {  	v19 =	vand.u32 $0x1E, v26;
	v20 =	vor.u32 v0, v18;
	v22 =	vshll.u32 v22, $0x7;
	v23 =	vld.idx.msk [tilespmem:v23+s12+$0x0], $0xffff  }
0x7d: {  	v19 =	vbroadcast v19, $0x0;
	v22 =	vor.u32 v3, v22  }
0x7e: {  	[tilespmem:s25+$0xFFFFFF80] =	vst v21  }
0x7f: {  	v21 =	vor.u32 v0, v19;
	v25 =	vld.idx.msk [tilespmem:v25+s12+$0x0], $0xffff  }
0x80: {  	v26 =	vld.idx.msk [tilespmem:v28+s4+$0x0], $0xffff  }
0x81: {  	v28 =	vor.u32 v6, v27;
	v20 =	vld.idx.msk [tilespmem:v20+s12+$0x0], $0xffff;
	v23 =	vshll.u32 v23, $0x7  }
0x82: {  	v22 =	vld.idx.msk [tilespmem:v22+s4+$0x0], $0xffff;
	v23 =	vor.u32 v7, v23  }
0x83: {  	v29 =	vor.u32 v4, v16  }
0x84: {  	v21 =	vld.idx.msk [tilespmem:v21+s12+$0x0], $0xffff;
	v25 =	vshll.u32 v25, $0x7  }
0x85: {  	[tilespmem:s24+$0xFFFFFFA0] =	vst v26;
	v25 =	vor.u32 v3, v25  }
0x86: {  	v26 =	vld.idx.msk [tilespmem:v28+s12+$0x0], $0xffff;
	v20 =	vshll.u32 v20, $0x7  }
0x87: {  	[tilespmem:s25+$0x10] =	vst v22;
	v20 =	vor.u32 v1, v20;
	v22 =	vld.idx.msk [tilespmem:v23+s4+$0x0], $0xffff  }
0x88: {  	v28 =	vor.u32 v8, v24;
	v23 =	vld.idx.msk [tilespmem:v29+s12+$0x0], $0xffff  }
0x89: {  	v21 =	vshll.u32 v21, $0x7  }
0x8a: {  	v21 =	vor.u32 v1, v21;
	v25 =	vld.idx.msk [tilespmem:v25+s4+$0x0], $0xffff  }
0x8b: {  	v26 =	vshll.u32 v26, $0x7;
	v29 =	vor.u32 v4, v17  }
0x8c: {  	v26 =	vor.u32 v7, v26;
	v20 =	vld.idx.msk [tilespmem:v20+s4+$0x0], $0xffff;
	[tilespmem:s24+$0x30] =	vst v22  }
0x8d: {  	v22 =	vor.u32 v2, v18;
	v23 =	vshll.u32 v23, $0x7;
	v28 =	vld.idx.msk [tilespmem:v28+s12+$0x0], $0xffff  }
0x8e: {  	v23 =	vor.u32 v5, v23  }
0x8f: {  	v21 =	vld.idx.msk [tilespmem:v21+s4+$0x0], $0xffff;
	[tilespmem:s25+$0xFFFFFF90] =	vst v25  }
0x90: {  	s26 =	simm.s32 $0x1C280;
	s2 =	simm.s32 $0x6;
	v25 =	vld.idx.msk [tilespmem:v29+s12+$0x0], $0xffff;
	v29 =	vor.u32 v2, v19  }
0x91: {  	v30 =	vmov s2;
	v26 =	vld.idx.msk [tilespmem:v26+s4+$0x0], $0xffff;
	[tilespmem:s26+$0x0] =	vst v20  }
0x92: {  	s2 =	simm.s32 $0x87;
	v20 =	vand.u32 $0x1E, v30;
	v30 =	vor.u32 v8, v27;
	v22 =	vld.idx.msk [tilespmem:v22+s12+$0x0], $0xffff;
	v28 =	vshll.u32 v28, $0x7  }
0x93: {  	v31 =	vmov s2;
	v20 =	vbroadcast v20, $0x0;
	v23 =	vld.idx.msk [tilespmem:v23+s4+$0x0], $0xffff;
	v28 =	vor.u32 v9, v28  }
0x94: {  	v32 =	vor.u32 v6, v16;
	[tilespmem:s26+$0xFFFFFF80] =	vst v21;
	v21 =	vand.u32 $0x1F, v31  }
0x95: {  	v21 =	vbroadcast v21, $0x0;
	v25 =	vshll.u32 v25, $0x7;
	v29 =	vld.idx.msk [tilespmem:v29+s12+$0x0], $0xffff;
	v31 =	vor.u32 v0, v20  }
0x96: {  	[tilespmem:s24+$0xFFFFFFB0] =	vst v26;
	v25 =	vor.u32 v5, v25  }
0x97: {  	v26 =	vld.idx.msk [tilespmem:v30+s12+$0x0], $0xffff;
	v30 =	vor.u32 v0, v21;
	v22 =	vshll.u32 v22, $0x7  }
0x98: {  	[tilespmem:s25+$0x20] =	vst v23;
	v22 =	vor.u32 v3, v22;
	v23 =	vld.idx.msk [tilespmem:v28+s4+$0x0], $0xffff  }
0x99: {  	v42 =	vor.u32 v10, v24;
	v28 =	vld.idx.msk [tilespmem:v32+s12+$0x0], $0xffff  }
0x9a: {  	v29 =	vshll.u32 v29, $0x7;
	v31 =	vld.idx.msk [tilespmem:v31+s12+$0x0], $0xffff  }
0x9b: {  	v25 =	vld.idx.msk [tilespmem:v25+s4+$0x0], $0xffff;
	v29 =	vor.u32 v3, v29  }
0x9c: {  	v33 =	vor.u32 v6, v17;
	v30 =	vld.idx.msk [tilespmem:v30+s12+$0x0], $0xffff;
	v26 =	vshll.u32 v26, $0x7  }
0x9d: {  	v26 =	vor.u32 v9, v26;
	v22 =	vld.idx.msk [tilespmem:v22+s4+$0x0], $0xffff;
	[tilespmem:s24+$0x40] =	vst v23  }
0x9e: {  	v23 =	vor.u32 v4, v18;
	v28 =	vshll.u32 v28, $0x7;
	v32 =	vld.idx.msk [tilespmem:v42+s12+$0x0], $0xffff  }
0x9f: {  	v31 =	vshll.u32 v31, $0x7;
	v28 =	vor.u32 v7, v28  }
0xa0: {  	[tilespmem:s25+$0xFFFFFFA0] =	vst v25;
	v25 =	vld.idx.msk [tilespmem:v29+s4+$0x0], $0xffff;
	v31 =	vor.u32 v1, v31  }
0xa1: {  	v43 =	vor.u32 v4, v19;
	v29 =	vld.idx.msk [tilespmem:v33+s12+$0x0], $0xffff;
	v30 =	vshll.u32 v30, $0x7  }
0xa2: {  	v26 =	vld.idx.msk [tilespmem:v26+s4+$0x0], $0xffff;
	v30 =	vor.u32 v1, v30;
	[tilespmem:s26+$0x10] =	vst v22  }
0xa3: {  	v34 =	vor.u32 v10, v27;
	v23 =	vld.idx.msk [tilespmem:v23+s12+$0x0], $0xffff;
	v32 =	vshll.u32 v32, $0x7  }
0xa4: {  	v28 =	vld.idx.msk [tilespmem:v28+s4+$0x0], $0xffff;
	v32 =	vor.u32 v11, v32  }
0xa5: {  	s2 =	simm.s32 $0x8;
	[tilespmem:s26+$0xFFFFFF90] =	vst v25;
	v25 =	vor.u32 v8, v16;
	v31 =	vld.idx.msk [tilespmem:v31+s4+$0x0], $0xffff  }
0xa6: {  	v36 =	vor.u32 v2, v20;
	v22 =	vmov s2;
	v29 =	vshll.u32 v29, $0x7;
	v33 =	vld.idx.msk [tilespmem:v43+s12+$0x0], $0xffff  }
0xa7: {  	v22 =	vand.u32 $0x1E, v22;
	v29 =	vor.u32 v7, v29;
	[tilespmem:s24+$0xFFFFFFC0] =	vst v26;
	v26 =	vld.idx.msk [tilespmem:v30+s4+$0x0], $0xffff  }
0xa8: {  	v22 =	vbroadcast v22, $0x0;
	v30 =	vor.u32 v2, v21;
	v34 =	vld.idx.msk [tilespmem:v34+s12+$0x0], $0xffff;
	v23 =	vshll.u32 v23, $0x7  }
0xa9: {  	s28 =	simm.s32 $0x1C380;
	v23 =	vor.u32 v5, v23;
	[tilespmem:s25+$0x30] =	vst v28;
	v28 =	vld.idx.msk [tilespmem:v32+s4+$0x0], $0xffff  }
0xaa: {  	v35 =	vor.u32 v0, v22;
	[tilespmem:s28+$0xFFFFFF80] =	vst v31;
	v25 =	vld.idx.msk [tilespmem:v25+s12+$0x0], $0xffff  }
0xab: {  	v44 =	vor.u32 v12, v24;
	v33 =	vshll.u32 v33, $0x7;
	v46 =	vld.idx.msk [tilespmem:v36+s12+$0x0], $0xffff  }
0xac: {  	v29 =	vld.idx.msk [tilespmem:v29+s4+$0x0], $0xffff;
	[tilespmem:s28+$0x0] =	vst v26;
	v26 =	vor.u32 v5, v33  }
0xad: {  	v45 =	vor.u32 v8, v17;
	v30 =	vld.idx.msk [tilespmem:v30+s12+$0x0], $0xffff;
	v34 =	vshll.u32 v34, $0x7  }
0xae: {  	v34 =	vor.u32 v11, v34;
	v37 =	vld.idx.msk [tilespmem:v23+s4+$0x0], $0xffff  }
0xaf: {  	s2 =	simm.s32 $0x89;
	v35 =	vld.idx.msk [tilespmem:v35+s12+$0x0], $0xffff;
	[tilespmem:s24+$0x50] =	vst v28;
	v28 =	vor.u32 v6, v18;
	v25 =	vshll.u32 v25, $0x7  }
0xb0: {  	v23 =	vmov s2;
	v32 =	vshll.u32 v46, $0x7;
	v31 =	vld.idx.msk [tilespmem:v44+s12+$0x0], $0xffff;
	v25 =	vor.u32 v9, v25  }
0xb1: {  	v23 =	vand.u32 $0x1F, v23;
	[tilespmem:s25+$0xFFFFFFB0] =	vst v29;
	v26 =	vld.idx.msk [tilespmem:v26+s4+$0x0], $0xffff;
	v32 =	vor.u32 v3, v32  }
0xb2: {  	v48 =	vor.u32 v6, v19;
	v23 =	vbroadcast v23, $0x0;
	v33 =	vld.idx.msk [tilespmem:v45+s12+$0x0], $0xffff;
	v30 =	vshll.u32 v30, $0x7  }
0xb3: {  	v34 =	vld.idx.msk [tilespmem:v34+s4+$0x0], $0xffff;
	v30 =	vor.u32 v3, v30;
	[tilespmem:s26+$0x20] =	vst v37  }
0xb4: {  	v35 =	vshll.u32 v35, $0x7;
	v47 =	vor.u32 v0, v23;
	v28 =	vld.idx.msk [tilespmem:v28+s12+$0x0], $0xffff  }
0xb5: {  	v29 =	vor.u32 v1, v35;
	v31 =	vshll.u32 v31, $0x7;
	v25 =	vld.idx.msk [tilespmem:v25+s4+$0x0], $0xffff  }
0xb6: {  	[tilespmem:s26+$0xFFFFFFA0] =	vst v26;
	v32 =	vld.idx.msk [tilespmem:v32+s4+$0x0], $0xffff;
	v31 =	vor.u32 v13, v31  }
0xb7: {  	v49 =	vor.u32 v10, v16;
	v50 =	vld.idx.msk [tilespmem:v48+s12+$0x0], $0xffff  }
0xb8: {  	v51 =	vor.u32 v12, v27;
	v33 =	vshll.u32 v33, $0x7;
	v26 =	vld.idx.msk [tilespmem:v30+s4+$0x0], $0xffff  }
0xb9: {  	v35 =	vld.idx.msk [tilespmem:v47+s12+$0x0], $0xffff;
	v30 =	vor.u32 v9, v33  }
0xba: {  	v38 =	vor.u32 v4, v21;
	v29 =	vld.idx.msk [tilespmem:v29+s4+$0x0], $0xffff;
	v28 =	vshll.u32 v28, $0x7  }
0xbb: {  	[tilespmem:s25+$0x40] =	vst v25;
	v28 =	vor.u32 v7, v28;
	v25 =	vld.idx.msk [tilespmem:v31+s4+$0x0], $0xffff  }
0xbc: {  	v24 =	vor.u32 v14, v24;
	[tilespmem:s24+$0xFFFFFFD0] =	vst v34;
	v31 =	vld.idx.msk [tilespmem:v49+s12+$0x0], $0xffff  }
0xbd: {  	v53 =	vor.u32 v4, v20;
	v33 =	vshll.u32 v50, $0x7;
	[tilespmem:s28+$0x10] =	vst v26;
	v26 =	vld.idx.msk [tilespmem:v51+s12+$0x0], $0xffff  }
0xbe: {  	v30 =	vld.idx.msk [tilespmem:v30+s4+$0x0], $0xffff;
	v52 =	vshll.u32 v35, $0x7;
	v33 =	vor.u32 v7, v33  }
0xbf: {  	s2 =	simm.s32 $0xA;
	v34 =	vor.u32 v1, v52;
	v54 =	vld.idx.msk [tilespmem:v38+s12+$0x0], $0xffff  }
0xc0: {  	v56 =	vor.u32 v10, v17;
	v55 =	vmov s2;
	v28 =	vld.idx.msk [tilespmem:v28+s4+$0x0], $0xffff;
	[tilespmem:s24+$0x60] =	vst v25  }
0xc1: {  	v58 =	vor.u32 v8, v18;
	[tilespmem:s28+$0xFFFFFF90] =	vst v32;
	v25 =	vand.u32 $0x1E, v55;
	v31 =	vshll.u32 v31, $0x7;
	v57 =	vld.idx.msk [tilespmem:v24+s12+$0x0], $0xffff  }
0xc2: {  	v24 =	vbroadcast v25, $0x0;
	v25 =	vor.u32 v11, v31;
	v31 =	vld.idx.msk [tilespmem:v53+s12+$0x0], $0xffff;
	v26 =	vshll.u32 v26, $0x7  }
0xc3: {  	[tilespmem:s25+$0xFFFFFFC0] =	vst v30;
	v30 =	vld.idx.msk [tilespmem:v33+s4+$0x0], $0xffff;
	v26 =	vor.u32 v13, v26  }
0xc4: {  	v39 =	vor.u32 v2, v22;
	v34 =	vld.idx.msk [tilespmem:v34+s4+$0x0], $0xffff  }
0xc5: {  	s23 =	sshll.u32 s21, $0x1;
	v37 =	vld.idx.msk [tilespmem:v56+s12+$0x0], $0xffff;
	v59 =	vor.u32 v0, v24;
	[tilespmem:s26+$0x30] =	vst v28  }
0xc6: {  	s29 =	sand.u32 $0xFE, s23;
	v60 =	vor.u32 v2, v23;
	v36 =	vshll.u32 v54, $0x7;
	v61 =	vld.idx.msk [tilespmem:v58+s12+$0x0], $0xffff  }
0xc7: {  	s30 =	smul.u32 $0xAB, s29;
	s29 =	simm.s32 $0x1C480;
	v36 =	vor.u32 v5, v36;
	v25 =	vld.idx.msk [tilespmem:v25+s4+$0x0], $0xffff;
	v28 =	vshll.u32 v57, $0x7  }
0xc8: {  	[tilespmem:s29+$0xFFFFFF80] =	vst v29;
	v28 =	vor.u32 v15, v28;
	v40 =	vld.idx.msk [tilespmem:v26+s4+$0x0], $0xffff  }
0xc9: {  	v62 =	vor.u32 v12, v16;
	v31 =	vshll.u32 v31, $0x7;
	[tilespmem:s29+$0x0] =	vst v34;
	v34 =	vld.idx.msk [tilespmem:v39+s12+$0x0], $0xffff  }
0xca: {  	s30 =	sshrl.u32 s30, $0x9;
	v31 =	vor.u32 v5, v31;
	v35 =	vld.idx.msk [tilespmem:v59+s12+$0x0], $0xffff  }
0xcb: {  	s31 =	smul.u32 $0x3, s30;
	v63 =	vor.u32 v8, v19;
	v26 =	vshll.u32 v37, $0x7;
	v41 =	vld.idx.msk [tilespmem:v60+s12+$0x0], $0xffff  }
0xcc: {  	s30 =	sadd.s32 s30, s3;
	s2 =	simm.s32 $0x8B;
	v42 =	vld.idx.msk [tilespmem:v36+s4+$0x0], $0xffff;
	v43 =	vor.u32 v11, v26  }
0xcd: {  	s31 =	ssub.s32 s23, s31;
	v32 =	vor.u32 v6, v21;
	v26 =	vmov s2;
	s2 =	sshrl.u32 s30, $0x3;
	v29 =	vshll.u32 v61, $0x7;
	[tilespmem:s25+$0x50] =	vst v25;
	v25 =	vld.idx.msk [tilespmem:v28+s4+$0x0], $0xffff  }
0xce: {  	s31 =	sand.u32 $0xFF, s31;
	s2 =	smul.u32 $0xC00, s2;
	v26 =	vand.u32 $0x1F, v26;
	v33 =	vor.u32 v9, v29;
	v28 =	vld.idx.msk [tilespmem:v62+s12+$0x0], $0xffff  }
0xcf: {  	s31 =	sshll.u32 s31, $0xA;
	v27 =	vor.u32 v14, v27;
	[tilespmem:s26+$0xFFFFFFB0] =	vst v30;
	s30 =	sshll.u32 s30, $0x7;
	v26 =	vbroadcast v26, $0x0;
	v30 =	vld.idx.msk [tilespmem:v31+s4+$0x0], $0xffff;
	v29 =	vshll.u32 v35, $0x7  }
0xd0: {  	s30 =	sand.u32 $0x380, s30;
	s2 =	sadd.s32 s31, s2;
	[tilespmem:s24+$0xFFFFFFE0] =	vst v40;
	v31 =	vld.idx.msk [tilespmem:v63+s12+$0x0], $0xffff;
	v35 =	vor.u32 v1, v29  }
0xd1: {  	s31 =	simm.s32 $0xC;
	s30 =	sor.u32 s30, s2;
	v36 =	vor.u32 v0, v26;
	v37 =	vshll.u32 v41, $0x7;
	[tilespmem:s28+$0x20] =	vst v42;
	v29 =	vld.idx.msk [tilespmem:v43+s4+$0x0], $0xffff  }
.LBB2_3:
0xd2: {  	p0 =	slt.u32 s31, $0x1E;
	v37 =	vor.u32 v3, v37;
	v32 =	vld.idx.msk [tilespmem:v32+s12+$0x0], $0xffff;
	[tilespmem:s24+$0x70] =	vst v25  }
0xd3: {  	v25 =	vor.u32 v6, v20;
	v28 =	vshll.u32 v28, $0x7;
	v33 =	vld.idx.msk [tilespmem:v33+s4+$0x0], $0xffff  }
0xd4: {  	v34 =	vshll.u32 v34, $0x7;
	v28 =	vor.u32 v13, v28;
	v27 =	vld.idx.msk [tilespmem:v27+s12+$0x0], $0xffff  }
0xd5: {  	v34 =	vor.u32 v3, v34;
	v35 =	vld.idx.msk [tilespmem:v35+s4+$0x0], $0xffff;
	[tilespmem:s28+$0xFFFFFFA0] =	vst v30;
	v30 =	vor.u32 v10, v18  }
0xd6: {  	v31 =	vshll.u32 v31, $0x7;
	v36 =	vld.idx.msk [tilespmem:v36+s12+$0x0], $0xffff  }
0xd7: {  	v31 =	vor.u32 v9, v31;
	v37 =	vld.idx.msk [tilespmem:v37+s4+$0x0], $0xffff;
	[tilespmem:s25+$0xFFFFFFD0] =	vst v29  }
0xd8: {  	v29 =	vor.u32 v12, v17;
	v25 =	vld.idx.msk [tilespmem:v25+s12+$0x0], $0xffff  }
0xd9: {  	v38 =	vor.u32 v4, v23;
	v32 =	vshll.u32 v32, $0x7;
	[tilespmem:s26+$0x40] =	vst v33;
	v28 =	vld.idx.msk [tilespmem:v28+s4+$0x0], $0xffff  }
0xda: {  	v32 =	vor.u32 v7, v32;
	v27 =	vshll.u32 v27, $0x7;
	v30 =	vld.idx.msk [tilespmem:v30+s12+$0x0], $0xffff  }
0xdb: {  	v27 =	vor.u32 v15, v27;
	v33 =	vld.idx.msk [tilespmem:v34+s4+$0x0], $0xffff;
	v34 =	vor.u32 v14, v16;
	v16 =	vmovc v18;
	v18 =	vmov v21  }
0xdc: {  	v21 =	vmov v23;
	v23 =	vmov v26;
	v31 =	vld.idx.msk [tilespmem:v31+s4+$0x0], $0xffff  }
0xdd: {  	v26 =	vshll.u32 v36, $0x7;
	v36 =	vor.u32 v4, v22;
	[tilespmem:s29+$0x10] =	vst v37;
	v29 =	vld.idx.msk [tilespmem:v29+s12+$0x0], $0xffff  }
0xde: {  	v26 =	vor.u32 v1, v26;
	v25 =	vshll.u32 v25, $0x7;
	v37 =	vld.idx.msk [tilespmem:v38+s12+$0x0], $0xffff  }
0xdf: {  	v38 =	vmov s31;
	v25 =	vor.u32 v7, v25;
	v32 =	vld.idx.msk [tilespmem:v32+s4+$0x0], $0xffff;
	[tilespmem:s25+$0x60] =	vst v28  }
0xe0: {  	v28 =	vand.u32 $0x1E, v38;
	v38 =	vor.u32 v10, v19;
	v30 =	vshll.u32 v30, $0x7;
	v34 =	vld.idx.msk [tilespmem:v34+s12+$0x0], $0xffff  }
0xe1: {  	v39 =	vbroadcast v28, $0x0;
	v28 =	vor.u32 v11, v30;
	[tilespmem:s29+$0xFFFFFF90] =	vst v33;
	v27 =	vld.idx.msk [tilespmem:v27+s4+$0x0], $0xffff  }
0xe2: {  	v33 =	vor.u32 v8, v18;
	v30 =	vld.idx.msk [tilespmem:v36+s12+$0x0], $0xffff;
	[tilespmem:s26+$0xFFFFFFC0] =	vst v31  }
0xe3: {  	v31 =	vor.u32 v0, v39;
	v29 =	vshll.u32 v29, $0x7;
	v26 =	vld.idx.msk [tilespmem:v26+s4+$0x0], $0xffff  }
0xe4: {  	v29 =	vor.u32 v13, v29;
	v25 =	vld.idx.msk [tilespmem:v25+s4+$0x0], $0xffff  }
0xe5: {  	v36 =	vor.u32 v2, v23;
	v37 =	vshll.u32 v37, $0x7;
	v38 =	vld.idx.msk [tilespmem:v38+s12+$0x0], $0xffff  }
0xe6: {  	v37 =	vor.u32 v5, v37;
	[tilespmem:s28+$0x30] =	vst v32;
	v28 =	vld.idx.msk [tilespmem:v28+s4+$0x0], $0xffff;
	v32 =	vshll.u32 v34, $0x7  }
0xe7: {  	v33 =	vld.idx.msk [tilespmem:v33+s12+$0x0], $0xffff;
	v32 =	vor.u32 v15, v32;
	[tilespmem:s24+$0xFFFFFFF0] =	vst v27;
	s24 =	smov.u32 s25;
	s25 =	smov.u32 s26;
	s26 =	smov.u32 s28  }
0xe8: {  	v30 =	vshll.u32 v30, $0x7;
	s28 =	smov.u32 s29;
	s29 =	sadd.s32 $0x100, s29;
	v27 =	vld.idx.msk [tilespmem:v31+s12+$0x0], $0xffff;
	v31 =	vor.u32 v12, v16  }
0xe9: {  	v34 =	vor.u32 v2, v24;
	v30 =	vor.u32 v5, v30;
	[tilespmem:s29+$0x0] =	vst v26;
	v29 =	vld.idx.msk [tilespmem:v29+s4+$0x0], $0xffff  }
0xea: {  	[tilespmem:s29+$0xFFFFFF80] =	vst v35;
	v40 =	vld.idx.msk [tilespmem:v36+s12+$0x0], $0xffff  }
0xeb: {  	v36 =	vor.u32 v8, v20;
	v41 =	vld.idx.msk [tilespmem:v37+s4+$0x0], $0xffff;
	[tilespmem:s26+$0xFFFFFFB0] =	vst v25;
	v25 =	vshll.u32 v38, $0x7  }
0xec: {  	s2 =	sadd.s32 $0x81, s31;
	v38 =	vor.u32 v11, v25;
	[tilespmem:s25+$0x50] =	vst v28;
	v25 =	vld.idx.msk [tilespmem:v32+s4+$0x0], $0xffff  }
.Ltmp0:
0xed: {  	v26 =	vmov s2;
	v32 =	vor.u32 v6, v21;
	v33 =	vshll.u32 v33, $0x7;
	v28 =	vld.idx.msk [tilespmem:v31+s12+$0x0], $0xffff;
	(pc) =	sbr.rel @p0 .LBB2_3-.Ltmp0, $4  }
0xee: {  	v26 =	vand.u32 $0x1F, v26;
	v33 =	vor.u32 v9, v33;
	v34 =	vld.idx.msk [tilespmem:v34+s12+$0x0], $0xffff  }
0xef: {  	v26 =	vbroadcast v26, $0x0;
	v31 =	vshll.u32 v27, $0x7;
	v27 =	vor.u32 v14, v17;
	v17 =	vmovc v19;
	v30 =	vld.idx.msk [tilespmem:v30+s4+$0x0], $0xffff;
	[tilespmem:s24+$0xFFFFFFE0] =	vst v29  }
0xf0: {  	v19 =	vmovc v20;
	v20 =	vmovc v22;
	v22 =	vmov v24;
	v24 =	vmov v39;
	v35 =	vor.u32 v1, v31;
	v31 =	vld.idx.msk [tilespmem:v36+s12+$0x0], $0xffff  }
0xf1: {  	s31 =	sadd.s32 $0x2, s31;
	v37 =	vshll.u32 v40, $0x7;
	v36 =	vor.u32 v0, v26;
	[tilespmem:s28+$0x20] =	vst v41;
	v29 =	vld.idx.msk [tilespmem:v38+s4+$0x0], $0xffff  }
0xf2: {  	_ =	sdelay $0x3  }
0xf3: {  	v36 =	vld.idx.msk [tilespmem:v36+s12+$0x0], $0xffff;
	_ =	sdelay $0x4  }
0xf4: {  	v36 =	vshll.u32 v36, $0x7  }
0xf5: {  	v36 =	vor.u32 v1, v36;
	_ =	sdelay $0x3  }
0xf6: {  	v35 =	vld.idx.msk [tilespmem:v35+s4+$0x0], $0xffff  }
0xf7: {  	v39 =	vor.u32 v2, v24;
	v36 =	vld.idx.msk [tilespmem:v36+s4+$0x0], $0xffff  }
0xf8: {  	v38 =	vor.u32 v2, v26;
	_ =	sdelay $0x1  }
0xf9: {  	s31 =	sadd.s32 $0x100, s29  }
0xfa: {  	v37 =	vor.u32 v3, v37;
	[tilespmem:s31+$0xFFFFFF80] =	vst v35  }
0xfb: {  	v48 =	vld.idx.msk [tilespmem:v39+s12+$0x0], $0xffff;
	[tilespmem:s31+$0x0] =	vst v36  }
0xfc: {  	v47 =	vld.idx.msk [tilespmem:v38+s12+$0x0], $0xffff  }
0xfd: {  	v34 =	vshll.u32 v34, $0x7  }
0xfe: {  	v34 =	vor.u32 v3, v34  }
0xff: {  	v37 =	vld.idx.msk [tilespmem:v37+s4+$0x0], $0xffff  }
0x100: {  	v49 =	vor.u32 v4, v23;
	v36 =	vshll.u32 v48, $0x7  }
0x101: {  	v36 =	vor.u32 v3, v36;
	v35 =	vshll.u32 v47, $0x7  }
0x102: {  	v35 =	vor.u32 v3, v35  }
0x103: {  	v34 =	vld.idx.msk [tilespmem:v34+s4+$0x0], $0xffff  }
0x104: {  	v50 =	vor.u32 v4, v22;
	[tilespmem:s29+$0x10] =	vst v37  }
0x105: {  	v37 =	vld.idx.msk [tilespmem:v49+s12+$0x0], $0xffff  }
0x106: {  	v36 =	vld.idx.msk [tilespmem:v36+s4+$0x0], $0xffff  }
0x107: {  	v41 =	vor.u32 v4, v24;
	v35 =	vld.idx.msk [tilespmem:v35+s4+$0x0], $0xffff  }
0x108: {  	v40 =	vor.u32 v4, v26;
	[tilespmem:s29+$0xFFFFFF90] =	vst v34  }
0x109: {  	v34 =	vld.idx.msk [tilespmem:v50+s12+$0x0], $0xffff  }
0x10a: {  	v37 =	vshll.u32 v37, $0x7  }
0x10b: {  	v37 =	vor.u32 v5, v37;
	[tilespmem:s31+$0xFFFFFF90] =	vst v36  }
0x10c: {  	v36 =	vld.idx.msk [tilespmem:v41+s12+$0x0], $0xffff;
	[tilespmem:s31+$0x10] =	vst v35  }
0x10d: {  	v35 =	vld.idx.msk [tilespmem:v40+s12+$0x0], $0xffff  }
0x10e: {  	v34 =	vshll.u32 v34, $0x7  }
0x10f: {  	v34 =	vor.u32 v5, v34  }
0x110: {  	v37 =	vld.idx.msk [tilespmem:v37+s4+$0x0], $0xffff  }
0x111: {  	v32 =	vld.idx.msk [tilespmem:v32+s12+$0x0], $0xffff;
	v57 =	vor.u32 v6, v23;
	v53 =	vshll.u32 v36, $0x7  }
0x112: {  	v33 =	vld.idx.msk [tilespmem:v33+s4+$0x0], $0xffff;
	v55 =	vor.u32 v5, v53;
	v35 =	vshll.u32 v35, $0x7  }
0x113: {  	[tilespmem:s28+$0xFFFFFFA0] =	vst v30;
	v30 =	vor.u32 v5, v35  }
0x114: {  	v51 =	vor.u32 v6, v20;
	v34 =	vld.idx.msk [tilespmem:v34+s4+$0x0], $0xffff  }
0x115: {  	v58 =	vor.u32 v6, v22;
	[tilespmem:s29+$0x20] =	vst v37  }
0x116: {  	v32 =	vshll.u32 v32, $0x7;
	v38 =	vld.idx.msk [tilespmem:v57+s12+$0x0], $0xffff  }
0x117: {  	[tilespmem:s26+$0x40] =	vst v33;
	v32 =	vor.u32 v7, v32;
	v33 =	vld.idx.msk [tilespmem:v55+s4+$0x0], $0xffff  }
0x118: {  	v60 =	vor.u32 v6, v24;
	v30 =	vld.idx.msk [tilespmem:v30+s4+$0x0], $0xffff  }
0x119: {  	v59 =	vor.u32 v6, v26;
	v31 =	vshll.u32 v31, $0x7;
	v54 =	vld.idx.msk [tilespmem:v51+s12+$0x0], $0xffff;
	[tilespmem:s29+$0xFFFFFFA0] =	vst v34  }
0x11a: {  	v31 =	vor.u32 v9, v31;
	v34 =	vld.idx.msk [tilespmem:v58+s12+$0x0], $0xffff  }
0x11b: {  	v52 =	vor.u32 v10, v18;
	v43 =	vshll.u32 v38, $0x7  }
0x11c: {  	v32 =	vld.idx.msk [tilespmem:v32+s4+$0x0], $0xffff;
	v37 =	vor.u32 v7, v43;
	[tilespmem:s31+$0xFFFFFFA0] =	vst v33  }
0x11d: {  	v61 =	vor.u32 v8, v21;
	v33 =	vld.idx.msk [tilespmem:v60+s12+$0x0], $0xffff;
	[tilespmem:s31+$0x20] =	vst v30  }
0x11e: {  	v30 =	vshll.u32 v54, $0x7;
	v62 =	vld.idx.msk [tilespmem:v59+s12+$0x0], $0xffff  }
0x11f: {  	v31 =	vld.idx.msk [tilespmem:v31+s4+$0x0], $0xffff;
	v34 =	vshll.u32 v34, $0x7;
	v30 =	vor.u32 v7, v30  }
0x120: {  	v56 =	vld.idx.msk [tilespmem:v52+s12+$0x0], $0xffff;
	v34 =	vor.u32 v7, v34  }
0x121: {  	[tilespmem:s28+$0x30] =	vst v32;
	v37 =	vld.idx.msk [tilespmem:v37+s4+$0x0], $0xffff  }
0x122: {  	v46 =	vor.u32 v8, v23;
	v42 =	vld.idx.msk [tilespmem:v61+s12+$0x0], $0xffff;
	v33 =	vshll.u32 v33, $0x7  }
0x123: {  	v33 =	vor.u32 v7, v33;
	v36 =	vshll.u32 v62, $0x7  }
0x124: {  	[tilespmem:s26+$0xFFFFFFC0] =	vst v31;
	v30 =	vld.idx.msk [tilespmem:v30+s4+$0x0], $0xffff;
	v31 =	vor.u32 v7, v36  }
0x125: {  	v45 =	vor.u32 v8, v20;
	v34 =	vld.idx.msk [tilespmem:v34+s4+$0x0], $0xffff  }
0x126: {  	v47 =	vor.u32 v8, v22;
	v35 =	vshll.u32 v56, $0x7;
	[tilespmem:s29+$0x30] =	vst v37  }
0x127: {  	v41 =	vor.u32 v11, v35;
	v35 =	vshll.u32 v42, $0x7;
	v37 =	vld.idx.msk [tilespmem:v46+s12+$0x0], $0xffff  }
0x128: {  	v35 =	vor.u32 v9, v35;
	v33 =	vld.idx.msk [tilespmem:v33+s4+$0x0], $0xffff  }
0x129: {  	v48 =	vor.u32 v8, v24;
	[tilespmem:s28+$0xFFFFFFB0] =	vst v30;
	v31 =	vld.idx.msk [tilespmem:v31+s4+$0x0], $0xffff  }
0x12a: {  	[tilespmem:s29+$0xFFFFFFB0] =	vst v34;
	v30 =	vor.u32 v8, v26;
	v38 =	vld.idx.msk [tilespmem:v45+s12+$0x0], $0xffff  }
0x12b: {  	v63 =	vor.u32 v10, v19;
	v50 =	vld.idx.msk [tilespmem:v47+s12+$0x0], $0xffff;
	_ =	sdelay $0x1  }
0x12c: {  	v35 =	vld.idx.msk [tilespmem:v35+s4+$0x0], $0xffff;
	[tilespmem:s31+$0xFFFFFFB0] =	vst v33  }
0x12d: {  	v49 =	vor.u32 v12, v17;
	v52 =	vld.idx.msk [tilespmem:v48+s12+$0x0], $0xffff;
	[tilespmem:s31+$0x30] =	vst v31  }
0x12e: {  	v53 =	vor.u32 v10, v21;
	v38 =	vshll.u32 v38, $0x7;
	v30 =	vld.idx.msk [tilespmem:v30+s12+$0x0], $0xffff  }
0x12f: {  	[tilespmem:s25+$0xFFFFFFD0] =	vst v29;
	v44 =	vld.idx.msk [tilespmem:v63+s12+$0x0], $0xffff;
	v37 =	vshll.u32 v37, $0x7;
	v55 =	vshll.u32 v50, $0x7;
	v29 =	vor.u32 v9, v38  }
0x130: {  	v54 =	vor.u32 v9, v37;
	v37 =	vor.u32 v9, v55  }
0x131: {  	v32 =	vld.idx.msk [tilespmem:v41+s4+$0x0], $0xffff  }
0x132: {  	v34 =	vld.idx.msk [tilespmem:v49+s12+$0x0], $0xffff;
	[tilespmem:s28+$0x40] =	vst v35;
	v31 =	vor.u32 v12, v18;
	v56 =	vshll.u32 v52, $0x7  }
0x133: {  	v57 =	vld.idx.msk [tilespmem:v53+s12+$0x0], $0xffff;
	v35 =	vor.u32 v9, v56;
	v30 =	vshll.u32 v30, $0x7  }
0x134: {  	v36 =	vshll.u32 v44, $0x7;
	v29 =	vld.idx.msk [tilespmem:v29+s4+$0x0], $0xffff;
	v30 =	vor.u32 v9, v30  }
0x135: {  	v51 =	vor.u32 v11, v36;
	v37 =	vld.idx.msk [tilespmem:v37+s4+$0x0], $0xffff  }
0x136: {  	v61 =	vor.u32 v10, v22;
	[tilespmem:s26+$0x50] =	vst v32;
	v32 =	vld.idx.msk [tilespmem:v54+s4+$0x0], $0xffff  }
0x137: {  	v60 =	vor.u32 v10, v23;
	v31 =	vld.idx.msk [tilespmem:v31+s12+$0x0], $0xffff  }
0x138: {  	v59 =	vor.u32 v10, v20;
	v35 =	vld.idx.msk [tilespmem:v35+s4+$0x0], $0xffff  }
0x139: {  	[tilespmem:s28+$0xFFFFFFC0] =	vst v29;
	v29 =	vor.u32 v10, v24;
	v30 =	vld.idx.msk [tilespmem:v30+s4+$0x0], $0xffff  }
0x13a: {  	v62 =	vor.u32 v10, v26;
	v33 =	vld.idx.msk [tilespmem:v51+s4+$0x0], $0xffff;
	[tilespmem:s29+$0xFFFFFFC0] =	vst v37  }
0x13b: {  	[tilespmem:s29+$0x40] =	vst v32;
	v37 =	vld.idx.msk [tilespmem:v61+s12+$0x0], $0xffff  }
0x13c: {  	v28 =	vshll.u32 v28, $0x7;
	v42 =	vld.idx.msk [tilespmem:v60+s12+$0x0], $0xffff  }
0x13d: {  	v28 =	vor.u32 v13, v28;
	v63 =	vshll.u32 v34, $0x7;
	[tilespmem:s31+$0xFFFFFFC0] =	vst v35;
	v39 =	vld.idx.msk [tilespmem:v59+s12+$0x0], $0xffff  }
0x13e: {  	v32 =	vor.u32 v13, v63;
	v31 =	vshll.u32 v31, $0x7;
	v29 =	vld.idx.msk [tilespmem:v29+s12+$0x0], $0xffff;
	[tilespmem:s31+$0x40] =	vst v30  }
0x13f: {  	v58 =	vor.u32 v12, v19;
	[tilespmem:s26+$0xFFFFFFD0] =	vst v33;
	v30 =	vor.u32 v13, v31;
	v31 =	vshll.u32 v57, $0x7;
	v33 =	vld.idx.msk [tilespmem:v62+s12+$0x0], $0xffff  }
0x140: {  	v37 =	vshll.u32 v37, $0x7;
	v31 =	vor.u32 v11, v31  }
0x141: {  	v34 =	vshll.u32 v42, $0x7;
	v37 =	vor.u32 v11, v37  }
0x142: {  	v28 =	vld.idx.msk [tilespmem:v28+s4+$0x0], $0xffff;
	v34 =	vor.u32 v11, v34;
	v44 =	vshll.u32 v39, $0x7  }
0x143: {  	v32 =	vld.idx.msk [tilespmem:v32+s4+$0x0], $0xffff;
	v36 =	vor.u32 v11, v44;
	v29 =	vshll.u32 v29, $0x7  }
0x144: {  	v38 =	vld.idx.msk [tilespmem:v58+s12+$0x0], $0xffff;
	v29 =	vor.u32 v11, v29;
	v33 =	vshll.u32 v33, $0x7  }
0x145: {  	v31 =	vld.idx.msk [tilespmem:v31+s4+$0x0], $0xffff;
	v33 =	vor.u32 v11, v33  }
0x146: {  	v45 =	vor.u32 v12, v21;
	v37 =	vld.idx.msk [tilespmem:v37+s4+$0x0], $0xffff  }
0x147: {  	v48 =	vor.u32 v12, v22;
	v34 =	vld.idx.msk [tilespmem:v34+s4+$0x0], $0xffff  }
0x148: {  	v47 =	vor.u32 v12, v23;
	v36 =	vld.idx.msk [tilespmem:v36+s4+$0x0], $0xffff  }
0x149: {  	v29 =	vld.idx.msk [tilespmem:v29+s4+$0x0], $0xffff  }
0x14a: {  	v46 =	vor.u32 v12, v20;
	[tilespmem:s28+$0x50] =	vst v31;
	v33 =	vld.idx.msk [tilespmem:v33+s4+$0x0], $0xffff  }
0x14b: {  	v49 =	vor.u32 v12, v24;
	v43 =	vshll.u32 v38, $0x7;
	[tilespmem:s29+$0xFFFFFFD0] =	vst v37;
	v38 =	vld.idx.msk [tilespmem:v45+s12+$0x0], $0xffff  }
0x14c: {  	[tilespmem:s29+$0x50] =	vst v34;
	v52 =	vld.idx.msk [tilespmem:v48+s12+$0x0], $0xffff;
	v31 =	vor.u32 v12, v26  }
0x14d: {  	v51 =	vld.idx.msk [tilespmem:v47+s12+$0x0], $0xffff  }
0x14e: {  	v16 =	vor.u32 v14, v16;
	v30 =	vld.idx.msk [tilespmem:v30+s4+$0x0], $0xffff;
	[tilespmem:s28+$0xFFFFFFD0] =	vst v36  }
0x14f: {  	v17 =	vor.u32 v14, v17;
	v50 =	vld.idx.msk [tilespmem:v46+s12+$0x0], $0xffff;
	[tilespmem:s31+$0xFFFFFFD0] =	vst v29  }
0x150: {  	v35 =	vor.u32 v13, v43;
	v53 =	vld.idx.msk [tilespmem:v49+s12+$0x0], $0xffff;
	[tilespmem:s31+$0x50] =	vst v33;
	v29 =	vshll.u32 v38, $0x7  }
0x151: {  	[tilespmem:s25+$0x60] =	vst v28;
	v55 =	vshll.u32 v52, $0x7;
	v31 =	vld.idx.msk [tilespmem:v31+s12+$0x0], $0xffff;
	v28 =	vor.u32 v13, v29  }
0x152: {  	v27 =	vld.idx.msk [tilespmem:v27+s12+$0x0], $0xffff;
	[tilespmem:s25+$0xFFFFFFE0] =	vst v32;
	v32 =	vor.u32 v13, v55  }
0x153: {  	v16 =	vld.idx.msk [tilespmem:v16+s12+$0x0], $0xffff;
	v18 =	vor.u32 v14, v18;
	v54 =	vshll.u32 v51, $0x7  }
0x154: {  	v17 =	vld.idx.msk [tilespmem:v17+s12+$0x0], $0xffff;
	[tilespmem:s26+$0x60] =	vst v30;
	v30 =	vor.u32 v13, v54;
	v29 =	vshll.u32 v50, $0x7  }
0x155: {  	v35 =	vld.idx.msk [tilespmem:v35+s4+$0x0], $0xffff;
	v29 =	vor.u32 v13, v29;
	v33 =	vshll.u32 v53, $0x7  }
0x156: {  	v33 =	vor.u32 v13, v33;
	v31 =	vshll.u32 v31, $0x7;
	v28 =	vld.idx.msk [tilespmem:v28+s4+$0x0], $0xffff  }
0x157: {  	v32 =	vld.idx.msk [tilespmem:v32+s4+$0x0], $0xffff;
	v31 =	vor.u32 v13, v31  }
0x158: {  	v21 =	vor.u32 v14, v21;
	v18 =	vld.idx.msk [tilespmem:v18+s12+$0x0], $0xffff  }
0x159: {  	v19 =	vor.u32 v14, v19;
	v30 =	vld.idx.msk [tilespmem:v30+s4+$0x0], $0xffff  }
0x15a: {  	v22 =	vor.u32 v14, v22;
	v29 =	vld.idx.msk [tilespmem:v29+s4+$0x0], $0xffff  }
0x15b: {  	v20 =	vor.u32 v14, v20;
	[tilespmem:s28+$0x60] =	vst v28;
	v28 =	vld.idx.msk [tilespmem:v33+s4+$0x0], $0xffff  }
0x15c: {  	v23 =	vor.u32 v14, v23;
	v31 =	vld.idx.msk [tilespmem:v31+s4+$0x0], $0xffff  }
0x15d: {  	v24 =	vor.u32 v14, v24;
	[tilespmem:s26+$0xFFFFFFE0] =	vst v35;
	v21 =	vld.idx.msk [tilespmem:v21+s12+$0x0], $0xffff  }
0x15e: {  	v27 =	vshll.u32 v27, $0x7;
	v19 =	vld.idx.msk [tilespmem:v19+s12+$0x0], $0xffff;
	v26 =	vor.u32 v14, v26;
	[tilespmem:s29+$0xFFFFFFE0] =	vst v32  }
0x15f: {  	v27 =	vor.u32 v15, v27;
	v22 =	vld.idx.msk [tilespmem:v22+s12+$0x0], $0xffff;
	v18 =	vshll.u32 v18, $0x7;
	[tilespmem:s28+$0xFFFFFFE0] =	vst v29  }
0x160: {  	v16 =	vshll.u32 v16, $0x7;
	v18 =	vor.u32 v15, v18;
	[tilespmem:s29+$0x60] =	vst v30;
	v20 =	vld.idx.msk [tilespmem:v20+s12+$0x0], $0xffff  }
0x161: {  	v16 =	vor.u32 v15, v16;
	v17 =	vshll.u32 v17, $0x7;
	v23 =	vld.idx.msk [tilespmem:v23+s12+$0x0], $0xffff;
	[tilespmem:s31+$0xFFFFFFE0] =	vst v28  }
0x162: {  	v17 =	vor.u32 v15, v17;
	[tilespmem:s31+$0x60] =	vst v31;
	v21 =	vshll.u32 v21, $0x7;
	v24 =	vld.idx.msk [tilespmem:v24+s12+$0x0], $0xffff  }
0x163: {  	v19 =	vshll.u32 v19, $0x7;
	v26 =	vld.idx.msk [tilespmem:v26+s12+$0x0], $0xffff;
	v21 =	vor.u32 v15, v21  }
0x164: {  	v27 =	vld.idx.msk [tilespmem:v27+s4+$0x0], $0xffff;
	v19 =	vor.u32 v15, v19;
	v22 =	vshll.u32 v22, $0x7  }
0x165: {  	v22 =	vor.u32 v15, v22;
	v18 =	vld.idx.msk [tilespmem:v18+s4+$0x0], $0xffff;
	v20 =	vshll.u32 v20, $0x7  }
0x166: {  	v16 =	vld.idx.msk [tilespmem:v16+s4+$0x0], $0xffff;
	v23 =	vshll.u32 v23, $0x7;
	v20 =	vor.u32 v15, v20  }
0x167: {  	v17 =	vld.idx.msk [tilespmem:v17+s4+$0x0], $0xffff;
	v23 =	vor.u32 v15, v23;
	v24 =	vshll.u32 v24, $0x7  }
0x168: {  	[tilespmem:s24+$0x70] =	vst v25;
	v26 =	vshll.u32 v26, $0x7;
	v21 =	vld.idx.msk [tilespmem:v21+s4+$0x0], $0xffff;
	v24 =	vor.u32 v15, v24  }
0x169: {  	[tilespmem:s24+$0xFFFFFFF0] =	vst v27;
	v19 =	vld.idx.msk [tilespmem:v19+s4+$0x0], $0xffff;
	v25 =	vor.u32 v15, v26  }
0x16a: {  	[tilespmem:s26+$0x70] =	vst v18;
	v18 =	vld.idx.msk [tilespmem:v22+s4+$0x0], $0xffff  }
0x16b: {  	s2 =	simm.s32 $0xA1;
	[tilespmem:s25+$0x70] =	vst v16;
	v16 =	vld.idx.msk [tilespmem:v20+s4+$0x0], $0xffff  }
0x16c: {  	[tilespmem:s25+$0xFFFFFFF0] =	vst v17;
	v17 =	vld.idx.msk [tilespmem:v23+s4+$0x0], $0xffff;
	v20 =	vmov s2  }
0x16d: {  	v20 =	vand.u32 $0x3F, v20;
	[tilespmem:s28+$0x70] =	vst v21;
	v21 =	vld.idx.msk [tilespmem:v24+s4+$0x0], $0xffff  }
0x16e: {  	[tilespmem:s26+$0xFFFFFFF0] =	vst v19;
	v24 =	vbroadcast v20, $0x0;
	v19 =	vld.idx.msk [tilespmem:v25+s4+$0x0], $0xffff  }
0x16f: {  	[tilespmem:s29+$0xFFFFFFF0] =	vst v18  }
0x170: {  	[tilespmem:s28+$0xFFFFFFF0] =	vst v16;
	v16 =	vor.u32 v0, v24  }
0x171: {  	[tilespmem:s29+$0x70] =	vst v17  }
0x172: {  	s24 =	sshrl.u32 s30, $0x3;
	[tilespmem:s31+$0xFFFFFFF0] =	vst v21  }
0x173: {  	s24 =	sadd.s32 s6, s24;
	[tilespmem:s31+$0x70] =	vst v19  }
0x174: {  	[hbm4b:s24+s10] =	stream.strided.scatter [tilespmem:s16], [sflag:$0x3], $0x1000, s11, s10, $0x38;
	[tilespmem:$0x1E000] =	vst v63  }
0x175: {  	s25 =	simm.s32 $0x20;
	v16 =	vld.idx.msk [tilespmem:v16+s12+$0x0], $0xffff  }
0x176: {  	v17 =	vmov s25  }
0x177: {  	v17 =	vand.u32 $0x3E, v17  }
0x178: {  	v27 =	vbroadcast v17, $0x0;
	_ =	sdelay $0x1  }
0x179: {  	v17 =	vor.u32 v0, v27;
	v16 =	vshll.u32 v16, $0x7  }
0x17a: {  	v16 =	vor.u32 v1, v16;
	_ =	sdelay $0x3  }
0x17b: {  	v17 =	vld.idx.msk [tilespmem:v17+s12+$0x0], $0xffff  }
0x17c: {  	v16 =	vld.idx.msk [tilespmem:v16+s4+$0x0], $0xffff  }
0x17d: {  	v18 =	vor.u32 v2, v24;
	_ =	sdelay $0x2  }
0x17e: {  	s25 =	simm.s32 $0x1D0F0;
	v17 =	vshll.u32 v17, $0x7  }
0x17f: {  	v17 =	vor.u32 v1, v17;
	[tilespmem:s25+$0xFFFFFF90] =	vst v16  }
0x180: {  	v18 =	vld.idx.msk [tilespmem:v18+s12+$0x0], $0xffff;
	_ =	sdelay $0x1  }
0x181: {  	s26 =	simm.s32 $0xA3  }
0x182: {  	v16 =	vmov s26  }
0x183: {  	v17 =	vld.idx.msk [tilespmem:v17+s4+$0x0], $0xffff;
	v16 =	vand.u32 $0x3F, v16  }
0x184: {  	v19 =	vor.u32 v2, v27;
	v16 =	vbroadcast v16, $0x0;
	v18 =	vshll.u32 v18, $0x7  }
0x185: {  	v18 =	vor.u32 v3, v18  }
0x186: {  	v20 =	vor.u32 v0, v16;
	_ =	sdelay $0x1  }
0x187: {  	[tilespmem:s25+$0xFFFFFF10] =	vst v17  }
0x188: {  	s26 =	simm.s32 $0x22;
	v19 =	vld.idx.msk [tilespmem:v19+s12+$0x0], $0xffff  }
0x189: {  	v17 =	vmov s26;
	v18 =	vld.idx.msk [tilespmem:v18+s4+$0x0], $0xffff  }
0x18a: {  	v21 =	vor.u32 v4, v24;
	v17 =	vand.u32 $0x3E, v17;
	v20 =	vld.idx.msk [tilespmem:v20+s12+$0x0], $0xffff  }
0x18b: {  	v17 =	vbroadcast v17, $0x0;
	_ =	sdelay $0x1  }
0x18c: {  	v22 =	vor.u32 v0, v17;
	v19 =	vshll.u32 v19, $0x7  }
0x18d: {  	v19 =	vor.u32 v3, v19;
	[tilespmem:s25+$0xFFFFFFA0] =	vst v18  }
0x18e: {  	v18 =	vshll.u32 v20, $0x7;
	v20 =	vld.idx.msk [tilespmem:v21+s12+$0x0], $0xffff  }
0x18f: {  	v18 =	vor.u32 v1, v18;
	_ =	sdelay $0x1  }
0x190: {  	v21 =	vld.idx.msk [tilespmem:v22+s12+$0x0], $0xffff  }
0x191: {  	v19 =	vld.idx.msk [tilespmem:v19+s4+$0x0], $0xffff  }
0x192: {  	v22 =	vor.u32 v4, v27;
	v20 =	vshll.u32 v20, $0x7  }
0x193: {  	v18 =	vld.idx.msk [tilespmem:v18+s4+$0x0], $0xffff;
	v20 =	vor.u32 v5, v20  }
0x194: {  	v23 =	vor.u32 v2, v16  }
0x195: {  	v21 =	vshll.u32 v21, $0x7  }
0x196: {  	[tilespmem:s25+$0xFFFFFF20] =	vst v19;
	v21 =	vor.u32 v1, v21  }
0x197: {  	s26 =	simm.s32 $0x1D1F0;
	v19 =	vld.idx.msk [tilespmem:v22+s12+$0x0], $0xffff  }
0x198: {  	[tilespmem:s26+$0xFFFFFF90] =	vst v18;
	v20 =	vld.idx.msk [tilespmem:v20+s4+$0x0], $0xffff  }
0x199: {  	s2 =	simm.s32 $0xA5;
	v22 =	vld.idx.msk [tilespmem:v23+s12+$0x0], $0xffff;
	v23 =	vor.u32 v6, v24  }
0x19a: {  	v18 =	vmov s2  }
0x19b: {  	v21 =	vld.idx.msk [tilespmem:v21+s4+$0x0], $0xffff;
	v18 =	vand.u32 $0x3F, v18  }
0x19c: {  	v25 =	vor.u32 v2, v17;
	s2 =	simm.s32 $0x24;
	v19 =	vshll.u32 v19, $0x7;
	v18 =	vbroadcast v18, $0x0  }
0x19d: {  	v26 =	vmov s2;
	v28 =	vor.u32 v5, v19;
	[tilespmem:s25+$0xFFFFFFB0] =	vst v20  }
0x19e: {  	v19 =	vand.u32 $0x3E, v26;
	v20 =	vor.u32 v0, v18;
	v22 =	vshll.u32 v22, $0x7;
	v23 =	vld.idx.msk [tilespmem:v23+s12+$0x0], $0xffff  }
0x19f: {  	v19 =	vbroadcast v19, $0x0;
	v22 =	vor.u32 v3, v22  }
0x1a0: {  	[tilespmem:s26+$0xFFFFFF10] =	vst v21  }
0x1a1: {  	v21 =	vor.u32 v0, v19;
	v25 =	vld.idx.msk [tilespmem:v25+s12+$0x0], $0xffff  }
0x1a2: {  	v26 =	vld.idx.msk [tilespmem:v28+s4+$0x0], $0xffff  }
0x1a3: {  	v28 =	vor.u32 v6, v27;
	v20 =	vld.idx.msk [tilespmem:v20+s12+$0x0], $0xffff;
	v23 =	vshll.u32 v23, $0x7  }
0x1a4: {  	v22 =	vld.idx.msk [tilespmem:v22+s4+$0x0], $0xffff;
	v23 =	vor.u32 v7, v23  }
0x1a5: {  	v29 =	vor.u32 v4, v16  }
0x1a6: {  	v21 =	vld.idx.msk [tilespmem:v21+s12+$0x0], $0xffff;
	v25 =	vshll.u32 v25, $0x7  }
0x1a7: {  	[tilespmem:s25+$0xFFFFFF30] =	vst v26;
	v25 =	vor.u32 v3, v25  }
0x1a8: {  	v26 =	vld.idx.msk [tilespmem:v28+s12+$0x0], $0xffff;
	v20 =	vshll.u32 v20, $0x7  }
0x1a9: {  	[tilespmem:s26+$0xFFFFFFA0] =	vst v22;
	v20 =	vor.u32 v1, v20;
	v22 =	vld.idx.msk [tilespmem:v23+s4+$0x0], $0xffff  }
0x1aa: {  	v28 =	vor.u32 v8, v24;
	v23 =	vld.idx.msk [tilespmem:v29+s12+$0x0], $0xffff  }
0x1ab: {  	v21 =	vshll.u32 v21, $0x7  }
0x1ac: {  	v21 =	vor.u32 v1, v21;
	v25 =	vld.idx.msk [tilespmem:v25+s4+$0x0], $0xffff  }
0x1ad: {  	v26 =	vshll.u32 v26, $0x7;
	v29 =	vor.u32 v4, v17  }
0x1ae: {  	v26 =	vor.u32 v7, v26;
	v20 =	vld.idx.msk [tilespmem:v20+s4+$0x0], $0xffff;
	[tilespmem:s25+$0xFFFFFFC0] =	vst v22  }
0x1af: {  	v22 =	vor.u32 v2, v18;
	v23 =	vshll.u32 v23, $0x7;
	v28 =	vld.idx.msk [tilespmem:v28+s12+$0x0], $0xffff  }
0x1b0: {  	v23 =	vor.u32 v5, v23  }
0x1b1: {  	v21 =	vld.idx.msk [tilespmem:v21+s4+$0x0], $0xffff;
	[tilespmem:s26+$0xFFFFFF20] =	vst v25  }
0x1b2: {  	s28 =	simm.s32 $0x1D2F0;
	s2 =	simm.s32 $0x26;
	v25 =	vld.idx.msk [tilespmem:v29+s12+$0x0], $0xffff;
	v29 =	vor.u32 v2, v19  }
0x1b3: {  	v30 =	vmov s2;
	v26 =	vld.idx.msk [tilespmem:v26+s4+$0x0], $0xffff;
	[tilespmem:s28+$0xFFFFFF90] =	vst v20  }
0x1b4: {  	s2 =	simm.s32 $0xA7;
	v20 =	vand.u32 $0x3E, v30;
	v30 =	vor.u32 v8, v27;
	v22 =	vld.idx.msk [tilespmem:v22+s12+$0x0], $0xffff;
	v28 =	vshll.u32 v28, $0x7  }
0x1b5: {  	v31 =	vmov s2;
	v20 =	vbroadcast v20, $0x0;
	v23 =	vld.idx.msk [tilespmem:v23+s4+$0x0], $0xffff;
	v28 =	vor.u32 v9, v28  }
0x1b6: {  	v56 =	vor.u32 v6, v16;
	[tilespmem:s28+$0xFFFFFF10] =	vst v21;
	v21 =	vand.u32 $0x3F, v31  }
0x1b7: {  	v21 =	vbroadcast v21, $0x0;
	v25 =	vshll.u32 v25, $0x7;
	v29 =	vld.idx.msk [tilespmem:v29+s12+$0x0], $0xffff;
	v31 =	vor.u32 v0, v20  }
0x1b8: {  	[tilespmem:s25+$0xFFFFFF40] =	vst v26;
	v25 =	vor.u32 v5, v25  }
0x1b9: {  	v26 =	vld.idx.msk [tilespmem:v30+s12+$0x0], $0xffff;
	v30 =	vor.u32 v0, v21;
	v22 =	vshll.u32 v22, $0x7  }
0x1ba: {  	[tilespmem:s26+$0xFFFFFFB0] =	vst v23;
	v22 =	vor.u32 v3, v22;
	v23 =	vld.idx.msk [tilespmem:v28+s4+$0x0], $0xffff  }
0x1bb: {  	v57 =	vor.u32 v10, v24;
	v28 =	vld.idx.msk [tilespmem:v56+s12+$0x0], $0xffff  }
0x1bc: {  	v29 =	vshll.u32 v29, $0x7;
	v31 =	vld.idx.msk [tilespmem:v31+s12+$0x0], $0xffff  }
0x1bd: {  	v25 =	vld.idx.msk [tilespmem:v25+s4+$0x0], $0xffff;
	v29 =	vor.u32 v3, v29  }
0x1be: {  	v58 =	vor.u32 v6, v17;
	v30 =	vld.idx.msk [tilespmem:v30+s12+$0x0], $0xffff;
	v26 =	vshll.u32 v26, $0x7  }
0x1bf: {  	v26 =	vor.u32 v9, v26;
	v22 =	vld.idx.msk [tilespmem:v22+s4+$0x0], $0xffff;
	[tilespmem:s25+$0xFFFFFFD0] =	vst v23  }
0x1c0: {  	v23 =	vor.u32 v4, v18;
	v28 =	vshll.u32 v28, $0x7;
	v32 =	vld.idx.msk [tilespmem:v57+s12+$0x0], $0xffff  }
0x1c1: {  	v31 =	vshll.u32 v31, $0x7;
	v28 =	vor.u32 v7, v28  }
0x1c2: {  	[tilespmem:s26+$0xFFFFFF30] =	vst v25;
	v25 =	vld.idx.msk [tilespmem:v29+s4+$0x0], $0xffff;
	v31 =	vor.u32 v1, v31  }
0x1c3: {  	v59 =	vor.u32 v4, v19;
	v29 =	vld.idx.msk [tilespmem:v58+s12+$0x0], $0xffff;
	v30 =	vshll.u32 v30, $0x7  }
0x1c4: {  	v26 =	vld.idx.msk [tilespmem:v26+s4+$0x0], $0xffff;
	v30 =	vor.u32 v1, v30;
	[tilespmem:s28+$0xFFFFFFA0] =	vst v22  }
0x1c5: {  	v60 =	vor.u32 v10, v27;
	v23 =	vld.idx.msk [tilespmem:v23+s12+$0x0], $0xffff;
	v32 =	vshll.u32 v32, $0x7  }
0x1c6: {  	v28 =	vld.idx.msk [tilespmem:v28+s4+$0x0], $0xffff;
	v32 =	vor.u32 v11, v32  }
0x1c7: {  	s2 =	simm.s32 $0x28;
	[tilespmem:s28+$0xFFFFFF20] =	vst v25;
	v25 =	vor.u32 v8, v16;
	v31 =	vld.idx.msk [tilespmem:v31+s4+$0x0], $0xffff  }
0x1c8: {  	v63 =	vor.u32 v2, v20;
	v22 =	vmov s2;
	v29 =	vshll.u32 v29, $0x7;
	v33 =	vld.idx.msk [tilespmem:v59+s12+$0x0], $0xffff  }
0x1c9: {  	v22 =	vand.u32 $0x3E, v22;
	v29 =	vor.u32 v7, v29;
	[tilespmem:s25+$0xFFFFFF50] =	vst v26;
	v26 =	vld.idx.msk [tilespmem:v30+s4+$0x0], $0xffff  }
0x1ca: {  	v22 =	vbroadcast v22, $0x0;
	v30 =	vor.u32 v2, v21;
	v34 =	vld.idx.msk [tilespmem:v60+s12+$0x0], $0xffff;
	v23 =	vshll.u32 v23, $0x7  }
0x1cb: {  	s29 =	simm.s32 $0x1D3F0;
	v23 =	vor.u32 v5, v23;
	[tilespmem:s26+$0xFFFFFFC0] =	vst v28;
	v28 =	vld.idx.msk [tilespmem:v32+s4+$0x0], $0xffff  }
0x1cc: {  	v61 =	vor.u32 v0, v22;
	[tilespmem:s29+$0xFFFFFF10] =	vst v31;
	v25 =	vld.idx.msk [tilespmem:v25+s12+$0x0], $0xffff  }
0x1cd: {  	v62 =	vor.u32 v12, v24;
	v33 =	vshll.u32 v33, $0x7;
	v42 =	vld.idx.msk [tilespmem:v63+s12+$0x0], $0xffff  }
0x1ce: {  	v29 =	vld.idx.msk [tilespmem:v29+s4+$0x0], $0xffff;
	[tilespmem:s29+$0xFFFFFF90] =	vst v26;
	v26 =	vor.u32 v5, v33  }
0x1cf: {  	v40 =	vor.u32 v8, v17;
	v30 =	vld.idx.msk [tilespmem:v30+s12+$0x0], $0xffff;
	v34 =	vshll.u32 v34, $0x7  }
0x1d0: {  	v34 =	vor.u32 v11, v34;
	v41 =	vld.idx.msk [tilespmem:v23+s4+$0x0], $0xffff  }
0x1d1: {  	s2 =	simm.s32 $0xA9;
	v35 =	vld.idx.msk [tilespmem:v61+s12+$0x0], $0xffff;
	[tilespmem:s25+$0xFFFFFFE0] =	vst v28;
	v28 =	vor.u32 v6, v18;
	v25 =	vshll.u32 v25, $0x7  }
0x1d2: {  	v23 =	vmov s2;
	v32 =	vshll.u32 v42, $0x7;
	v31 =	vld.idx.msk [tilespmem:v62+s12+$0x0], $0xffff;
	v25 =	vor.u32 v9, v25  }
0x1d3: {  	v23 =	vand.u32 $0x3F, v23;
	[tilespmem:s26+$0xFFFFFF40] =	vst v29;
	v26 =	vld.idx.msk [tilespmem:v26+s4+$0x0], $0xffff;
	v32 =	vor.u32 v3, v32  }
0x1d4: {  	v44 =	vor.u32 v6, v19;
	v23 =	vbroadcast v23, $0x0;
	v33 =	vld.idx.msk [tilespmem:v40+s12+$0x0], $0xffff;
	v30 =	vshll.u32 v30, $0x7  }
0x1d5: {  	v34 =	vld.idx.msk [tilespmem:v34+s4+$0x0], $0xffff;
	v30 =	vor.u32 v3, v30;
	[tilespmem:s28+$0xFFFFFFB0] =	vst v41  }
0x1d6: {  	v35 =	vshll.u32 v35, $0x7;
	v43 =	vor.u32 v0, v23;
	v28 =	vld.idx.msk [tilespmem:v28+s12+$0x0], $0xffff  }
0x1d7: {  	v29 =	vor.u32 v1, v35;
	v31 =	vshll.u32 v31, $0x7;
	v25 =	vld.idx.msk [tilespmem:v25+s4+$0x0], $0xffff  }
0x1d8: {  	[tilespmem:s28+$0xFFFFFF30] =	vst v26;
	v32 =	vld.idx.msk [tilespmem:v32+s4+$0x0], $0xffff;
	v31 =	vor.u32 v13, v31  }
0x1d9: {  	v45 =	vor.u32 v10, v16;
	v46 =	vld.idx.msk [tilespmem:v44+s12+$0x0], $0xffff  }
0x1da: {  	v47 =	vor.u32 v12, v27;
	v33 =	vshll.u32 v33, $0x7;
	v26 =	vld.idx.msk [tilespmem:v30+s4+$0x0], $0xffff  }
0x1db: {  	v35 =	vld.idx.msk [tilespmem:v43+s12+$0x0], $0xffff;
	v30 =	vor.u32 v9, v33  }
0x1dc: {  	v48 =	vor.u32 v4, v21;
	v29 =	vld.idx.msk [tilespmem:v29+s4+$0x0], $0xffff;
	v28 =	vshll.u32 v28, $0x7  }
0x1dd: {  	[tilespmem:s26+$0xFFFFFFD0] =	vst v25;
	v28 =	vor.u32 v7, v28;
	v25 =	vld.idx.msk [tilespmem:v31+s4+$0x0], $0xffff  }
0x1de: {  	v24 =	vor.u32 v14, v24;
	[tilespmem:s25+$0xFFFFFF60] =	vst v34;
	v31 =	vld.idx.msk [tilespmem:v45+s12+$0x0], $0xffff  }
0x1df: {  	v50 =	vor.u32 v4, v20;
	v33 =	vshll.u32 v46, $0x7;
	[tilespmem:s29+$0xFFFFFFA0] =	vst v26;
	v26 =	vld.idx.msk [tilespmem:v47+s12+$0x0], $0xffff  }
0x1e0: {  	v30 =	vld.idx.msk [tilespmem:v30+s4+$0x0], $0xffff;
	v49 =	vshll.u32 v35, $0x7;
	v33 =	vor.u32 v7, v33  }
0x1e1: {  	s2 =	simm.s32 $0x2A;
	v34 =	vor.u32 v1, v49;
	v51 =	vld.idx.msk [tilespmem:v48+s12+$0x0], $0xffff  }
0x1e2: {  	v53 =	vor.u32 v10, v17;
	v52 =	vmov s2;
	v28 =	vld.idx.msk [tilespmem:v28+s4+$0x0], $0xffff;
	[tilespmem:s25+$0xFFFFFFF0] =	vst v25  }
0x1e3: {  	v55 =	vor.u32 v8, v18;
	[tilespmem:s29+$0xFFFFFF20] =	vst v32;
	v25 =	vand.u32 $0x3E, v52;
	v31 =	vshll.u32 v31, $0x7;
	v54 =	vld.idx.msk [tilespmem:v24+s12+$0x0], $0xffff  }
0x1e4: {  	v24 =	vbroadcast v25, $0x0;
	v25 =	vor.u32 v11, v31;
	v31 =	vld.idx.msk [tilespmem:v50+s12+$0x0], $0xffff;
	v26 =	vshll.u32 v26, $0x7  }
0x1e5: {  	[tilespmem:s26+$0xFFFFFF50] =	vst v30;
	v30 =	vld.idx.msk [tilespmem:v33+s4+$0x0], $0xffff;
	v26 =	vor.u32 v13, v26  }
0x1e6: {  	v60 =	vor.u32 v2, v22;
	v34 =	vld.idx.msk [tilespmem:v34+s4+$0x0], $0xffff  }
0x1e7: {  	v37 =	vld.idx.msk [tilespmem:v53+s12+$0x0], $0xffff;
	v56 =	vor.u32 v0, v24;
	[tilespmem:s28+$0xFFFFFFC0] =	vst v28  }
0x1e8: {  	v57 =	vor.u32 v2, v23;
	v36 =	vshll.u32 v51, $0x7;
	v58 =	vld.idx.msk [tilespmem:v55+s12+$0x0], $0xffff  }
0x1e9: {  	s30 =	simm.s32 $0x1D4F0;
	v36 =	vor.u32 v5, v36;
	v25 =	vld.idx.msk [tilespmem:v25+s4+$0x0], $0xffff;
	v28 =	vshll.u32 v54, $0x7  }
0x1ea: {  	[tilespmem:s30+$0xFFFFFF10] =	vst v29;
	v28 =	vor.u32 v15, v28;
	v61 =	vld.idx.msk [tilespmem:v26+s4+$0x0], $0xffff  }
0x1eb: {  	v59 =	vor.u32 v12, v16;
	v31 =	vshll.u32 v31, $0x7;
	[tilespmem:s30+$0xFFFFFF90] =	vst v34;
	v34 =	vld.idx.msk [tilespmem:v60+s12+$0x0], $0xffff  }
0x1ec: {  	v31 =	vor.u32 v5, v31;
	v35 =	vld.idx.msk [tilespmem:v56+s12+$0x0], $0xffff  }
0x1ed: {  	v63 =	vor.u32 v8, v19;
	v26 =	vshll.u32 v37, $0x7;
	v62 =	vld.idx.msk [tilespmem:v57+s12+$0x0], $0xffff  }
0x1ee: {  	s2 =	simm.s32 $0xAB;
	v42 =	vld.idx.msk [tilespmem:v36+s4+$0x0], $0xffff;
	v43 =	vor.u32 v11, v26  }
0x1ef: {  	v32 =	vor.u32 v6, v21;
	v26 =	vmov s2;
	v29 =	vshll.u32 v58, $0x7;
	[tilespmem:s26+$0xFFFFFFE0] =	vst v25;
	v25 =	vld.idx.msk [tilespmem:v28+s4+$0x0], $0xffff  }
0x1f0: {  	v26 =	vand.u32 $0x3F, v26;
	v33 =	vor.u32 v9, v29;
	v28 =	vld.idx.msk [tilespmem:v59+s12+$0x0], $0xffff  }
0x1f1: {  	v27 =	vor.u32 v14, v27;
	[tilespmem:s28+$0xFFFFFF40] =	vst v30;
	v26 =	vbroadcast v26, $0x0;
	v30 =	vld.idx.msk [tilespmem:v31+s4+$0x0], $0xffff;
	v29 =	vshll.u32 v35, $0x7  }
0x1f2: {  	[tilespmem:s25+$0xFFFFFF70] =	vst v61;
	v31 =	vld.idx.msk [tilespmem:v63+s12+$0x0], $0xffff;
	v35 =	vor.u32 v1, v29  }
0x1f3: {  	s31 =	simm.s32 $0x2C;
	v36 =	vor.u32 v0, v26;
	v37 =	vshll.u32 v62, $0x7;
	[tilespmem:s29+$0xFFFFFFB0] =	vst v42;
	v29 =	vld.idx.msk [tilespmem:v43+s4+$0x0], $0xffff  }
.LBB2_5:
0x1f4: {  	p0 =	slt.u32 s31, $0x3E;
	v37 =	vor.u32 v3, v37;
	v32 =	vld.idx.msk [tilespmem:v32+s12+$0x0], $0xffff;
	[tilespmem:s25+$0x0] =	vst v25  }
0x1f5: {  	v25 =	vor.u32 v6, v20;
	v28 =	vshll.u32 v28, $0x7;
	v33 =	vld.idx.msk [tilespmem:v33+s4+$0x0], $0xffff  }
0x1f6: {  	v34 =	vshll.u32 v34, $0x7;
	v28 =	vor.u32 v13, v28;
	v27 =	vld.idx.msk [tilespmem:v27+s12+$0x0], $0xffff  }
0x1f7: {  	v34 =	vor.u32 v3, v34;
	v35 =	vld.idx.msk [tilespmem:v35+s4+$0x0], $0xffff;
	[tilespmem:s29+$0xFFFFFF30] =	vst v30;
	v30 =	vor.u32 v10, v18  }
0x1f8: {  	v31 =	vshll.u32 v31, $0x7;
	v36 =	vld.idx.msk [tilespmem:v36+s12+$0x0], $0xffff  }
0x1f9: {  	v31 =	vor.u32 v9, v31;
	v37 =	vld.idx.msk [tilespmem:v37+s4+$0x0], $0xffff;
	[tilespmem:s26+$0xFFFFFF60] =	vst v29  }
0x1fa: {  	v29 =	vor.u32 v12, v17;
	v25 =	vld.idx.msk [tilespmem:v25+s12+$0x0], $0xffff  }
0x1fb: {  	v38 =	vor.u32 v4, v23;
	v32 =	vshll.u32 v32, $0x7;
	[tilespmem:s28+$0xFFFFFFD0] =	vst v33;
	v28 =	vld.idx.msk [tilespmem:v28+s4+$0x0], $0xffff  }
0x1fc: {  	v32 =	vor.u32 v7, v32;
	v27 =	vshll.u32 v27, $0x7;
	v30 =	vld.idx.msk [tilespmem:v30+s12+$0x0], $0xffff  }
0x1fd: {  	v27 =	vor.u32 v15, v27;
	v33 =	vld.idx.msk [tilespmem:v34+s4+$0x0], $0xffff;
	v34 =	vor.u32 v14, v16;
	v16 =	vmovc v18;
	v18 =	vmov v21  }
0x1fe: {  	v21 =	vmov v23;
	v23 =	vmov v26;
	v31 =	vld.idx.msk [tilespmem:v31+s4+$0x0], $0xffff  }
0x1ff: {  	v26 =	vshll.u32 v36, $0x7;
	v36 =	vor.u32 v4, v22;
	[tilespmem:s30+$0xFFFFFFA0] =	vst v37;
	v29 =	vld.idx.msk [tilespmem:v29+s12+$0x0], $0xffff  }
0x200: {  	v26 =	vor.u32 v1, v26;
	v25 =	vshll.u32 v25, $0x7;
	v37 =	vld.idx.msk [tilespmem:v38+s12+$0x0], $0xffff  }
0x201: {  	v38 =	vmov s31;
	v25 =	vor.u32 v7, v25;
	v32 =	vld.idx.msk [tilespmem:v32+s4+$0x0], $0xffff;
	[tilespmem:s26+$0xFFFFFFF0] =	vst v28  }
0x202: {  	v28 =	vand.u32 $0x3E, v38;
	v38 =	vor.u32 v10, v19;
	v30 =	vshll.u32 v30, $0x7;
	v34 =	vld.idx.msk [tilespmem:v34+s12+$0x0], $0xffff  }
0x203: {  	v39 =	vbroadcast v28, $0x0;
	v28 =	vor.u32 v11, v30;
	[tilespmem:s30+$0xFFFFFF20] =	vst v33;
	v27 =	vld.idx.msk [tilespmem:v27+s4+$0x0], $0xffff  }
0x204: {  	v33 =	vor.u32 v8, v18;
	v30 =	vld.idx.msk [tilespmem:v36+s12+$0x0], $0xffff;
	[tilespmem:s28+$0xFFFFFF50] =	vst v31  }
0x205: {  	v31 =	vor.u32 v0, v39;
	v29 =	vshll.u32 v29, $0x7;
	v26 =	vld.idx.msk [tilespmem:v26+s4+$0x0], $0xffff  }
0x206: {  	v29 =	vor.u32 v13, v29;
	v25 =	vld.idx.msk [tilespmem:v25+s4+$0x0], $0xffff  }
0x207: {  	v36 =	vor.u32 v2, v23;
	v37 =	vshll.u32 v37, $0x7;
	v38 =	vld.idx.msk [tilespmem:v38+s12+$0x0], $0xffff  }
0x208: {  	v37 =	vor.u32 v5, v37;
	[tilespmem:s29+$0xFFFFFFC0] =	vst v32;
	v28 =	vld.idx.msk [tilespmem:v28+s4+$0x0], $0xffff;
	v32 =	vshll.u32 v34, $0x7  }
0x209: {  	v33 =	vld.idx.msk [tilespmem:v33+s12+$0x0], $0xffff;
	v32 =	vor.u32 v15, v32;
	[tilespmem:s25+$0xFFFFFF80] =	vst v27;
	s25 =	smov.u32 s26;
	s26 =	smov.u32 s28;
	s28 =	smov.u32 s29  }
0x20a: {  	v30 =	vshll.u32 v30, $0x7;
	s29 =	smov.u32 s30;
	s30 =	sadd.s32 $0x100, s30;
	v27 =	vld.idx.msk [tilespmem:v31+s12+$0x0], $0xffff;
	v31 =	vor.u32 v12, v16  }
0x20b: {  	v34 =	vor.u32 v2, v24;
	v30 =	vor.u32 v5, v30;
	[tilespmem:s30+$0xFFFFFF90] =	vst v26;
	v29 =	vld.idx.msk [tilespmem:v29+s4+$0x0], $0xffff  }
0x20c: {  	[tilespmem:s30+$0xFFFFFF10] =	vst v35;
	v40 =	vld.idx.msk [tilespmem:v36+s12+$0x0], $0xffff  }
0x20d: {  	v36 =	vor.u32 v8, v20;
	v41 =	vld.idx.msk [tilespmem:v37+s4+$0x0], $0xffff;
	[tilespmem:s28+$0xFFFFFF40] =	vst v25;
	v25 =	vshll.u32 v38, $0x7  }
0x20e: {  	s2 =	sadd.s32 $0x81, s31;
	v38 =	vor.u32 v11, v25;
	[tilespmem:s26+$0xFFFFFFE0] =	vst v28;
	v25 =	vld.idx.msk [tilespmem:v32+s4+$0x0], $0xffff  }
.Ltmp1:
0x20f: {  	v26 =	vmov s2;
	v32 =	vor.u32 v6, v21;
	v33 =	vshll.u32 v33, $0x7;
	v28 =	vld.idx.msk [tilespmem:v31+s12+$0x0], $0xffff;
	(pc) =	sbr.rel @p0 .LBB2_5-.Ltmp1, $4  }
0x210: {  	v26 =	vand.u32 $0x3F, v26;
	v33 =	vor.u32 v9, v33;
	v34 =	vld.idx.msk [tilespmem:v34+s12+$0x0], $0xffff  }
0x211: {  	v26 =	vbroadcast v26, $0x0;
	v31 =	vshll.u32 v27, $0x7;
	v27 =	vor.u32 v14, v17;
	v17 =	vmovc v19;
	v30 =	vld.idx.msk [tilespmem:v30+s4+$0x0], $0xffff;
	[tilespmem:s25+$0xFFFFFF70] =	vst v29  }
0x212: {  	v19 =	vmovc v20;
	v20 =	vmovc v22;
	v22 =	vmov v24;
	v24 =	vmov v39;
	v35 =	vor.u32 v1, v31;
	v31 =	vld.idx.msk [tilespmem:v36+s12+$0x0], $0xffff  }
0x213: {  	s31 =	sadd.s32 $0x2, s31;
	v37 =	vshll.u32 v40, $0x7;
	v36 =	vor.u32 v0, v26;
	[tilespmem:s29+$0xFFFFFFB0] =	vst v41;
	v29 =	vld.idx.msk [tilespmem:v38+s4+$0x0], $0xffff  }
0x214: {  	_ =	sdelay $0x3  }
0x215: {  	v36 =	vld.idx.msk [tilespmem:v36+s12+$0x0], $0xffff;
	_ =	sdelay $0x4  }
0x216: {  	v36 =	vshll.u32 v36, $0x7  }
0x217: {  	v36 =	vor.u32 v1, v36;
	_ =	sdelay $0x1  }
0x218: {  	v37 =	vor.u32 v3, v37;
	v34 =	vshll.u32 v34, $0x7  }
0x219: {  	v34 =	vor.u32 v3, v34  }
0x21a: {  	v35 =	vld.idx.msk [tilespmem:v35+s4+$0x0], $0xffff  }
0x21b: {  	v39 =	vor.u32 v2, v24;
	v36 =	vld.idx.msk [tilespmem:v36+s4+$0x0], $0xffff  }
0x21c: {  	v38 =	vor.u32 v2, v26  }
0x21d: {  	v37 =	vld.idx.msk [tilespmem:v37+s4+$0x0], $0xffff  }
0x21e: {  	s31 =	sadd.s32 $0x100, s30;
	v49 =	vor.u32 v4, v23;
	v34 =	vld.idx.msk [tilespmem:v34+s4+$0x0], $0xffff  }
0x21f: {  	v50 =	vor.u32 v4, v22;
	[tilespmem:s31+$0xFFFFFF10] =	vst v35  }
0x220: {  	v48 =	vld.idx.msk [tilespmem:v39+s12+$0x0], $0xffff;
	[tilespmem:s31+$0xFFFFFF90] =	vst v36  }
0x221: {  	v47 =	vld.idx.msk [tilespmem:v38+s12+$0x0], $0xffff  }
0x222: {  	[tilespmem:s30+$0xFFFFFFA0] =	vst v37  }
0x223: {  	v37 =	vld.idx.msk [tilespmem:v49+s12+$0x0], $0xffff;
	[tilespmem:s30+$0xFFFFFF20] =	vst v34  }
0x224: {  	v34 =	vld.idx.msk [tilespmem:v50+s12+$0x0], $0xffff  }
0x225: {  	v36 =	vshll.u32 v48, $0x7  }
0x226: {  	v36 =	vor.u32 v3, v36;
	v35 =	vshll.u32 v47, $0x7  }
0x227: {  	v35 =	vor.u32 v3, v35  }
0x228: {  	v37 =	vshll.u32 v37, $0x7  }
0x229: {  	v37 =	vor.u32 v5, v37;
	v34 =	vshll.u32 v34, $0x7  }
0x22a: {  	v34 =	vor.u32 v5, v34  }
0x22b: {  	v36 =	vld.idx.msk [tilespmem:v36+s4+$0x0], $0xffff  }
0x22c: {  	v41 =	vor.u32 v4, v24;
	v35 =	vld.idx.msk [tilespmem:v35+s4+$0x0], $0xffff  }
0x22d: {  	v40 =	vor.u32 v4, v26  }
0x22e: {  	v37 =	vld.idx.msk [tilespmem:v37+s4+$0x0], $0xffff  }
0x22f: {  	v57 =	vor.u32 v6, v23;
	v34 =	vld.idx.msk [tilespmem:v34+s4+$0x0], $0xffff  }
0x230: {  	v58 =	vor.u32 v6, v22;
	[tilespmem:s31+$0xFFFFFF20] =	vst v36  }
0x231: {  	v36 =	vld.idx.msk [tilespmem:v41+s12+$0x0], $0xffff;
	[tilespmem:s31+$0xFFFFFFA0] =	vst v35  }
0x232: {  	v35 =	vld.idx.msk [tilespmem:v40+s12+$0x0], $0xffff  }
0x233: {  	[tilespmem:s30+$0xFFFFFFB0] =	vst v37  }
0x234: {  	v38 =	vld.idx.msk [tilespmem:v57+s12+$0x0], $0xffff;
	[tilespmem:s30+$0xFFFFFF30] =	vst v34  }
0x235: {  	v34 =	vld.idx.msk [tilespmem:v58+s12+$0x0], $0xffff  }
0x236: {  	v51 =	vor.u32 v6, v20;
	v32 =	vld.idx.msk [tilespmem:v32+s12+$0x0], $0xffff;
	v53 =	vshll.u32 v36, $0x7  }
0x237: {  	v33 =	vld.idx.msk [tilespmem:v33+s4+$0x0], $0xffff;
	v55 =	vor.u32 v5, v53;
	v35 =	vshll.u32 v35, $0x7  }
0x238: {  	[tilespmem:s29+$0xFFFFFF30] =	vst v30;
	v30 =	vor.u32 v5, v35  }
0x239: {  	v52 =	vor.u32 v10, v18;
	v43 =	vshll.u32 v38, $0x7  }
0x23a: {  	v37 =	vor.u32 v7, v43;
	v34 =	vshll.u32 v34, $0x7  }
0x23b: {  	v54 =	vld.idx.msk [tilespmem:v51+s12+$0x0], $0xffff;
	v32 =	vshll.u32 v32, $0x7;
	v34 =	vor.u32 v7, v34  }
0x23c: {  	[tilespmem:s28+$0xFFFFFFD0] =	vst v33;
	v32 =	vor.u32 v7, v32;
	v33 =	vld.idx.msk [tilespmem:v55+s4+$0x0], $0xffff  }
0x23d: {  	v60 =	vor.u32 v6, v24;
	v30 =	vld.idx.msk [tilespmem:v30+s4+$0x0], $0xffff  }
0x23e: {  	v59 =	vor.u32 v6, v26;
	v31 =	vshll.u32 v31, $0x7;
	v56 =	vld.idx.msk [tilespmem:v52+s12+$0x0], $0xffff  }
0x23f: {  	v31 =	vor.u32 v9, v31;
	v37 =	vld.idx.msk [tilespmem:v37+s4+$0x0], $0xffff  }
0x240: {  	v46 =	vor.u32 v8, v23;
	v34 =	vld.idx.msk [tilespmem:v34+s4+$0x0], $0xffff  }
0x241: {  	v32 =	vld.idx.msk [tilespmem:v32+s4+$0x0], $0xffff;
	v47 =	vor.u32 v8, v22;
	[tilespmem:s31+$0xFFFFFF30] =	vst v33  }
0x242: {  	v61 =	vor.u32 v8, v21;
	v33 =	vld.idx.msk [tilespmem:v60+s12+$0x0], $0xffff;
	[tilespmem:s31+$0xFFFFFFB0] =	vst v30  }
0x243: {  	v30 =	vshll.u32 v54, $0x7;
	v62 =	vld.idx.msk [tilespmem:v59+s12+$0x0], $0xffff  }
0x244: {  	v31 =	vld.idx.msk [tilespmem:v31+s4+$0x0], $0xffff;
	[tilespmem:s30+$0xFFFFFFC0] =	vst v37;
	v30 =	vor.u32 v7, v30  }
0x245: {  	v37 =	vld.idx.msk [tilespmem:v46+s12+$0x0], $0xffff;
	[tilespmem:s30+$0xFFFFFF40] =	vst v34  }
0x246: {  	[tilespmem:s29+$0xFFFFFFC0] =	vst v32;
	v50 =	vld.idx.msk [tilespmem:v47+s12+$0x0], $0xffff  }
0x247: {  	v63 =	vor.u32 v10, v19;
	v42 =	vld.idx.msk [tilespmem:v61+s12+$0x0], $0xffff;
	v33 =	vshll.u32 v33, $0x7  }
0x248: {  	v33 =	vor.u32 v7, v33;
	v36 =	vshll.u32 v62, $0x7  }
0x249: {  	[tilespmem:s28+$0xFFFFFF50] =	vst v31;
	v30 =	vld.idx.msk [tilespmem:v30+s4+$0x0], $0xffff;
	v31 =	vor.u32 v7, v36  }
0x24a: {  	v45 =	vor.u32 v8, v20;
	v35 =	vshll.u32 v56, $0x7  }
0x24b: {  	v41 =	vor.u32 v11, v35;
	v37 =	vshll.u32 v37, $0x7;
	v55 =	vshll.u32 v50, $0x7  }
0x24c: {  	v44 =	vld.idx.msk [tilespmem:v63+s12+$0x0], $0xffff;
	v35 =	vshll.u32 v42, $0x7;
	v54 =	vor.u32 v9, v37;
	v37 =	vor.u32 v9, v55  }
0x24d: {  	v35 =	vor.u32 v9, v35;
	v33 =	vld.idx.msk [tilespmem:v33+s4+$0x0], $0xffff  }
0x24e: {  	v48 =	vor.u32 v8, v24;
	[tilespmem:s29+$0xFFFFFF40] =	vst v30;
	v31 =	vld.idx.msk [tilespmem:v31+s4+$0x0], $0xffff  }
0x24f: {  	v30 =	vor.u32 v8, v26;
	v38 =	vld.idx.msk [tilespmem:v45+s12+$0x0], $0xffff  }
0x250: {  	v32 =	vld.idx.msk [tilespmem:v41+s4+$0x0], $0xffff  }
0x251: {  	v37 =	vld.idx.msk [tilespmem:v37+s4+$0x0], $0xffff  }
0x252: {  	v61 =	vor.u32 v10, v22;
	v35 =	vld.idx.msk [tilespmem:v35+s4+$0x0], $0xffff;
	[tilespmem:s31+$0xFFFFFF40] =	vst v33  }
0x253: {  	v52 =	vld.idx.msk [tilespmem:v48+s12+$0x0], $0xffff;
	[tilespmem:s31+$0xFFFFFFC0] =	vst v31  }
0x254: {  	[tilespmem:s26+$0xFFFFFF60] =	vst v29;
	v49 =	vor.u32 v12, v17;
	v38 =	vshll.u32 v38, $0x7;
	v30 =	vld.idx.msk [tilespmem:v30+s12+$0x0], $0xffff  }
0x255: {  	[tilespmem:s28+$0xFFFFFFE0] =	vst v32;
	v32 =	vld.idx.msk [tilespmem:v54+s4+$0x0], $0xffff;
	v29 =	vor.u32 v9, v38  }
0x256: {  	v60 =	vor.u32 v10, v23;
	[tilespmem:s30+$0xFFFFFF50] =	vst v37  }
0x257: {  	v53 =	vor.u32 v10, v21;
	v37 =	vld.idx.msk [tilespmem:v61+s12+$0x0], $0xffff  }
0x258: {  	v31 =	vor.u32 v12, v18;
	v56 =	vshll.u32 v52, $0x7  }
0x259: {  	v34 =	vld.idx.msk [tilespmem:v49+s12+$0x0], $0xffff;
	[tilespmem:s29+$0xFFFFFFD0] =	vst v35;
	v35 =	vor.u32 v9, v56;
	v30 =	vshll.u32 v30, $0x7  }
0x25a: {  	v36 =	vshll.u32 v44, $0x7;
	[tilespmem:s30+$0xFFFFFFD0] =	vst v32;
	v29 =	vld.idx.msk [tilespmem:v29+s4+$0x0], $0xffff;
	v30 =	vor.u32 v9, v30  }
0x25b: {  	v51 =	vor.u32 v11, v36;
	v42 =	vld.idx.msk [tilespmem:v60+s12+$0x0], $0xffff  }
0x25c: {  	v57 =	vld.idx.msk [tilespmem:v53+s12+$0x0], $0xffff;
	v37 =	vshll.u32 v37, $0x7  }
0x25d: {  	v37 =	vor.u32 v11, v37;
	v31 =	vld.idx.msk [tilespmem:v31+s12+$0x0], $0xffff  }
0x25e: {  	v59 =	vor.u32 v10, v20;
	v35 =	vld.idx.msk [tilespmem:v35+s4+$0x0], $0xffff  }
0x25f: {  	[tilespmem:s29+$0xFFFFFF50] =	vst v29;
	v29 =	vor.u32 v10, v24;
	v30 =	vld.idx.msk [tilespmem:v30+s4+$0x0], $0xffff  }
0x260: {  	v63 =	vshll.u32 v34, $0x7;
	v62 =	vor.u32 v10, v26;
	v33 =	vld.idx.msk [tilespmem:v51+s4+$0x0], $0xffff;
	v34 =	vshll.u32 v42, $0x7  }
0x261: {  	v28 =	vshll.u32 v28, $0x7;
	v34 =	vor.u32 v11, v34  }
0x262: {  	v28 =	vor.u32 v13, v28;
	v37 =	vld.idx.msk [tilespmem:v37+s4+$0x0], $0xffff  }
0x263: {  	v32 =	vor.u32 v13, v63;
	[tilespmem:s31+$0xFFFFFF50] =	vst v35;
	v39 =	vld.idx.msk [tilespmem:v59+s12+$0x0], $0xffff  }
0x264: {  	v48 =	vor.u32 v12, v22;
	v31 =	vshll.u32 v31, $0x7;
	v29 =	vld.idx.msk [tilespmem:v29+s12+$0x0], $0xffff;
	[tilespmem:s31+$0xFFFFFFD0] =	vst v30  }
0x265: {  	v58 =	vor.u32 v12, v19;
	[tilespmem:s28+$0xFFFFFF60] =	vst v33;
	v30 =	vor.u32 v13, v31;
	v31 =	vshll.u32 v57, $0x7;
	v33 =	vld.idx.msk [tilespmem:v62+s12+$0x0], $0xffff  }
0x266: {  	v34 =	vld.idx.msk [tilespmem:v34+s4+$0x0], $0xffff;
	v31 =	vor.u32 v11, v31  }
0x267: {  	v28 =	vld.idx.msk [tilespmem:v28+s4+$0x0], $0xffff;
	v47 =	vor.u32 v12, v23  }
0x268: {  	v32 =	vld.idx.msk [tilespmem:v32+s4+$0x0], $0xffff;
	[tilespmem:s30+$0xFFFFFF60] =	vst v37;
	v44 =	vshll.u32 v39, $0x7  }
0x269: {  	v52 =	vld.idx.msk [tilespmem:v48+s12+$0x0], $0xffff;
	v36 =	vor.u32 v11, v44;
	v29 =	vshll.u32 v29, $0x7  }
0x26a: {  	v38 =	vld.idx.msk [tilespmem:v58+s12+$0x0], $0xffff;
	v29 =	vor.u32 v11, v29;
	v33 =	vshll.u32 v33, $0x7  }
0x26b: {  	[tilespmem:s30+$0xFFFFFFE0] =	vst v34;
	v31 =	vld.idx.msk [tilespmem:v31+s4+$0x0], $0xffff;
	v33 =	vor.u32 v11, v33  }
0x26c: {  	v45 =	vor.u32 v12, v21;
	v51 =	vld.idx.msk [tilespmem:v47+s12+$0x0], $0xffff  }
0x26d: {  	v17 =	vor.u32 v14, v17;
	v30 =	vld.idx.msk [tilespmem:v30+s4+$0x0], $0xffff  }
0x26e: {  	v55 =	vshll.u32 v52, $0x7;
	v36 =	vld.idx.msk [tilespmem:v36+s4+$0x0], $0xffff  }
0x26f: {  	[tilespmem:s26+$0xFFFFFF70] =	vst v32;
	v32 =	vor.u32 v13, v55;
	v29 =	vld.idx.msk [tilespmem:v29+s4+$0x0], $0xffff  }
0x270: {  	v46 =	vor.u32 v12, v20;
	[tilespmem:s29+$0xFFFFFFE0] =	vst v31;
	v33 =	vld.idx.msk [tilespmem:v33+s4+$0x0], $0xffff  }
0x271: {  	v49 =	vor.u32 v12, v24;
	v43 =	vshll.u32 v38, $0x7;
	v38 =	vld.idx.msk [tilespmem:v45+s12+$0x0], $0xffff  }
0x272: {  	v17 =	vld.idx.msk [tilespmem:v17+s12+$0x0], $0xffff;
	v31 =	vor.u32 v12, v26  }
0x273: {  	v27 =	vld.idx.msk [tilespmem:v27+s12+$0x0], $0xffff;
	v18 =	vor.u32 v14, v18;
	v54 =	vshll.u32 v51, $0x7;
	[tilespmem:s28+$0xFFFFFFF0] =	vst v30  }
0x274: {  	v32 =	vld.idx.msk [tilespmem:v32+s4+$0x0], $0xffff;
	v30 =	vor.u32 v13, v54;
	[tilespmem:s29+$0xFFFFFF60] =	vst v36  }
0x275: {  	v16 =	vor.u32 v14, v16;
	v50 =	vld.idx.msk [tilespmem:v46+s12+$0x0], $0xffff;
	[tilespmem:s31+$0xFFFFFF60] =	vst v29  }
0x276: {  	v35 =	vor.u32 v13, v43;
	v53 =	vld.idx.msk [tilespmem:v49+s12+$0x0], $0xffff;
	[tilespmem:s31+$0xFFFFFFE0] =	vst v33;
	v29 =	vshll.u32 v38, $0x7  }
0x277: {  	[tilespmem:s26+$0xFFFFFFF0] =	vst v28;
	v17 =	vshll.u32 v17, $0x7;
	v31 =	vld.idx.msk [tilespmem:v31+s12+$0x0], $0xffff;
	v28 =	vor.u32 v13, v29  }
0x278: {  	v17 =	vor.u32 v15, v17;
	v18 =	vld.idx.msk [tilespmem:v18+s12+$0x0], $0xffff  }
0x279: {  	v22 =	vor.u32 v14, v22;
	v30 =	vld.idx.msk [tilespmem:v30+s4+$0x0], $0xffff  }
0x27a: {  	v16 =	vld.idx.msk [tilespmem:v16+s12+$0x0], $0xffff;
	v23 =	vor.u32 v14, v23;
	v29 =	vshll.u32 v50, $0x7  }
0x27b: {  	v35 =	vld.idx.msk [tilespmem:v35+s4+$0x0], $0xffff;
	v29 =	vor.u32 v13, v29;
	v33 =	vshll.u32 v53, $0x7  }
0x27c: {  	v33 =	vor.u32 v13, v33;
	v31 =	vshll.u32 v31, $0x7;
	v28 =	vld.idx.msk [tilespmem:v28+s4+$0x0], $0xffff  }
0x27d: {  	v17 =	vld.idx.msk [tilespmem:v17+s4+$0x0], $0xffff;
	[tilespmem:s30+$0xFFFFFF70] =	vst v32;
	v31 =	vor.u32 v13, v31  }
0x27e: {  	v19 =	vor.u32 v14, v19;
	v22 =	vld.idx.msk [tilespmem:v22+s12+$0x0], $0xffff;
	v18 =	vshll.u32 v18, $0x7;
	[tilespmem:s30+$0xFFFFFFF0] =	vst v30  }
0x27f: {  	v18 =	vor.u32 v15, v18;
	v23 =	vld.idx.msk [tilespmem:v23+s12+$0x0], $0xffff  }
0x280: {  	v21 =	vor.u32 v14, v21;
	v29 =	vld.idx.msk [tilespmem:v29+s4+$0x0], $0xffff  }
0x281: {  	v20 =	vor.u32 v14, v20;
	[tilespmem:s29+$0xFFFFFFF0] =	vst v28;
	v28 =	vld.idx.msk [tilespmem:v33+s4+$0x0], $0xffff  }
0x282: {  	v24 =	vor.u32 v14, v24;
	[tilespmem:s28+$0xFFFFFF70] =	vst v35;
	v31 =	vld.idx.msk [tilespmem:v31+s4+$0x0], $0xffff  }
0x283: {  	v19 =	vld.idx.msk [tilespmem:v19+s12+$0x0], $0xffff;
	v26 =	vor.u32 v14, v26  }
0x284: {  	v22 =	vshll.u32 v22, $0x7;
	v18 =	vld.idx.msk [tilespmem:v18+s4+$0x0], $0xffff  }
0x285: {  	v22 =	vor.u32 v15, v22;
	v23 =	vshll.u32 v23, $0x7;
	v21 =	vld.idx.msk [tilespmem:v21+s12+$0x0], $0xffff;
	[tilespmem:s29+$0xFFFFFF70] =	vst v29  }
0x286: {  	v16 =	vshll.u32 v16, $0x7;
	v23 =	vor.u32 v15, v23;
	v20 =	vld.idx.msk [tilespmem:v20+s12+$0x0], $0xffff;
	[tilespmem:s31+$0xFFFFFF70] =	vst v28  }
0x287: {  	v27 =	vshll.u32 v27, $0x7;
	v16 =	vor.u32 v15, v16;
	[tilespmem:s31+$0xFFFFFFF0] =	vst v31;
	v24 =	vld.idx.msk [tilespmem:v24+s12+$0x0], $0xffff  }
0x288: {  	v27 =	vor.u32 v15, v27;
	v19 =	vshll.u32 v19, $0x7;
	v26 =	vld.idx.msk [tilespmem:v26+s12+$0x0], $0xffff  }
0x289: {  	v19 =	vor.u32 v15, v19  }
0x28a: {  	[tilespmem:s28+$0x0] =	vst v18;
	v18 =	vld.idx.msk [tilespmem:v22+s4+$0x0], $0xffff;
	v21 =	vshll.u32 v21, $0x7  }
0x28b: {  	[tilespmem:s26+$0xFFFFFF80] =	vst v17;
	v17 =	vld.idx.msk [tilespmem:v23+s4+$0x0], $0xffff;
	v21 =	vor.u32 v15, v21;
	v20 =	vshll.u32 v20, $0x7  }
0x28c: {  	v16 =	vld.idx.msk [tilespmem:v16+s4+$0x0], $0xffff;
	v20 =	vor.u32 v15, v20;
	v24 =	vshll.u32 v24, $0x7  }
0x28d: {  	v27 =	vld.idx.msk [tilespmem:v27+s4+$0x0], $0xffff;
	v26 =	vshll.u32 v26, $0x7;
	v24 =	vor.u32 v15, v24  }
0x28e: {  	[tilespmem:s25+$0x0] =	vst v25;
	p0 =	seq.s32 s21, $0x11;
	v19 =	vld.idx.msk [tilespmem:v19+s4+$0x0], $0xffff;
	v25 =	vor.u32 v15, v26  }
0x28f: {  	s2 =	sadd.s32 @!p0 $0x2, s23;
	[tilespmem:s30+$0xFFFFFF80] =	vst v18  }
0x290: {  	[tilespmem:s30+$0x0] =	vst v17;
	s30 =	sadd.s32 $0x90000, s24;
	s24 =	smulhi.u32 @!p0 $0x55555556, s2;
	v21 =	vld.idx.msk [tilespmem:v21+s4+$0x0], $0xffff  }
0x291: {  	[tilespmem:s26+$0x0] =	vst v16;
	v16 =	vld.idx.msk [tilespmem:v20+s4+$0x0], $0xffff  }
0x292: {  	[tilespmem:s25+$0xFFFFFF80] =	vst v27;
	s23 =	sadd.s32 @!p0 s3, s24;
	s24 =	smul.u32 @!p0 $0x3, s24;
	v20 =	vld.idx.msk [tilespmem:v24+s4+$0x0], $0xffff  }
0x293: {  	[tilespmem:s28+$0xFFFFFF80] =	vst v19;
	s25 =	sshrl.u32 @!p0 s23, $0x3;
	v19 =	vld.idx.msk [tilespmem:v25+s4+$0x0], $0xffff  }
0x294: {  	s25 =	smul.u32 @!p0 $0xC00, s25;
	s2 =	ssub.s32 @!p0 s2, s24  }
0x295: {  	s26 =	sshll.u32 @!p0 s23, $0x7;
	s24 =	sshll.u32 @!p0 s2, $0xA;
	[tilespmem:s29+$0x0] =	vst v21  }
0x296: {  	s23 =	smul.u32 @!p0 $0x18000, s23;
	s24 =	sadd.s32 @!p0 s24, s25;
	s25 =	sand.u32 @!p0 $0x380, s26;
	[tilespmem:s29+$0xFFFFFF80] =	vst v16  }
0x297: {  	s28 =	simm.s32 @!p0 $0x0;
	s2 =	sshll.u32 @!p0 s2, $0xF;
	s24 =	sor.u32 @!p0 s25, s24;
	[tilespmem:s31+$0xFFFFFF80] =	vst v20  }
0x298: {  	s26 =	simm.s32 @!p0 $0x24000;
	s2 =	sadd.s32 @!p0 s2, s23;
	s24 =	sshrl.u32 @!p0 s24, $0x3;
	[tilespmem:s31+$0x0] =	vst v19  }
0x299: {  	[hbm4b:s30+s10] =	stream.strided.scatter [tilespmem:s17], [sflag:$0x3], $0x1000, s11, s10, $0x38;
	[tilespmem:$0x1E000] =	vst v63  }
0x29a: {  	s25 =	simm.s32 @!p0 $0x80;
	s2 =	sshrl.u32 @!p0 s2, $0x3;
	s24 =	sadd.s32 @!p0 s1, s24  }
0x29b: {  	[tilespmem:s28], [sflag:$0x1] =	stream.strided.gather @!p0 [hbm4b:s24+s25], $0x6000, s26, s25, $0x38;
	[tilespmem:$0x1E000] =	vst v63  }
0x29c: {  	s23 =	simm.s32 @!p0 $0xC000;
	s2 =	sadd.s32 @!p0 s5, s2  }
0x29d: {  	[tilespmem:s23], [sflag:$0x1] =	stream.linear.gather @!p0 [hbm4b:s2+s28], $0x8000, $0x38;
	[tilespmem:$0x1E000] =	vst v63  }
0x29e: {  	_ =	swait.ge [sflag:s18], $0x6000  }
0x29f: {  	[sflag:s18] =	ssyncset.done $0x0  }
0x2a0: {  	s31 =	simm.s32 $0x81;
	[sflag:s18] =	ssyncadd.s32 $0xFFFFA000  }
0x2a1: {  	v16 =	vmov s31;
	_ =	swait.ge [sflag:s18], $0x8000  }
0x2a2: {  	v16 =	vand.u32 $0x1F, v16;
	[sflag:s18] =	ssyncset.done $0x0  }
0x2a3: {  	v24 =	vbroadcast v16, $0x0;
	[sflag:s18] =	ssyncadd.s32 $0xFFFF8000  }
0x2a4: {  	_ =	swait.ge [sflag:s19], $0x1000  }
0x2a5: {  	v16 =	vor.u32 v0, v24;
	[sflag:s19] =	ssyncset.done $0x0  }
0x2a6: {  	[sflag:s19] =	ssyncadd.s32 $0xFFFFF000  }
0x2a7: {  	_ =	swait.ge [sflag:s19], $0x1000  }
0x2a8: {  	[sflag:s19] =	ssyncset.done $0x0  }
0x2a9: {  	[sflag:s19] =	ssyncadd.s32 $0xFFFFF000  }
0x2aa: {  	s23 =	simm.s32 $0x0;
	v16 =	vld.idx.msk [tilespmem:v16+s14+$0x0], $0xffff  }
0x2ab: {  	v17 =	vmov s23  }
0x2ac: {  	v17 =	vand.u32 $0x1E, v17  }
0x2ad: {  	v27 =	vbroadcast v17, $0x0;
	_ =	sdelay $0x1  }
0x2ae: {  	v17 =	vor.u32 v0, v27;
	v16 =	vshll.u32 v16, $0x7  }
0x2af: {  	v16 =	vor.u32 v1, v16;
	_ =	sdelay $0x3  }
0x2b0: {  	v17 =	vld.idx.msk [tilespmem:v17+s14+$0x0], $0xffff  }
0x2b1: {  	v16 =	vld.idx.msk [tilespmem:v16+s13+$0x0], $0xffff  }
0x2b2: {  	v18 =	vor.u32 v2, v24;
	_ =	sdelay $0x2  }
0x2b3: {  	s23 =	simm.s32 $0x1C080;
	v17 =	vshll.u32 v17, $0x7  }
0x2b4: {  	v17 =	vor.u32 v1, v17;
	[tilespmem:s23+$0x0] =	vst v16  }
0x2b5: {  	v18 =	vld.idx.msk [tilespmem:v18+s14+$0x0], $0xffff;
	_ =	sdelay $0x1  }
0x2b6: {  	s24 =	simm.s32 $0x83  }
0x2b7: {  	v16 =	vmov s24  }
0x2b8: {  	v17 =	vld.idx.msk [tilespmem:v17+s13+$0x0], $0xffff;
	v16 =	vand.u32 $0x1F, v16  }
0x2b9: {  	v19 =	vor.u32 v2, v27;
	v16 =	vbroadcast v16, $0x0;
	v18 =	vshll.u32 v18, $0x7  }
0x2ba: {  	v18 =	vor.u32 v3, v18  }
0x2bb: {  	v20 =	vor.u32 v0, v16;
	_ =	sdelay $0x1  }
0x2bc: {  	[tilespmem:s23+$0xFFFFFF80] =	vst v17  }
0x2bd: {  	s25 =	simm.s32 $0x2;
	v19 =	vld.idx.msk [tilespmem:v19+s14+$0x0], $0xffff  }
0x2be: {  	v17 =	vmov s25;
	v18 =	vld.idx.msk [tilespmem:v18+s13+$0x0], $0xffff  }
0x2bf: {  	v21 =	vor.u32 v4, v24;
	v17 =	vand.u32 $0x1E, v17;
	v20 =	vld.idx.msk [tilespmem:v20+s14+$0x0], $0xffff  }
0x2c0: {  	v17 =	vbroadcast v17, $0x0;
	_ =	sdelay $0x1  }
0x2c1: {  	v22 =	vor.u32 v0, v17;
	v19 =	vshll.u32 v19, $0x7  }
0x2c2: {  	v19 =	vor.u32 v3, v19;
	[tilespmem:s23+$0x10] =	vst v18  }
0x2c3: {  	v18 =	vshll.u32 v20, $0x7;
	v20 =	vld.idx.msk [tilespmem:v21+s14+$0x0], $0xffff  }
0x2c4: {  	v18 =	vor.u32 v1, v18;
	_ =	sdelay $0x1  }
0x2c5: {  	v21 =	vld.idx.msk [tilespmem:v22+s14+$0x0], $0xffff  }
0x2c6: {  	v19 =	vld.idx.msk [tilespmem:v19+s13+$0x0], $0xffff  }
0x2c7: {  	v22 =	vor.u32 v4, v27;
	v20 =	vshll.u32 v20, $0x7  }
0x2c8: {  	v18 =	vld.idx.msk [tilespmem:v18+s13+$0x0], $0xffff;
	v20 =	vor.u32 v5, v20  }
0x2c9: {  	v23 =	vor.u32 v2, v16  }
0x2ca: {  	v21 =	vshll.u32 v21, $0x7  }
0x2cb: {  	[tilespmem:s23+$0xFFFFFF90] =	vst v19;
	v21 =	vor.u32 v1, v21  }
0x2cc: {  	s24 =	simm.s32 $0x1C180;
	v19 =	vld.idx.msk [tilespmem:v22+s14+$0x0], $0xffff  }
0x2cd: {  	[tilespmem:s24+$0x0] =	vst v18;
	v20 =	vld.idx.msk [tilespmem:v20+s13+$0x0], $0xffff  }
0x2ce: {  	s26 =	simm.s32 $0x85;
	v22 =	vld.idx.msk [tilespmem:v23+s14+$0x0], $0xffff;
	v23 =	vor.u32 v6, v24  }
0x2cf: {  	v18 =	vmov s26  }
0x2d0: {  	v21 =	vld.idx.msk [tilespmem:v21+s13+$0x0], $0xffff;
	v18 =	vand.u32 $0x1F, v18  }
0x2d1: {  	s30 =	simm.s32 $0x4;
	v25 =	vor.u32 v2, v17;
	v19 =	vshll.u32 v19, $0x7;
	v18 =	vbroadcast v18, $0x0  }
0x2d2: {  	v26 =	vmov s30;
	v28 =	vor.u32 v5, v19;
	[tilespmem:s23+$0x20] =	vst v20  }
0x2d3: {  	v19 =	vand.u32 $0x1E, v26;
	v20 =	vor.u32 v0, v18;
	v22 =	vshll.u32 v22, $0x7;
	v23 =	vld.idx.msk [tilespmem:v23+s14+$0x0], $0xffff  }
0x2d4: {  	v19 =	vbroadcast v19, $0x0;
	v22 =	vor.u32 v3, v22  }
0x2d5: {  	[tilespmem:s24+$0xFFFFFF80] =	vst v21  }
0x2d6: {  	v21 =	vor.u32 v0, v19;
	v25 =	vld.idx.msk [tilespmem:v25+s14+$0x0], $0xffff  }
0x2d7: {  	v26 =	vld.idx.msk [tilespmem:v28+s13+$0x0], $0xffff  }
0x2d8: {  	v28 =	vor.u32 v6, v27;
	v20 =	vld.idx.msk [tilespmem:v20+s14+$0x0], $0xffff;
	v23 =	vshll.u32 v23, $0x7  }
0x2d9: {  	v22 =	vld.idx.msk [tilespmem:v22+s13+$0x0], $0xffff;
	v23 =	vor.u32 v7, v23  }
0x2da: {  	v29 =	vor.u32 v4, v16  }
0x2db: {  	v21 =	vld.idx.msk [tilespmem:v21+s14+$0x0], $0xffff;
	v25 =	vshll.u32 v25, $0x7  }
0x2dc: {  	[tilespmem:s23+$0xFFFFFFA0] =	vst v26;
	v25 =	vor.u32 v3, v25  }
0x2dd: {  	v26 =	vld.idx.msk [tilespmem:v28+s14+$0x0], $0xffff;
	v20 =	vshll.u32 v20, $0x7  }
0x2de: {  	[tilespmem:s24+$0x10] =	vst v22;
	v20 =	vor.u32 v1, v20;
	v22 =	vld.idx.msk [tilespmem:v23+s13+$0x0], $0xffff  }
0x2df: {  	v28 =	vor.u32 v8, v24;
	v23 =	vld.idx.msk [tilespmem:v29+s14+$0x0], $0xffff  }
0x2e0: {  	v21 =	vshll.u32 v21, $0x7  }
0x2e1: {  	v21 =	vor.u32 v1, v21;
	v25 =	vld.idx.msk [tilespmem:v25+s13+$0x0], $0xffff  }
0x2e2: {  	v26 =	vshll.u32 v26, $0x7;
	v29 =	vor.u32 v4, v17  }
0x2e3: {  	v26 =	vor.u32 v7, v26;
	v20 =	vld.idx.msk [tilespmem:v20+s13+$0x0], $0xffff;
	[tilespmem:s23+$0x30] =	vst v22  }
0x2e4: {  	v22 =	vor.u32 v2, v18;
	v23 =	vshll.u32 v23, $0x7;
	v28 =	vld.idx.msk [tilespmem:v28+s14+$0x0], $0xffff  }
0x2e5: {  	v23 =	vor.u32 v5, v23  }
0x2e6: {  	v21 =	vld.idx.msk [tilespmem:v21+s13+$0x0], $0xffff;
	[tilespmem:s24+$0xFFFFFF90] =	vst v25  }
0x2e7: {  	s31 =	simm.s32 $0x6;
	s25 =	simm.s32 $0x1C280;
	v25 =	vld.idx.msk [tilespmem:v29+s14+$0x0], $0xffff;
	v29 =	vor.u32 v2, v19  }
0x2e8: {  	v30 =	vmov s31;
	v26 =	vld.idx.msk [tilespmem:v26+s13+$0x0], $0xffff;
	[tilespmem:s25+$0x0] =	vst v20  }
0x2e9: {  	s26 =	simm.s32 $0x87;
	v20 =	vand.u32 $0x1E, v30;
	v30 =	vor.u32 v8, v27;
	v22 =	vld.idx.msk [tilespmem:v22+s14+$0x0], $0xffff;
	v28 =	vshll.u32 v28, $0x7  }
0x2ea: {  	v31 =	vmov s26;
	v20 =	vbroadcast v20, $0x0;
	v23 =	vld.idx.msk [tilespmem:v23+s13+$0x0], $0xffff;
	v28 =	vor.u32 v9, v28  }
0x2eb: {  	v56 =	vor.u32 v6, v16;
	[tilespmem:s25+$0xFFFFFF80] =	vst v21;
	v21 =	vand.u32 $0x1F, v31  }
0x2ec: {  	v21 =	vbroadcast v21, $0x0;
	v25 =	vshll.u32 v25, $0x7;
	v29 =	vld.idx.msk [tilespmem:v29+s14+$0x0], $0xffff;
	v31 =	vor.u32 v0, v20  }
0x2ed: {  	[tilespmem:s23+$0xFFFFFFB0] =	vst v26;
	v25 =	vor.u32 v5, v25  }
0x2ee: {  	v26 =	vld.idx.msk [tilespmem:v30+s14+$0x0], $0xffff;
	v30 =	vor.u32 v0, v21;
	v22 =	vshll.u32 v22, $0x7  }
0x2ef: {  	[tilespmem:s24+$0x20] =	vst v23;
	v22 =	vor.u32 v3, v22;
	v23 =	vld.idx.msk [tilespmem:v28+s13+$0x0], $0xffff  }
0x2f0: {  	v57 =	vor.u32 v10, v24;
	v28 =	vld.idx.msk [tilespmem:v56+s14+$0x0], $0xffff  }
0x2f1: {  	v29 =	vshll.u32 v29, $0x7;
	v31 =	vld.idx.msk [tilespmem:v31+s14+$0x0], $0xffff  }
0x2f2: {  	v25 =	vld.idx.msk [tilespmem:v25+s13+$0x0], $0xffff;
	v29 =	vor.u32 v3, v29  }
0x2f3: {  	v58 =	vor.u32 v6, v17;
	v30 =	vld.idx.msk [tilespmem:v30+s14+$0x0], $0xffff;
	v26 =	vshll.u32 v26, $0x7  }
0x2f4: {  	v26 =	vor.u32 v9, v26;
	v22 =	vld.idx.msk [tilespmem:v22+s13+$0x0], $0xffff;
	[tilespmem:s23+$0x40] =	vst v23  }
0x2f5: {  	v23 =	vor.u32 v4, v18;
	v28 =	vshll.u32 v28, $0x7;
	v32 =	vld.idx.msk [tilespmem:v57+s14+$0x0], $0xffff  }
0x2f6: {  	v31 =	vshll.u32 v31, $0x7;
	v28 =	vor.u32 v7, v28  }
0x2f7: {  	[tilespmem:s24+$0xFFFFFFA0] =	vst v25;
	v25 =	vld.idx.msk [tilespmem:v29+s13+$0x0], $0xffff;
	v31 =	vor.u32 v1, v31  }
0x2f8: {  	v59 =	vor.u32 v4, v19;
	v29 =	vld.idx.msk [tilespmem:v58+s14+$0x0], $0xffff;
	v30 =	vshll.u32 v30, $0x7  }
0x2f9: {  	v26 =	vld.idx.msk [tilespmem:v26+s13+$0x0], $0xffff;
	v30 =	vor.u32 v1, v30;
	[tilespmem:s25+$0x10] =	vst v22  }
0x2fa: {  	v60 =	vor.u32 v10, v27;
	v23 =	vld.idx.msk [tilespmem:v23+s14+$0x0], $0xffff;
	v32 =	vshll.u32 v32, $0x7  }
0x2fb: {  	v28 =	vld.idx.msk [tilespmem:v28+s13+$0x0], $0xffff;
	v32 =	vor.u32 v11, v32  }
0x2fc: {  	s30 =	simm.s32 $0x8;
	[tilespmem:s25+$0xFFFFFF90] =	vst v25;
	v25 =	vor.u32 v8, v16;
	v31 =	vld.idx.msk [tilespmem:v31+s13+$0x0], $0xffff  }
0x2fd: {  	v63 =	vor.u32 v2, v20;
	v22 =	vmov s30;
	v29 =	vshll.u32 v29, $0x7;
	v33 =	vld.idx.msk [tilespmem:v59+s14+$0x0], $0xffff  }
0x2fe: {  	v22 =	vand.u32 $0x1E, v22;
	v29 =	vor.u32 v7, v29;
	[tilespmem:s23+$0xFFFFFFC0] =	vst v26;
	v26 =	vld.idx.msk [tilespmem:v30+s13+$0x0], $0xffff  }
0x2ff: {  	v22 =	vbroadcast v22, $0x0;
	v30 =	vor.u32 v2, v21;
	v34 =	vld.idx.msk [tilespmem:v60+s14+$0x0], $0xffff;
	v23 =	vshll.u32 v23, $0x7  }
0x300: {  	s26 =	simm.s32 $0x1C380;
	v23 =	vor.u32 v5, v23;
	[tilespmem:s24+$0x30] =	vst v28;
	v28 =	vld.idx.msk [tilespmem:v32+s13+$0x0], $0xffff  }
0x301: {  	v61 =	vor.u32 v0, v22;
	[tilespmem:s26+$0xFFFFFF80] =	vst v31;
	v25 =	vld.idx.msk [tilespmem:v25+s14+$0x0], $0xffff  }
0x302: {  	v62 =	vor.u32 v12, v24;
	v33 =	vshll.u32 v33, $0x7;
	v42 =	vld.idx.msk [tilespmem:v63+s14+$0x0], $0xffff  }
0x303: {  	v29 =	vld.idx.msk [tilespmem:v29+s13+$0x0], $0xffff;
	[tilespmem:s26+$0x0] =	vst v26;
	v26 =	vor.u32 v5, v33  }
0x304: {  	v40 =	vor.u32 v8, v17;
	v30 =	vld.idx.msk [tilespmem:v30+s14+$0x0], $0xffff;
	v34 =	vshll.u32 v34, $0x7  }
0x305: {  	v34 =	vor.u32 v11, v34;
	v41 =	vld.idx.msk [tilespmem:v23+s13+$0x0], $0xffff  }
0x306: {  	s31 =	simm.s32 $0x89;
	v35 =	vld.idx.msk [tilespmem:v61+s14+$0x0], $0xffff;
	[tilespmem:s23+$0x50] =	vst v28;
	v28 =	vor.u32 v6, v18;
	v25 =	vshll.u32 v25, $0x7  }
0x307: {  	v23 =	vmov s31;
	v32 =	vshll.u32 v42, $0x7;
	v31 =	vld.idx.msk [tilespmem:v62+s14+$0x0], $0xffff;
	v25 =	vor.u32 v9, v25  }
0x308: {  	v23 =	vand.u32 $0x1F, v23;
	[tilespmem:s24+$0xFFFFFFB0] =	vst v29;
	v26 =	vld.idx.msk [tilespmem:v26+s13+$0x0], $0xffff;
	v32 =	vor.u32 v3, v32  }
0x309: {  	v44 =	vor.u32 v6, v19;
	v23 =	vbroadcast v23, $0x0;
	v33 =	vld.idx.msk [tilespmem:v40+s14+$0x0], $0xffff;
	v30 =	vshll.u32 v30, $0x7  }
0x30a: {  	v34 =	vld.idx.msk [tilespmem:v34+s13+$0x0], $0xffff;
	v30 =	vor.u32 v3, v30;
	[tilespmem:s25+$0x20] =	vst v41  }
0x30b: {  	v35 =	vshll.u32 v35, $0x7;
	v43 =	vor.u32 v0, v23;
	v28 =	vld.idx.msk [tilespmem:v28+s14+$0x0], $0xffff  }
0x30c: {  	v29 =	vor.u32 v1, v35;
	v31 =	vshll.u32 v31, $0x7;
	v25 =	vld.idx.msk [tilespmem:v25+s13+$0x0], $0xffff  }
0x30d: {  	[tilespmem:s25+$0xFFFFFFA0] =	vst v26;
	v32 =	vld.idx.msk [tilespmem:v32+s13+$0x0], $0xffff;
	v31 =	vor.u32 v13, v31  }
0x30e: {  	v45 =	vor.u32 v10, v16;
	v46 =	vld.idx.msk [tilespmem:v44+s14+$0x0], $0xffff  }
0x30f: {  	v47 =	vor.u32 v12, v27;
	v33 =	vshll.u32 v33, $0x7;
	v26 =	vld.idx.msk [tilespmem:v30+s13+$0x0], $0xffff  }
0x310: {  	v35 =	vld.idx.msk [tilespmem:v43+s14+$0x0], $0xffff;
	v30 =	vor.u32 v9, v33  }
0x311: {  	v48 =	vor.u32 v4, v21;
	v29 =	vld.idx.msk [tilespmem:v29+s13+$0x0], $0xffff;
	v28 =	vshll.u32 v28, $0x7  }
0x312: {  	[tilespmem:s24+$0x40] =	vst v25;
	v28 =	vor.u32 v7, v28;
	v25 =	vld.idx.msk [tilespmem:v31+s13+$0x0], $0xffff  }
0x313: {  	v24 =	vor.u32 v14, v24;
	[tilespmem:s23+$0xFFFFFFD0] =	vst v34;
	v31 =	vld.idx.msk [tilespmem:v45+s14+$0x0], $0xffff  }
0x314: {  	v50 =	vor.u32 v4, v20;
	v33 =	vshll.u32 v46, $0x7;
	[tilespmem:s26+$0x10] =	vst v26;
	v26 =	vld.idx.msk [tilespmem:v47+s14+$0x0], $0xffff  }
0x315: {  	v30 =	vld.idx.msk [tilespmem:v30+s13+$0x0], $0xffff;
	v49 =	vshll.u32 v35, $0x7;
	v33 =	vor.u32 v7, v33  }
0x316: {  	s30 =	simm.s32 $0xA;
	v34 =	vor.u32 v1, v49;
	v51 =	vld.idx.msk [tilespmem:v48+s14+$0x0], $0xffff  }
0x317: {  	v53 =	vor.u32 v10, v17;
	v52 =	vmov s30;
	v28 =	vld.idx.msk [tilespmem:v28+s13+$0x0], $0xffff;
	[tilespmem:s23+$0x60] =	vst v25  }
0x318: {  	v55 =	vor.u32 v8, v18;
	[tilespmem:s26+$0xFFFFFF90] =	vst v32;
	v25 =	vand.u32 $0x1E, v52;
	v31 =	vshll.u32 v31, $0x7;
	v54 =	vld.idx.msk [tilespmem:v24+s14+$0x0], $0xffff  }
0x319: {  	v24 =	vbroadcast v25, $0x0;
	v25 =	vor.u32 v11, v31;
	v31 =	vld.idx.msk [tilespmem:v50+s14+$0x0], $0xffff;
	v26 =	vshll.u32 v26, $0x7  }
0x31a: {  	[tilespmem:s24+$0xFFFFFFC0] =	vst v30;
	v30 =	vld.idx.msk [tilespmem:v33+s13+$0x0], $0xffff;
	v26 =	vor.u32 v13, v26  }
0x31b: {  	v60 =	vor.u32 v2, v22;
	v34 =	vld.idx.msk [tilespmem:v34+s13+$0x0], $0xffff  }
0x31c: {  	v37 =	vld.idx.msk [tilespmem:v53+s14+$0x0], $0xffff;
	v56 =	vor.u32 v0, v24;
	[tilespmem:s25+$0x30] =	vst v28  }
0x31d: {  	v57 =	vor.u32 v2, v23;
	v36 =	vshll.u32 v51, $0x7;
	v58 =	vld.idx.msk [tilespmem:v55+s14+$0x0], $0xffff  }
0x31e: {  	s28 =	simm.s32 $0x1C480;
	v36 =	vor.u32 v5, v36;
	v25 =	vld.idx.msk [tilespmem:v25+s13+$0x0], $0xffff;
	v28 =	vshll.u32 v54, $0x7  }
0x31f: {  	[tilespmem:s28+$0xFFFFFF80] =	vst v29;
	v28 =	vor.u32 v15, v28;
	v61 =	vld.idx.msk [tilespmem:v26+s13+$0x0], $0xffff  }
0x320: {  	v59 =	vor.u32 v12, v16;
	v31 =	vshll.u32 v31, $0x7;
	[tilespmem:s28+$0x0] =	vst v34;
	v34 =	vld.idx.msk [tilespmem:v60+s14+$0x0], $0xffff  }
0x321: {  	v31 =	vor.u32 v5, v31;
	v35 =	vld.idx.msk [tilespmem:v56+s14+$0x0], $0xffff  }
0x322: {  	v63 =	vor.u32 v8, v19;
	v26 =	vshll.u32 v37, $0x7;
	v62 =	vld.idx.msk [tilespmem:v57+s14+$0x0], $0xffff  }
0x323: {  	s31 =	simm.s32 $0x8B;
	v42 =	vld.idx.msk [tilespmem:v36+s13+$0x0], $0xffff;
	v43 =	vor.u32 v11, v26  }
0x324: {  	v32 =	vor.u32 v6, v21;
	v26 =	vmov s31;
	v29 =	vshll.u32 v58, $0x7;
	[tilespmem:s24+$0x50] =	vst v25;
	v25 =	vld.idx.msk [tilespmem:v28+s13+$0x0], $0xffff  }
0x325: {  	v26 =	vand.u32 $0x1F, v26;
	v33 =	vor.u32 v9, v29;
	v28 =	vld.idx.msk [tilespmem:v59+s14+$0x0], $0xffff  }
0x326: {  	v27 =	vor.u32 v14, v27;
	[tilespmem:s25+$0xFFFFFFB0] =	vst v30;
	v26 =	vbroadcast v26, $0x0;
	v30 =	vld.idx.msk [tilespmem:v31+s13+$0x0], $0xffff;
	v29 =	vshll.u32 v35, $0x7  }
0x327: {  	[tilespmem:s23+$0xFFFFFFE0] =	vst v61;
	v31 =	vld.idx.msk [tilespmem:v63+s14+$0x0], $0xffff;
	v35 =	vor.u32 v1, v29  }
0x328: {  	s29 =	simm.s32 $0xC;
	v36 =	vor.u32 v0, v26;
	v37 =	vshll.u32 v62, $0x7;
	[tilespmem:s26+$0x20] =	vst v42;
	v29 =	vld.idx.msk [tilespmem:v43+s13+$0x0], $0xffff  }
.LBB2_7:
0x329: {  	p0 =	slt.u32 s29, $0x1E;
	v37 =	vor.u32 v3, v37;
	v32 =	vld.idx.msk [tilespmem:v32+s14+$0x0], $0xffff;
	[tilespmem:s23+$0x70] =	vst v25  }
0x32a: {  	v25 =	vor.u32 v6, v20;
	v28 =	vshll.u32 v28, $0x7;
	v33 =	vld.idx.msk [tilespmem:v33+s13+$0x0], $0xffff  }
0x32b: {  	v34 =	vshll.u32 v34, $0x7;
	v28 =	vor.u32 v13, v28;
	v27 =	vld.idx.msk [tilespmem:v27+s14+$0x0], $0xffff  }
0x32c: {  	v34 =	vor.u32 v3, v34;
	v35 =	vld.idx.msk [tilespmem:v35+s13+$0x0], $0xffff;
	[tilespmem:s26+$0xFFFFFFA0] =	vst v30;
	v30 =	vor.u32 v10, v18  }
0x32d: {  	v31 =	vshll.u32 v31, $0x7;
	v36 =	vld.idx.msk [tilespmem:v36+s14+$0x0], $0xffff  }
0x32e: {  	v31 =	vor.u32 v9, v31;
	v37 =	vld.idx.msk [tilespmem:v37+s13+$0x0], $0xffff;
	[tilespmem:s24+$0xFFFFFFD0] =	vst v29  }
0x32f: {  	v29 =	vor.u32 v12, v17;
	v25 =	vld.idx.msk [tilespmem:v25+s14+$0x0], $0xffff  }
0x330: {  	v38 =	vor.u32 v4, v23;
	v32 =	vshll.u32 v32, $0x7;
	[tilespmem:s25+$0x40] =	vst v33;
	v28 =	vld.idx.msk [tilespmem:v28+s13+$0x0], $0xffff  }
0x331: {  	v32 =	vor.u32 v7, v32;
	v27 =	vshll.u32 v27, $0x7;
	v30 =	vld.idx.msk [tilespmem:v30+s14+$0x0], $0xffff  }
0x332: {  	v27 =	vor.u32 v15, v27;
	v33 =	vld.idx.msk [tilespmem:v34+s13+$0x0], $0xffff;
	v34 =	vor.u32 v14, v16;
	v16 =	vmovc v18;
	v18 =	vmov v21  }
0x333: {  	v21 =	vmov v23;
	v23 =	vmov v26;
	v31 =	vld.idx.msk [tilespmem:v31+s13+$0x0], $0xffff  }
0x334: {  	v26 =	vshll.u32 v36, $0x7;
	v36 =	vor.u32 v4, v22;
	[tilespmem:s28+$0x10] =	vst v37;
	v29 =	vld.idx.msk [tilespmem:v29+s14+$0x0], $0xffff  }
0x335: {  	v26 =	vor.u32 v1, v26;
	v25 =	vshll.u32 v25, $0x7;
	v37 =	vld.idx.msk [tilespmem:v38+s14+$0x0], $0xffff  }
0x336: {  	v38 =	vmov s29;
	v25 =	vor.u32 v7, v25;
	v32 =	vld.idx.msk [tilespmem:v32+s13+$0x0], $0xffff;
	[tilespmem:s24+$0x60] =	vst v28  }
0x337: {  	v28 =	vand.u32 $0x1E, v38;
	v38 =	vor.u32 v10, v19;
	v30 =	vshll.u32 v30, $0x7;
	v34 =	vld.idx.msk [tilespmem:v34+s14+$0x0], $0xffff  }
0x338: {  	v39 =	vbroadcast v28, $0x0;
	v28 =	vor.u32 v11, v30;
	[tilespmem:s28+$0xFFFFFF90] =	vst v33;
	v27 =	vld.idx.msk [tilespmem:v27+s13+$0x0], $0xffff  }
0x339: {  	v33 =	vor.u32 v8, v18;
	v30 =	vld.idx.msk [tilespmem:v36+s14+$0x0], $0xffff;
	[tilespmem:s25+$0xFFFFFFC0] =	vst v31  }
0x33a: {  	v31 =	vor.u32 v0, v39;
	v29 =	vshll.u32 v29, $0x7;
	v26 =	vld.idx.msk [tilespmem:v26+s13+$0x0], $0xffff  }
0x33b: {  	v29 =	vor.u32 v13, v29;
	v25 =	vld.idx.msk [tilespmem:v25+s13+$0x0], $0xffff  }
0x33c: {  	v36 =	vor.u32 v2, v23;
	v37 =	vshll.u32 v37, $0x7;
	v38 =	vld.idx.msk [tilespmem:v38+s14+$0x0], $0xffff  }
0x33d: {  	v37 =	vor.u32 v5, v37;
	[tilespmem:s26+$0x30] =	vst v32;
	v28 =	vld.idx.msk [tilespmem:v28+s13+$0x0], $0xffff;
	v32 =	vshll.u32 v34, $0x7  }
0x33e: {  	v33 =	vld.idx.msk [tilespmem:v33+s14+$0x0], $0xffff;
	v32 =	vor.u32 v15, v32;
	[tilespmem:s23+$0xFFFFFFF0] =	vst v27;
	s23 =	smov.u32 s24;
	s24 =	smov.u32 s25;
	s25 =	smov.u32 s26  }
0x33f: {  	v30 =	vshll.u32 v30, $0x7;
	s26 =	smov.u32 s28;
	s28 =	sadd.s32 $0x100, s28;
	v27 =	vld.idx.msk [tilespmem:v31+s14+$0x0], $0xffff;
	v31 =	vor.u32 v12, v16  }
0x340: {  	v34 =	vor.u32 v2, v24;
	v30 =	vor.u32 v5, v30;
	[tilespmem:s28+$0x0] =	vst v26;
	v29 =	vld.idx.msk [tilespmem:v29+s13+$0x0], $0xffff  }
0x341: {  	[tilespmem:s28+$0xFFFFFF80] =	vst v35;
	v40 =	vld.idx.msk [tilespmem:v36+s14+$0x0], $0xffff  }
0x342: {  	v36 =	vor.u32 v8, v20;
	v41 =	vld.idx.msk [tilespmem:v37+s13+$0x0], $0xffff;
	[tilespmem:s25+$0xFFFFFFB0] =	vst v25;
	v25 =	vshll.u32 v38, $0x7  }
0x343: {  	s2 =	sadd.s32 $0x81, s29;
	v38 =	vor.u32 v11, v25;
	[tilespmem:s24+$0x50] =	vst v28;
	v25 =	vld.idx.msk [tilespmem:v32+s13+$0x0], $0xffff  }
.Ltmp2:
0x344: {  	v26 =	vmov s2;
	v32 =	vor.u32 v6, v21;
	v33 =	vshll.u32 v33, $0x7;
	v28 =	vld.idx.msk [tilespmem:v31+s14+$0x0], $0xffff;
	(pc) =	sbr.rel @p0 .LBB2_7-.Ltmp2, $4  }
0x345: {  	v26 =	vand.u32 $0x1F, v26;
	v33 =	vor.u32 v9, v33;
	v34 =	vld.idx.msk [tilespmem:v34+s14+$0x0], $0xffff  }
0x346: {  	v26 =	vbroadcast v26, $0x0;
	v31 =	vshll.u32 v27, $0x7;
	v27 =	vor.u32 v14, v17;
	v17 =	vmovc v19;
	v30 =	vld.idx.msk [tilespmem:v30+s13+$0x0], $0xffff;
	[tilespmem:s23+$0xFFFFFFE0] =	vst v29  }
0x347: {  	v19 =	vmovc v20;
	v20 =	vmovc v22;
	v22 =	vmov v24;
	v24 =	vmov v39;
	v35 =	vor.u32 v1, v31;
	v31 =	vld.idx.msk [tilespmem:v36+s14+$0x0], $0xffff  }
0x348: {  	s29 =	sadd.s32 $0x2, s29;
	v37 =	vshll.u32 v40, $0x7;
	v36 =	vor.u32 v0, v26;
	[tilespmem:s26+$0x20] =	vst v41;
	v29 =	vld.idx.msk [tilespmem:v38+s13+$0x0], $0xffff  }
0x349: {  	_ =	sdelay $0x3  }
0x34a: {  	v36 =	vld.idx.msk [tilespmem:v36+s14+$0x0], $0xffff;
	_ =	sdelay $0x4  }
0x34b: {  	v36 =	vshll.u32 v36, $0x7  }
0x34c: {  	v36 =	vor.u32 v1, v36;
	_ =	sdelay $0x3  }
0x34d: {  	v35 =	vld.idx.msk [tilespmem:v35+s13+$0x0], $0xffff  }
0x34e: {  	v39 =	vor.u32 v2, v24;
	v36 =	vld.idx.msk [tilespmem:v36+s13+$0x0], $0xffff  }
0x34f: {  	v38 =	vor.u32 v2, v26;
	_ =	sdelay $0x1  }
0x350: {  	s29 =	sadd.s32 $0x100, s28  }
0x351: {  	v37 =	vor.u32 v3, v37;
	[tilespmem:s29+$0xFFFFFF80] =	vst v35  }
0x352: {  	v48 =	vld.idx.msk [tilespmem:v39+s14+$0x0], $0xffff;
	[tilespmem:s29+$0x0] =	vst v36  }
0x353: {  	v47 =	vld.idx.msk [tilespmem:v38+s14+$0x0], $0xffff  }
0x354: {  	v34 =	vshll.u32 v34, $0x7  }
0x355: {  	v34 =	vor.u32 v3, v34  }
0x356: {  	v37 =	vld.idx.msk [tilespmem:v37+s13+$0x0], $0xffff  }
0x357: {  	v49 =	vor.u32 v4, v23;
	v36 =	vshll.u32 v48, $0x7  }
0x358: {  	v36 =	vor.u32 v3, v36;
	v35 =	vshll.u32 v47, $0x7  }
0x359: {  	v35 =	vor.u32 v3, v35  }
0x35a: {  	v34 =	vld.idx.msk [tilespmem:v34+s13+$0x0], $0xffff  }
0x35b: {  	v50 =	vor.u32 v4, v22;
	[tilespmem:s28+$0x10] =	vst v37  }
0x35c: {  	v37 =	vld.idx.msk [tilespmem:v49+s14+$0x0], $0xffff  }
0x35d: {  	v36 =	vld.idx.msk [tilespmem:v36+s13+$0x0], $0xffff  }
0x35e: {  	v41 =	vor.u32 v4, v24;
	v35 =	vld.idx.msk [tilespmem:v35+s13+$0x0], $0xffff  }
0x35f: {  	v40 =	vor.u32 v4, v26;
	[tilespmem:s28+$0xFFFFFF90] =	vst v34  }
0x360: {  	v34 =	vld.idx.msk [tilespmem:v50+s14+$0x0], $0xffff  }
0x361: {  	v37 =	vshll.u32 v37, $0x7  }
0x362: {  	v37 =	vor.u32 v5, v37;
	[tilespmem:s29+$0xFFFFFF90] =	vst v36  }
0x363: {  	v36 =	vld.idx.msk [tilespmem:v41+s14+$0x0], $0xffff;
	[tilespmem:s29+$0x10] =	vst v35  }
0x364: {  	v35 =	vld.idx.msk [tilespmem:v40+s14+$0x0], $0xffff  }
0x365: {  	v34 =	vshll.u32 v34, $0x7  }
0x366: {  	v34 =	vor.u32 v5, v34  }
0x367: {  	v37 =	vld.idx.msk [tilespmem:v37+s13+$0x0], $0xffff  }
0x368: {  	v32 =	vld.idx.msk [tilespmem:v32+s14+$0x0], $0xffff;
	v57 =	vor.u32 v6, v23;
	v53 =	vshll.u32 v36, $0x7  }
0x369: {  	v33 =	vld.idx.msk [tilespmem:v33+s13+$0x0], $0xffff;
	v55 =	vor.u32 v5, v53;
	v35 =	vshll.u32 v35, $0x7  }
0x36a: {  	[tilespmem:s26+$0xFFFFFFA0] =	vst v30;
	v30 =	vor.u32 v5, v35  }
0x36b: {  	v51 =	vor.u32 v6, v20;
	v34 =	vld.idx.msk [tilespmem:v34+s13+$0x0], $0xffff  }
0x36c: {  	v58 =	vor.u32 v6, v22;
	[tilespmem:s28+$0x20] =	vst v37  }
0x36d: {  	v32 =	vshll.u32 v32, $0x7;
	v38 =	vld.idx.msk [tilespmem:v57+s14+$0x0], $0xffff  }
0x36e: {  	[tilespmem:s25+$0x40] =	vst v33;
	v32 =	vor.u32 v7, v32;
	v33 =	vld.idx.msk [tilespmem:v55+s13+$0x0], $0xffff  }
0x36f: {  	v60 =	vor.u32 v6, v24;
	v30 =	vld.idx.msk [tilespmem:v30+s13+$0x0], $0xffff  }
0x370: {  	v59 =	vor.u32 v6, v26;
	v31 =	vshll.u32 v31, $0x7;
	v54 =	vld.idx.msk [tilespmem:v51+s14+$0x0], $0xffff;
	[tilespmem:s28+$0xFFFFFFA0] =	vst v34  }
0x371: {  	v31 =	vor.u32 v9, v31;
	v34 =	vld.idx.msk [tilespmem:v58+s14+$0x0], $0xffff  }
0x372: {  	v52 =	vor.u32 v10, v18;
	v43 =	vshll.u32 v38, $0x7  }
0x373: {  	v32 =	vld.idx.msk [tilespmem:v32+s13+$0x0], $0xffff;
	v37 =	vor.u32 v7, v43;
	[tilespmem:s29+$0xFFFFFFA0] =	vst v33  }
0x374: {  	v61 =	vor.u32 v8, v21;
	v33 =	vld.idx.msk [tilespmem:v60+s14+$0x0], $0xffff;
	[tilespmem:s29+$0x20] =	vst v30  }
0x375: {  	v30 =	vshll.u32 v54, $0x7;
	v62 =	vld.idx.msk [tilespmem:v59+s14+$0x0], $0xffff  }
0x376: {  	v31 =	vld.idx.msk [tilespmem:v31+s13+$0x0], $0xffff;
	v34 =	vshll.u32 v34, $0x7;
	v30 =	vor.u32 v7, v30  }
0x377: {  	v56 =	vld.idx.msk [tilespmem:v52+s14+$0x0], $0xffff;
	v34 =	vor.u32 v7, v34  }
0x378: {  	[tilespmem:s26+$0x30] =	vst v32;
	v37 =	vld.idx.msk [tilespmem:v37+s13+$0x0], $0xffff  }
0x379: {  	v46 =	vor.u32 v8, v23;
	v42 =	vld.idx.msk [tilespmem:v61+s14+$0x0], $0xffff;
	v33 =	vshll.u32 v33, $0x7  }
0x37a: {  	v33 =	vor.u32 v7, v33;
	v36 =	vshll.u32 v62, $0x7  }
0x37b: {  	[tilespmem:s25+$0xFFFFFFC0] =	vst v31;
	v30 =	vld.idx.msk [tilespmem:v30+s13+$0x0], $0xffff;
	v31 =	vor.u32 v7, v36  }
0x37c: {  	v45 =	vor.u32 v8, v20;
	v34 =	vld.idx.msk [tilespmem:v34+s13+$0x0], $0xffff  }
0x37d: {  	v47 =	vor.u32 v8, v22;
	v35 =	vshll.u32 v56, $0x7;
	[tilespmem:s28+$0x30] =	vst v37  }
0x37e: {  	v41 =	vor.u32 v11, v35;
	v35 =	vshll.u32 v42, $0x7;
	v37 =	vld.idx.msk [tilespmem:v46+s14+$0x0], $0xffff  }
0x37f: {  	v35 =	vor.u32 v9, v35;
	v33 =	vld.idx.msk [tilespmem:v33+s13+$0x0], $0xffff  }
0x380: {  	v48 =	vor.u32 v8, v24;
	[tilespmem:s26+$0xFFFFFFB0] =	vst v30;
	v31 =	vld.idx.msk [tilespmem:v31+s13+$0x0], $0xffff  }
0x381: {  	[tilespmem:s28+$0xFFFFFFB0] =	vst v34;
	v30 =	vor.u32 v8, v26;
	v38 =	vld.idx.msk [tilespmem:v45+s14+$0x0], $0xffff  }
0x382: {  	v63 =	vor.u32 v10, v19;
	v50 =	vld.idx.msk [tilespmem:v47+s14+$0x0], $0xffff;
	_ =	sdelay $0x1  }
0x383: {  	v35 =	vld.idx.msk [tilespmem:v35+s13+$0x0], $0xffff;
	[tilespmem:s29+$0xFFFFFFB0] =	vst v33  }
0x384: {  	v49 =	vor.u32 v12, v17;
	v52 =	vld.idx.msk [tilespmem:v48+s14+$0x0], $0xffff;
	[tilespmem:s29+$0x30] =	vst v31  }
0x385: {  	v53 =	vor.u32 v10, v21;
	v38 =	vshll.u32 v38, $0x7;
	v30 =	vld.idx.msk [tilespmem:v30+s14+$0x0], $0xffff  }
0x386: {  	[tilespmem:s24+$0xFFFFFFD0] =	vst v29;
	v44 =	vld.idx.msk [tilespmem:v63+s14+$0x0], $0xffff;
	v37 =	vshll.u32 v37, $0x7;
	v55 =	vshll.u32 v50, $0x7;
	v29 =	vor.u32 v9, v38  }
0x387: {  	v54 =	vor.u32 v9, v37;
	v37 =	vor.u32 v9, v55  }
0x388: {  	v32 =	vld.idx.msk [tilespmem:v41+s13+$0x0], $0xffff  }
0x389: {  	v34 =	vld.idx.msk [tilespmem:v49+s14+$0x0], $0xffff;
	[tilespmem:s26+$0x40] =	vst v35;
	v31 =	vor.u32 v12, v18;
	v56 =	vshll.u32 v52, $0x7  }
0x38a: {  	v57 =	vld.idx.msk [tilespmem:v53+s14+$0x0], $0xffff;
	v35 =	vor.u32 v9, v56;
	v30 =	vshll.u32 v30, $0x7  }
0x38b: {  	v36 =	vshll.u32 v44, $0x7;
	v29 =	vld.idx.msk [tilespmem:v29+s13+$0x0], $0xffff;
	v30 =	vor.u32 v9, v30  }
0x38c: {  	v51 =	vor.u32 v11, v36;
	v37 =	vld.idx.msk [tilespmem:v37+s13+$0x0], $0xffff  }
0x38d: {  	v61 =	vor.u32 v10, v22;
	[tilespmem:s25+$0x50] =	vst v32;
	v32 =	vld.idx.msk [tilespmem:v54+s13+$0x0], $0xffff  }
0x38e: {  	v60 =	vor.u32 v10, v23;
	v31 =	vld.idx.msk [tilespmem:v31+s14+$0x0], $0xffff  }
0x38f: {  	v59 =	vor.u32 v10, v20;
	v35 =	vld.idx.msk [tilespmem:v35+s13+$0x0], $0xffff  }
0x390: {  	[tilespmem:s26+$0xFFFFFFC0] =	vst v29;
	v29 =	vor.u32 v10, v24;
	v30 =	vld.idx.msk [tilespmem:v30+s13+$0x0], $0xffff  }
0x391: {  	v62 =	vor.u32 v10, v26;
	v33 =	vld.idx.msk [tilespmem:v51+s13+$0x0], $0xffff;
	[tilespmem:s28+$0xFFFFFFC0] =	vst v37  }
0x392: {  	[tilespmem:s28+$0x40] =	vst v32;
	v37 =	vld.idx.msk [tilespmem:v61+s14+$0x0], $0xffff  }
0x393: {  	v28 =	vshll.u32 v28, $0x7;
	v42 =	vld.idx.msk [tilespmem:v60+s14+$0x0], $0xffff  }
0x394: {  	v28 =	vor.u32 v13, v28;
	v63 =	vshll.u32 v34, $0x7;
	[tilespmem:s29+$0xFFFFFFC0] =	vst v35;
	v39 =	vld.idx.msk [tilespmem:v59+s14+$0x0], $0xffff  }
0x395: {  	v32 =	vor.u32 v13, v63;
	v31 =	vshll.u32 v31, $0x7;
	v29 =	vld.idx.msk [tilespmem:v29+s14+$0x0], $0xffff;
	[tilespmem:s29+$0x40] =	vst v30  }
0x396: {  	v58 =	vor.u32 v12, v19;
	[tilespmem:s25+$0xFFFFFFD0] =	vst v33;
	v30 =	vor.u32 v13, v31;
	v31 =	vshll.u32 v57, $0x7;
	v33 =	vld.idx.msk [tilespmem:v62+s14+$0x0], $0xffff  }
0x397: {  	v37 =	vshll.u32 v37, $0x7;
	v31 =	vor.u32 v11, v31  }
0x398: {  	v34 =	vshll.u32 v42, $0x7;
	v37 =	vor.u32 v11, v37  }
0x399: {  	v28 =	vld.idx.msk [tilespmem:v28+s13+$0x0], $0xffff;
	v34 =	vor.u32 v11, v34;
	v44 =	vshll.u32 v39, $0x7  }
0x39a: {  	v32 =	vld.idx.msk [tilespmem:v32+s13+$0x0], $0xffff;
	v36 =	vor.u32 v11, v44;
	v29 =	vshll.u32 v29, $0x7  }
0x39b: {  	v38 =	vld.idx.msk [tilespmem:v58+s14+$0x0], $0xffff;
	v29 =	vor.u32 v11, v29;
	v33 =	vshll.u32 v33, $0x7  }
0x39c: {  	v31 =	vld.idx.msk [tilespmem:v31+s13+$0x0], $0xffff;
	v33 =	vor.u32 v11, v33  }
0x39d: {  	v45 =	vor.u32 v12, v21;
	v37 =	vld.idx.msk [tilespmem:v37+s13+$0x0], $0xffff  }
0x39e: {  	v48 =	vor.u32 v12, v22;
	v34 =	vld.idx.msk [tilespmem:v34+s13+$0x0], $0xffff  }
0x39f: {  	v47 =	vor.u32 v12, v23;
	v36 =	vld.idx.msk [tilespmem:v36+s13+$0x0], $0xffff  }
0x3a0: {  	v29 =	vld.idx.msk [tilespmem:v29+s13+$0x0], $0xffff  }
0x3a1: {  	v46 =	vor.u32 v12, v20;
	[tilespmem:s26+$0x50] =	vst v31;
	v33 =	vld.idx.msk [tilespmem:v33+s13+$0x0], $0xffff  }
0x3a2: {  	v49 =	vor.u32 v12, v24;
	v43 =	vshll.u32 v38, $0x7;
	[tilespmem:s28+$0xFFFFFFD0] =	vst v37;
	v38 =	vld.idx.msk [tilespmem:v45+s14+$0x0], $0xffff  }
0x3a3: {  	[tilespmem:s28+$0x50] =	vst v34;
	v52 =	vld.idx.msk [tilespmem:v48+s14+$0x0], $0xffff;
	v31 =	vor.u32 v12, v26  }
0x3a4: {  	v51 =	vld.idx.msk [tilespmem:v47+s14+$0x0], $0xffff  }
0x3a5: {  	v16 =	vor.u32 v14, v16;
	v30 =	vld.idx.msk [tilespmem:v30+s13+$0x0], $0xffff;
	[tilespmem:s26+$0xFFFFFFD0] =	vst v36  }
0x3a6: {  	v17 =	vor.u32 v14, v17;
	v50 =	vld.idx.msk [tilespmem:v46+s14+$0x0], $0xffff;
	[tilespmem:s29+$0xFFFFFFD0] =	vst v29  }
0x3a7: {  	v35 =	vor.u32 v13, v43;
	v53 =	vld.idx.msk [tilespmem:v49+s14+$0x0], $0xffff;
	[tilespmem:s29+$0x50] =	vst v33;
	v29 =	vshll.u32 v38, $0x7  }
0x3a8: {  	[tilespmem:s24+$0x60] =	vst v28;
	v55 =	vshll.u32 v52, $0x7;
	v31 =	vld.idx.msk [tilespmem:v31+s14+$0x0], $0xffff;
	v28 =	vor.u32 v13, v29  }
0x3a9: {  	v27 =	vld.idx.msk [tilespmem:v27+s14+$0x0], $0xffff;
	[tilespmem:s24+$0xFFFFFFE0] =	vst v32;
	v32 =	vor.u32 v13, v55  }
0x3aa: {  	v16 =	vld.idx.msk [tilespmem:v16+s14+$0x0], $0xffff;
	v18 =	vor.u32 v14, v18;
	v54 =	vshll.u32 v51, $0x7  }
0x3ab: {  	v17 =	vld.idx.msk [tilespmem:v17+s14+$0x0], $0xffff;
	[tilespmem:s25+$0x60] =	vst v30;
	v30 =	vor.u32 v13, v54;
	v29 =	vshll.u32 v50, $0x7  }
0x3ac: {  	v35 =	vld.idx.msk [tilespmem:v35+s13+$0x0], $0xffff;
	v29 =	vor.u32 v13, v29;
	v33 =	vshll.u32 v53, $0x7  }
0x3ad: {  	v33 =	vor.u32 v13, v33;
	v31 =	vshll.u32 v31, $0x7;
	v28 =	vld.idx.msk [tilespmem:v28+s13+$0x0], $0xffff  }
0x3ae: {  	v32 =	vld.idx.msk [tilespmem:v32+s13+$0x0], $0xffff;
	v31 =	vor.u32 v13, v31  }
0x3af: {  	v21 =	vor.u32 v14, v21;
	v18 =	vld.idx.msk [tilespmem:v18+s14+$0x0], $0xffff  }
0x3b0: {  	v19 =	vor.u32 v14, v19;
	v30 =	vld.idx.msk [tilespmem:v30+s13+$0x0], $0xffff  }
0x3b1: {  	v22 =	vor.u32 v14, v22;
	v29 =	vld.idx.msk [tilespmem:v29+s13+$0x0], $0xffff  }
0x3b2: {  	v20 =	vor.u32 v14, v20;
	[tilespmem:s26+$0x60] =	vst v28;
	v28 =	vld.idx.msk [tilespmem:v33+s13+$0x0], $0xffff  }
0x3b3: {  	v23 =	vor.u32 v14, v23;
	v31 =	vld.idx.msk [tilespmem:v31+s13+$0x0], $0xffff  }
0x3b4: {  	v24 =	vor.u32 v14, v24;
	[tilespmem:s25+$0xFFFFFFE0] =	vst v35;
	v21 =	vld.idx.msk [tilespmem:v21+s14+$0x0], $0xffff  }
0x3b5: {  	v27 =	vshll.u32 v27, $0x7;
	v19 =	vld.idx.msk [tilespmem:v19+s14+$0x0], $0xffff;
	v26 =	vor.u32 v14, v26;
	[tilespmem:s28+$0xFFFFFFE0] =	vst v32  }
0x3b6: {  	v27 =	vor.u32 v15, v27;
	v22 =	vld.idx.msk [tilespmem:v22+s14+$0x0], $0xffff;
	v18 =	vshll.u32 v18, $0x7;
	[tilespmem:s26+$0xFFFFFFE0] =	vst v29  }
0x3b7: {  	v16 =	vshll.u32 v16, $0x7;
	v18 =	vor.u32 v15, v18;
	[tilespmem:s28+$0x60] =	vst v30;
	v20 =	vld.idx.msk [tilespmem:v20+s14+$0x0], $0xffff  }
0x3b8: {  	v16 =	vor.u32 v15, v16;
	v17 =	vshll.u32 v17, $0x7;
	v23 =	vld.idx.msk [tilespmem:v23+s14+$0x0], $0xffff;
	[tilespmem:s29+$0xFFFFFFE0] =	vst v28  }
0x3b9: {  	v17 =	vor.u32 v15, v17;
	[tilespmem:s29+$0x60] =	vst v31;
	v21 =	vshll.u32 v21, $0x7;
	v24 =	vld.idx.msk [tilespmem:v24+s14+$0x0], $0xffff  }
0x3ba: {  	v19 =	vshll.u32 v19, $0x7;
	v26 =	vld.idx.msk [tilespmem:v26+s14+$0x0], $0xffff;
	v21 =	vor.u32 v15, v21  }
0x3bb: {  	v27 =	vld.idx.msk [tilespmem:v27+s13+$0x0], $0xffff;
	v19 =	vor.u32 v15, v19;
	v22 =	vshll.u32 v22, $0x7  }
0x3bc: {  	v22 =	vor.u32 v15, v22;
	v18 =	vld.idx.msk [tilespmem:v18+s13+$0x0], $0xffff;
	v20 =	vshll.u32 v20, $0x7  }
0x3bd: {  	v16 =	vld.idx.msk [tilespmem:v16+s13+$0x0], $0xffff;
	v23 =	vshll.u32 v23, $0x7;
	v20 =	vor.u32 v15, v20  }
0x3be: {  	v17 =	vld.idx.msk [tilespmem:v17+s13+$0x0], $0xffff;
	v23 =	vor.u32 v15, v23;
	v24 =	vshll.u32 v24, $0x7  }
0x3bf: {  	[tilespmem:s23+$0x70] =	vst v25;
	v26 =	vshll.u32 v26, $0x7;
	v21 =	vld.idx.msk [tilespmem:v21+s13+$0x0], $0xffff;
	v24 =	vor.u32 v15, v24  }
0x3c0: {  	[tilespmem:s23+$0xFFFFFFF0] =	vst v27;
	v19 =	vld.idx.msk [tilespmem:v19+s13+$0x0], $0xffff;
	v25 =	vor.u32 v15, v26  }
0x3c1: {  	[tilespmem:s25+$0x70] =	vst v18;
	v18 =	vld.idx.msk [tilespmem:v22+s13+$0x0], $0xffff  }
0x3c2: {  	s2 =	simm.s32 $0xA1;
	[tilespmem:s24+$0x70] =	vst v16;
	v16 =	vld.idx.msk [tilespmem:v20+s13+$0x0], $0xffff  }
0x3c3: {  	[tilespmem:s24+$0xFFFFFFF0] =	vst v17;
	v17 =	vld.idx.msk [tilespmem:v23+s13+$0x0], $0xffff;
	v20 =	vmov s2  }
0x3c4: {  	v20 =	vand.u32 $0x3F, v20;
	[tilespmem:s26+$0x70] =	vst v21;
	v21 =	vld.idx.msk [tilespmem:v24+s13+$0x0], $0xffff  }
0x3c5: {  	[tilespmem:s25+$0xFFFFFFF0] =	vst v19;
	v24 =	vbroadcast v20, $0x0;
	v19 =	vld.idx.msk [tilespmem:v25+s13+$0x0], $0xffff  }
0x3c6: {  	[tilespmem:s28+$0xFFFFFFF0] =	vst v18  }
0x3c7: {  	[tilespmem:s26+$0xFFFFFFF0] =	vst v16;
	v16 =	vor.u32 v0, v24  }
0x3c8: {  	[tilespmem:s28+$0x70] =	vst v17  }
0x3c9: {  	[tilespmem:s29+$0xFFFFFFF0] =	vst v21  }
0x3ca: {  	s22 =	sadd.s32 s6, s22;
	[tilespmem:s29+$0x70] =	vst v19  }
0x3cb: {  	[hbm4b:s22+s10] =	stream.strided.scatter [tilespmem:s16], [sflag:$0x3], $0x1000, s11, s10, $0x38;
	[tilespmem:$0x1E000] =	vst v63  }
0x3cc: {  	s23 =	simm.s32 $0x20;
	v16 =	vld.idx.msk [tilespmem:v16+s14+$0x0], $0xffff  }
0x3cd: {  	v17 =	vmov s23  }
0x3ce: {  	v17 =	vand.u32 $0x3E, v17  }
0x3cf: {  	v27 =	vbroadcast v17, $0x0;
	_ =	sdelay $0x1  }
0x3d0: {  	v17 =	vor.u32 v0, v27;
	v16 =	vshll.u32 v16, $0x7  }
0x3d1: {  	v16 =	vor.u32 v1, v16;
	_ =	sdelay $0x3  }
0x3d2: {  	v17 =	vld.idx.msk [tilespmem:v17+s14+$0x0], $0xffff  }
0x3d3: {  	v16 =	vld.idx.msk [tilespmem:v16+s13+$0x0], $0xffff  }
0x3d4: {  	v18 =	vor.u32 v2, v24;
	_ =	sdelay $0x2  }
0x3d5: {  	s23 =	simm.s32 $0x1D0F0;
	v17 =	vshll.u32 v17, $0x7  }
0x3d6: {  	v17 =	vor.u32 v1, v17;
	[tilespmem:s23+$0xFFFFFF90] =	vst v16  }
0x3d7: {  	v18 =	vld.idx.msk [tilespmem:v18+s14+$0x0], $0xffff;
	_ =	sdelay $0x1  }
0x3d8: {  	s24 =	simm.s32 $0xA3  }
0x3d9: {  	v16 =	vmov s24  }
0x3da: {  	v17 =	vld.idx.msk [tilespmem:v17+s13+$0x0], $0xffff;
	v16 =	vand.u32 $0x3F, v16  }
0x3db: {  	v19 =	vor.u32 v2, v27;
	v16 =	vbroadcast v16, $0x0;
	v18 =	vshll.u32 v18, $0x7  }
0x3dc: {  	v18 =	vor.u32 v3, v18  }
0x3dd: {  	v20 =	vor.u32 v0, v16;
	_ =	sdelay $0x1  }
0x3de: {  	[tilespmem:s23+$0xFFFFFF10] =	vst v17  }
0x3df: {  	s25 =	simm.s32 $0x22;
	v19 =	vld.idx.msk [tilespmem:v19+s14+$0x0], $0xffff  }
0x3e0: {  	v17 =	vmov s25;
	v18 =	vld.idx.msk [tilespmem:v18+s13+$0x0], $0xffff  }
0x3e1: {  	v21 =	vor.u32 v4, v24;
	v17 =	vand.u32 $0x3E, v17;
	v20 =	vld.idx.msk [tilespmem:v20+s14+$0x0], $0xffff  }
0x3e2: {  	v17 =	vbroadcast v17, $0x0;
	_ =	sdelay $0x1  }
0x3e3: {  	v22 =	vor.u32 v0, v17;
	v19 =	vshll.u32 v19, $0x7  }
0x3e4: {  	v19 =	vor.u32 v3, v19;
	[tilespmem:s23+$0xFFFFFFA0] =	vst v18  }
0x3e5: {  	v18 =	vshll.u32 v20, $0x7;
	v20 =	vld.idx.msk [tilespmem:v21+s14+$0x0], $0xffff  }
0x3e6: {  	v18 =	vor.u32 v1, v18;
	_ =	sdelay $0x1  }
0x3e7: {  	v21 =	vld.idx.msk [tilespmem:v22+s14+$0x0], $0xffff  }
0x3e8: {  	v19 =	vld.idx.msk [tilespmem:v19+s13+$0x0], $0xffff  }
0x3e9: {  	v22 =	vor.u32 v4, v27;
	v20 =	vshll.u32 v20, $0x7  }
0x3ea: {  	v18 =	vld.idx.msk [tilespmem:v18+s13+$0x0], $0xffff;
	v20 =	vor.u32 v5, v20  }
0x3eb: {  	v23 =	vor.u32 v2, v16  }
0x3ec: {  	v21 =	vshll.u32 v21, $0x7  }
0x3ed: {  	[tilespmem:s23+$0xFFFFFF20] =	vst v19;
	v21 =	vor.u32 v1, v21  }
0x3ee: {  	s24 =	simm.s32 $0x1D1F0;
	v19 =	vld.idx.msk [tilespmem:v22+s14+$0x0], $0xffff  }
0x3ef: {  	[tilespmem:s24+$0xFFFFFF90] =	vst v18;
	v20 =	vld.idx.msk [tilespmem:v20+s13+$0x0], $0xffff  }
0x3f0: {  	s26 =	simm.s32 $0xA5;
	v22 =	vld.idx.msk [tilespmem:v23+s14+$0x0], $0xffff;
	v23 =	vor.u32 v6, v24  }
0x3f1: {  	v18 =	vmov s26  }
0x3f2: {  	v21 =	vld.idx.msk [tilespmem:v21+s13+$0x0], $0xffff;
	v18 =	vand.u32 $0x3F, v18  }
0x3f3: {  	s30 =	simm.s32 $0x24;
	v25 =	vor.u32 v2, v17;
	v19 =	vshll.u32 v19, $0x7;
	v18 =	vbroadcast v18, $0x0  }
0x3f4: {  	v26 =	vmov s30;
	v28 =	vor.u32 v5, v19;
	[tilespmem:s23+$0xFFFFFFB0] =	vst v20  }
0x3f5: {  	v19 =	vand.u32 $0x3E, v26;
	v20 =	vor.u32 v0, v18;
	v22 =	vshll.u32 v22, $0x7;
	v23 =	vld.idx.msk [tilespmem:v23+s14+$0x0], $0xffff  }
0x3f6: {  	v19 =	vbroadcast v19, $0x0;
	v22 =	vor.u32 v3, v22  }
0x3f7: {  	[tilespmem:s24+$0xFFFFFF10] =	vst v21  }
0x3f8: {  	v21 =	vor.u32 v0, v19;
	v25 =	vld.idx.msk [tilespmem:v25+s14+$0x0], $0xffff  }
0x3f9: {  	v26 =	vld.idx.msk [tilespmem:v28+s13+$0x0], $0xffff  }
0x3fa: {  	v28 =	vor.u32 v6, v27;
	v20 =	vld.idx.msk [tilespmem:v20+s14+$0x0], $0xffff;
	v23 =	vshll.u32 v23, $0x7  }
0x3fb: {  	v22 =	vld.idx.msk [tilespmem:v22+s13+$0x0], $0xffff;
	v23 =	vor.u32 v7, v23  }
0x3fc: {  	v29 =	vor.u32 v4, v16  }
0x3fd: {  	v21 =	vld.idx.msk [tilespmem:v21+s14+$0x0], $0xffff;
	v25 =	vshll.u32 v25, $0x7  }
0x3fe: {  	[tilespmem:s23+$0xFFFFFF30] =	vst v26;
	v25 =	vor.u32 v3, v25  }
0x3ff: {  	v26 =	vld.idx.msk [tilespmem:v28+s14+$0x0], $0xffff;
	v20 =	vshll.u32 v20, $0x7  }
0x400: {  	[tilespmem:s24+$0xFFFFFFA0] =	vst v22;
	v20 =	vor.u32 v1, v20;
	v22 =	vld.idx.msk [tilespmem:v23+s13+$0x0], $0xffff  }
0x401: {  	v28 =	vor.u32 v8, v24;
	v23 =	vld.idx.msk [tilespmem:v29+s14+$0x0], $0xffff  }
0x402: {  	v21 =	vshll.u32 v21, $0x7  }
0x403: {  	v21 =	vor.u32 v1, v21;
	v25 =	vld.idx.msk [tilespmem:v25+s13+$0x0], $0xffff  }
0x404: {  	v26 =	vshll.u32 v26, $0x7;
	v29 =	vor.u32 v4, v17  }
0x405: {  	v26 =	vor.u32 v7, v26;
	v20 =	vld.idx.msk [tilespmem:v20+s13+$0x0], $0xffff;
	[tilespmem:s23+$0xFFFFFFC0] =	vst v22  }
0x406: {  	v22 =	vor.u32 v2, v18;
	v23 =	vshll.u32 v23, $0x7;
	v28 =	vld.idx.msk [tilespmem:v28+s14+$0x0], $0xffff  }
0x407: {  	v23 =	vor.u32 v5, v23  }
0x408: {  	v21 =	vld.idx.msk [tilespmem:v21+s13+$0x0], $0xffff;
	[tilespmem:s24+$0xFFFFFF20] =	vst v25  }
0x409: {  	s31 =	simm.s32 $0x26;
	s25 =	simm.s32 $0x1D2F0;
	v25 =	vld.idx.msk [tilespmem:v29+s14+$0x0], $0xffff;
	v29 =	vor.u32 v2, v19  }
0x40a: {  	v30 =	vmov s31;
	v26 =	vld.idx.msk [tilespmem:v26+s13+$0x0], $0xffff;
	[tilespmem:s25+$0xFFFFFF90] =	vst v20  }
0x40b: {  	s26 =	simm.s32 $0xA7;
	v20 =	vand.u32 $0x3E, v30;
	v30 =	vor.u32 v8, v27;
	v22 =	vld.idx.msk [tilespmem:v22+s14+$0x0], $0xffff;
	v28 =	vshll.u32 v28, $0x7  }
0x40c: {  	v31 =	vmov s26;
	v20 =	vbroadcast v20, $0x0;
	v23 =	vld.idx.msk [tilespmem:v23+s13+$0x0], $0xffff;
	v28 =	vor.u32 v9, v28  }
0x40d: {  	v56 =	vor.u32 v6, v16;
	[tilespmem:s25+$0xFFFFFF10] =	vst v21;
	v21 =	vand.u32 $0x3F, v31  }
0x40e: {  	v21 =	vbroadcast v21, $0x0;
	v25 =	vshll.u32 v25, $0x7;
	v29 =	vld.idx.msk [tilespmem:v29+s14+$0x0], $0xffff;
	v31 =	vor.u32 v0, v20  }
0x40f: {  	[tilespmem:s23+$0xFFFFFF40] =	vst v26;
	v25 =	vor.u32 v5, v25  }
0x410: {  	v26 =	vld.idx.msk [tilespmem:v30+s14+$0x0], $0xffff;
	v30 =	vor.u32 v0, v21;
	v22 =	vshll.u32 v22, $0x7  }
0x411: {  	[tilespmem:s24+$0xFFFFFFB0] =	vst v23;
	v22 =	vor.u32 v3, v22;
	v23 =	vld.idx.msk [tilespmem:v28+s13+$0x0], $0xffff  }
0x412: {  	v57 =	vor.u32 v10, v24;
	v28 =	vld.idx.msk [tilespmem:v56+s14+$0x0], $0xffff  }
0x413: {  	v29 =	vshll.u32 v29, $0x7;
	v31 =	vld.idx.msk [tilespmem:v31+s14+$0x0], $0xffff  }
0x414: {  	v25 =	vld.idx.msk [tilespmem:v25+s13+$0x0], $0xffff;
	v29 =	vor.u32 v3, v29  }
0x415: {  	v58 =	vor.u32 v6, v17;
	v30 =	vld.idx.msk [tilespmem:v30+s14+$0x0], $0xffff;
	v26 =	vshll.u32 v26, $0x7  }
0x416: {  	v26 =	vor.u32 v9, v26;
	v22 =	vld.idx.msk [tilespmem:v22+s13+$0x0], $0xffff;
	[tilespmem:s23+$0xFFFFFFD0] =	vst v23  }
0x417: {  	v23 =	vor.u32 v4, v18;
	v28 =	vshll.u32 v28, $0x7;
	v32 =	vld.idx.msk [tilespmem:v57+s14+$0x0], $0xffff  }
0x418: {  	v31 =	vshll.u32 v31, $0x7;
	v28 =	vor.u32 v7, v28  }
0x419: {  	[tilespmem:s24+$0xFFFFFF30] =	vst v25;
	v25 =	vld.idx.msk [tilespmem:v29+s13+$0x0], $0xffff;
	v31 =	vor.u32 v1, v31  }
0x41a: {  	v59 =	vor.u32 v4, v19;
	v29 =	vld.idx.msk [tilespmem:v58+s14+$0x0], $0xffff;
	v30 =	vshll.u32 v30, $0x7  }
0x41b: {  	v26 =	vld.idx.msk [tilespmem:v26+s13+$0x0], $0xffff;
	v30 =	vor.u32 v1, v30;
	[tilespmem:s25+$0xFFFFFFA0] =	vst v22  }
0x41c: {  	v60 =	vor.u32 v10, v27;
	v23 =	vld.idx.msk [tilespmem:v23+s14+$0x0], $0xffff;
	v32 =	vshll.u32 v32, $0x7  }
0x41d: {  	v28 =	vld.idx.msk [tilespmem:v28+s13+$0x0], $0xffff;
	v32 =	vor.u32 v11, v32  }
0x41e: {  	s30 =	simm.s32 $0x28;
	[tilespmem:s25+$0xFFFFFF20] =	vst v25;
	v25 =	vor.u32 v8, v16;
	v31 =	vld.idx.msk [tilespmem:v31+s13+$0x0], $0xffff  }
0x41f: {  	v63 =	vor.u32 v2, v20;
	v22 =	vmov s30;
	v29 =	vshll.u32 v29, $0x7;
	v33 =	vld.idx.msk [tilespmem:v59+s14+$0x0], $0xffff  }
0x420: {  	v22 =	vand.u32 $0x3E, v22;
	v29 =	vor.u32 v7, v29;
	[tilespmem:s23+$0xFFFFFF50] =	vst v26;
	v26 =	vld.idx.msk [tilespmem:v30+s13+$0x0], $0xffff  }
0x421: {  	v22 =	vbroadcast v22, $0x0;
	v30 =	vor.u32 v2, v21;
	v34 =	vld.idx.msk [tilespmem:v60+s14+$0x0], $0xffff;
	v23 =	vshll.u32 v23, $0x7  }
0x422: {  	s26 =	simm.s32 $0x1D3F0;
	v23 =	vor.u32 v5, v23;
	[tilespmem:s24+$0xFFFFFFC0] =	vst v28;
	v28 =	vld.idx.msk [tilespmem:v32+s13+$0x0], $0xffff  }
0x423: {  	v61 =	vor.u32 v0, v22;
	[tilespmem:s26+$0xFFFFFF10] =	vst v31;
	v25 =	vld.idx.msk [tilespmem:v25+s14+$0x0], $0xffff  }
0x424: {  	v62 =	vor.u32 v12, v24;
	v33 =	vshll.u32 v33, $0x7;
	v42 =	vld.idx.msk [tilespmem:v63+s14+$0x0], $0xffff  }
0x425: {  	v29 =	vld.idx.msk [tilespmem:v29+s13+$0x0], $0xffff;
	[tilespmem:s26+$0xFFFFFF90] =	vst v26;
	v26 =	vor.u32 v5, v33  }
0x426: {  	v40 =	vor.u32 v8, v17;
	v30 =	vld.idx.msk [tilespmem:v30+s14+$0x0], $0xffff;
	v34 =	vshll.u32 v34, $0x7  }
0x427: {  	v34 =	vor.u32 v11, v34;
	v41 =	vld.idx.msk [tilespmem:v23+s13+$0x0], $0xffff  }
0x428: {  	s31 =	simm.s32 $0xA9;
	v35 =	vld.idx.msk [tilespmem:v61+s14+$0x0], $0xffff;
	[tilespmem:s23+$0xFFFFFFE0] =	vst v28;
	v28 =	vor.u32 v6, v18;
	v25 =	vshll.u32 v25, $0x7  }
0x429: {  	v23 =	vmov s31;
	v32 =	vshll.u32 v42, $0x7;
	v31 =	vld.idx.msk [tilespmem:v62+s14+$0x0], $0xffff;
	v25 =	vor.u32 v9, v25  }
0x42a: {  	v23 =	vand.u32 $0x3F, v23;
	[tilespmem:s24+$0xFFFFFF40] =	vst v29;
	v26 =	vld.idx.msk [tilespmem:v26+s13+$0x0], $0xffff;
	v32 =	vor.u32 v3, v32  }
0x42b: {  	v44 =	vor.u32 v6, v19;
	v23 =	vbroadcast v23, $0x0;
	v33 =	vld.idx.msk [tilespmem:v40+s14+$0x0], $0xffff;
	v30 =	vshll.u32 v30, $0x7  }
0x42c: {  	v34 =	vld.idx.msk [tilespmem:v34+s13+$0x0], $0xffff;
	v30 =	vor.u32 v3, v30;
	[tilespmem:s25+$0xFFFFFFB0] =	vst v41  }
0x42d: {  	v35 =	vshll.u32 v35, $0x7;
	v43 =	vor.u32 v0, v23;
	v28 =	vld.idx.msk [tilespmem:v28+s14+$0x0], $0xffff  }
0x42e: {  	v29 =	vor.u32 v1, v35;
	v31 =	vshll.u32 v31, $0x7;
	v25 =	vld.idx.msk [tilespmem:v25+s13+$0x0], $0xffff  }
0x42f: {  	[tilespmem:s25+$0xFFFFFF30] =	vst v26;
	v32 =	vld.idx.msk [tilespmem:v32+s13+$0x0], $0xffff;
	v31 =	vor.u32 v13, v31  }
0x430: {  	v45 =	vor.u32 v10, v16;
	v46 =	vld.idx.msk [tilespmem:v44+s14+$0x0], $0xffff  }
0x431: {  	v47 =	vor.u32 v12, v27;
	v33 =	vshll.u32 v33, $0x7;
	v26 =	vld.idx.msk [tilespmem:v30+s13+$0x0], $0xffff  }
0x432: {  	v35 =	vld.idx.msk [tilespmem:v43+s14+$0x0], $0xffff;
	v30 =	vor.u32 v9, v33  }
0x433: {  	v48 =	vor.u32 v4, v21;
	v29 =	vld.idx.msk [tilespmem:v29+s13+$0x0], $0xffff;
	v28 =	vshll.u32 v28, $0x7  }
0x434: {  	[tilespmem:s24+$0xFFFFFFD0] =	vst v25;
	v28 =	vor.u32 v7, v28;
	v25 =	vld.idx.msk [tilespmem:v31+s13+$0x0], $0xffff  }
0x435: {  	v24 =	vor.u32 v14, v24;
	[tilespmem:s23+$0xFFFFFF60] =	vst v34;
	v31 =	vld.idx.msk [tilespmem:v45+s14+$0x0], $0xffff  }
0x436: {  	v50 =	vor.u32 v4, v20;
	v33 =	vshll.u32 v46, $0x7;
	[tilespmem:s26+$0xFFFFFFA0] =	vst v26;
	v26 =	vld.idx.msk [tilespmem:v47+s14+$0x0], $0xffff  }
0x437: {  	v30 =	vld.idx.msk [tilespmem:v30+s13+$0x0], $0xffff;
	v49 =	vshll.u32 v35, $0x7;
	v33 =	vor.u32 v7, v33  }
0x438: {  	s30 =	simm.s32 $0x2A;
	v34 =	vor.u32 v1, v49;
	v51 =	vld.idx.msk [tilespmem:v48+s14+$0x0], $0xffff  }
0x439: {  	v53 =	vor.u32 v10, v17;
	v52 =	vmov s30;
	v28 =	vld.idx.msk [tilespmem:v28+s13+$0x0], $0xffff;
	[tilespmem:s23+$0xFFFFFFF0] =	vst v25  }
0x43a: {  	v55 =	vor.u32 v8, v18;
	[tilespmem:s26+$0xFFFFFF20] =	vst v32;
	v25 =	vand.u32 $0x3E, v52;
	v31 =	vshll.u32 v31, $0x7;
	v54 =	vld.idx.msk [tilespmem:v24+s14+$0x0], $0xffff  }
0x43b: {  	v24 =	vbroadcast v25, $0x0;
	v25 =	vor.u32 v11, v31;
	v31 =	vld.idx.msk [tilespmem:v50+s14+$0x0], $0xffff;
	v26 =	vshll.u32 v26, $0x7  }
0x43c: {  	[tilespmem:s24+$0xFFFFFF50] =	vst v30;
	v30 =	vld.idx.msk [tilespmem:v33+s13+$0x0], $0xffff;
	v26 =	vor.u32 v13, v26  }
0x43d: {  	v60 =	vor.u32 v2, v22;
	v34 =	vld.idx.msk [tilespmem:v34+s13+$0x0], $0xffff  }
0x43e: {  	v37 =	vld.idx.msk [tilespmem:v53+s14+$0x0], $0xffff;
	v56 =	vor.u32 v0, v24;
	[tilespmem:s25+$0xFFFFFFC0] =	vst v28  }
0x43f: {  	v57 =	vor.u32 v2, v23;
	v36 =	vshll.u32 v51, $0x7;
	v58 =	vld.idx.msk [tilespmem:v55+s14+$0x0], $0xffff  }
0x440: {  	s28 =	simm.s32 $0x1D4F0;
	v36 =	vor.u32 v5, v36;
	v25 =	vld.idx.msk [tilespmem:v25+s13+$0x0], $0xffff;
	v28 =	vshll.u32 v54, $0x7  }
0x441: {  	[tilespmem:s28+$0xFFFFFF10] =	vst v29;
	v28 =	vor.u32 v15, v28;
	v61 =	vld.idx.msk [tilespmem:v26+s13+$0x0], $0xffff  }
0x442: {  	v59 =	vor.u32 v12, v16;
	v31 =	vshll.u32 v31, $0x7;
	[tilespmem:s28+$0xFFFFFF90] =	vst v34;
	v34 =	vld.idx.msk [tilespmem:v60+s14+$0x0], $0xffff  }
0x443: {  	v31 =	vor.u32 v5, v31;
	v35 =	vld.idx.msk [tilespmem:v56+s14+$0x0], $0xffff  }
0x444: {  	v63 =	vor.u32 v8, v19;
	v26 =	vshll.u32 v37, $0x7;
	v62 =	vld.idx.msk [tilespmem:v57+s14+$0x0], $0xffff  }
0x445: {  	s31 =	simm.s32 $0xAB;
	v42 =	vld.idx.msk [tilespmem:v36+s13+$0x0], $0xffff;
	v43 =	vor.u32 v11, v26  }
0x446: {  	v32 =	vor.u32 v6, v21;
	v26 =	vmov s31;
	v29 =	vshll.u32 v58, $0x7;
	[tilespmem:s24+$0xFFFFFFE0] =	vst v25;
	v25 =	vld.idx.msk [tilespmem:v28+s13+$0x0], $0xffff  }
0x447: {  	v26 =	vand.u32 $0x3F, v26;
	v33 =	vor.u32 v9, v29;
	v28 =	vld.idx.msk [tilespmem:v59+s14+$0x0], $0xffff  }
0x448: {  	v27 =	vor.u32 v14, v27;
	[tilespmem:s25+$0xFFFFFF40] =	vst v30;
	v26 =	vbroadcast v26, $0x0;
	v30 =	vld.idx.msk [tilespmem:v31+s13+$0x0], $0xffff;
	v29 =	vshll.u32 v35, $0x7  }
0x449: {  	[tilespmem:s23+$0xFFFFFF70] =	vst v61;
	v31 =	vld.idx.msk [tilespmem:v63+s14+$0x0], $0xffff;
	v35 =	vor.u32 v1, v29  }
0x44a: {  	s29 =	simm.s32 $0x2C;
	v36 =	vor.u32 v0, v26;
	v37 =	vshll.u32 v62, $0x7;
	[tilespmem:s26+$0xFFFFFFB0] =	vst v42;
	v29 =	vld.idx.msk [tilespmem:v43+s13+$0x0], $0xffff  }
.LBB2_9:
0x44b: {  	p0 =	slt.u32 s29, $0x3E;
	v37 =	vor.u32 v3, v37;
	v32 =	vld.idx.msk [tilespmem:v32+s14+$0x0], $0xffff;
	[tilespmem:s23+$0x0] =	vst v25  }
0x44c: {  	v25 =	vor.u32 v6, v20;
	v28 =	vshll.u32 v28, $0x7;
	v33 =	vld.idx.msk [tilespmem:v33+s13+$0x0], $0xffff  }
0x44d: {  	v34 =	vshll.u32 v34, $0x7;
	v28 =	vor.u32 v13, v28;
	v27 =	vld.idx.msk [tilespmem:v27+s14+$0x0], $0xffff  }
0x44e: {  	v34 =	vor.u32 v3, v34;
	v35 =	vld.idx.msk [tilespmem:v35+s13+$0x0], $0xffff;
	[tilespmem:s26+$0xFFFFFF30] =	vst v30;
	v30 =	vor.u32 v10, v18  }
0x44f: {  	v31 =	vshll.u32 v31, $0x7;
	v36 =	vld.idx.msk [tilespmem:v36+s14+$0x0], $0xffff  }
0x450: {  	v31 =	vor.u32 v9, v31;
	v37 =	vld.idx.msk [tilespmem:v37+s13+$0x0], $0xffff;
	[tilespmem:s24+$0xFFFFFF60] =	vst v29  }
0x451: {  	v29 =	vor.u32 v12, v17;
	v25 =	vld.idx.msk [tilespmem:v25+s14+$0x0], $0xffff  }
0x452: {  	v38 =	vor.u32 v4, v23;
	v32 =	vshll.u32 v32, $0x7;
	[tilespmem:s25+$0xFFFFFFD0] =	vst v33;
	v28 =	vld.idx.msk [tilespmem:v28+s13+$0x0], $0xffff  }
0x453: {  	v32 =	vor.u32 v7, v32;
	v27 =	vshll.u32 v27, $0x7;
	v30 =	vld.idx.msk [tilespmem:v30+s14+$0x0], $0xffff  }
0x454: {  	v27 =	vor.u32 v15, v27;
	v33 =	vld.idx.msk [tilespmem:v34+s13+$0x0], $0xffff;
	v34 =	vor.u32 v14, v16;
	v16 =	vmovc v18;
	v18 =	vmov v21  }
0x455: {  	v21 =	vmov v23;
	v23 =	vmov v26;
	v31 =	vld.idx.msk [tilespmem:v31+s13+$0x0], $0xffff  }
0x456: {  	v26 =	vshll.u32 v36, $0x7;
	v36 =	vor.u32 v4, v22;
	[tilespmem:s28+$0xFFFFFFA0] =	vst v37;
	v29 =	vld.idx.msk [tilespmem:v29+s14+$0x0], $0xffff  }
0x457: {  	v26 =	vor.u32 v1, v26;
	v25 =	vshll.u32 v25, $0x7;
	v37 =	vld.idx.msk [tilespmem:v38+s14+$0x0], $0xffff  }
0x458: {  	v38 =	vmov s29;
	v25 =	vor.u32 v7, v25;
	v32 =	vld.idx.msk [tilespmem:v32+s13+$0x0], $0xffff;
	[tilespmem:s24+$0xFFFFFFF0] =	vst v28  }
0x459: {  	v28 =	vand.u32 $0x3E, v38;
	v38 =	vor.u32 v10, v19;
	v30 =	vshll.u32 v30, $0x7;
	v34 =	vld.idx.msk [tilespmem:v34+s14+$0x0], $0xffff  }
0x45a: {  	v39 =	vbroadcast v28, $0x0;
	v28 =	vor.u32 v11, v30;
	[tilespmem:s28+$0xFFFFFF20] =	vst v33;
	v27 =	vld.idx.msk [tilespmem:v27+s13+$0x0], $0xffff  }
0x45b: {  	v33 =	vor.u32 v8, v18;
	v30 =	vld.idx.msk [tilespmem:v36+s14+$0x0], $0xffff;
	[tilespmem:s25+$0xFFFFFF50] =	vst v31  }
0x45c: {  	v31 =	vor.u32 v0, v39;
	v29 =	vshll.u32 v29, $0x7;
	v26 =	vld.idx.msk [tilespmem:v26+s13+$0x0], $0xffff  }
0x45d: {  	v29 =	vor.u32 v13, v29;
	v25 =	vld.idx.msk [tilespmem:v25+s13+$0x0], $0xffff  }
0x45e: {  	v36 =	vor.u32 v2, v23;
	v37 =	vshll.u32 v37, $0x7;
	v38 =	vld.idx.msk [tilespmem:v38+s14+$0x0], $0xffff  }
0x45f: {  	v37 =	vor.u32 v5, v37;
	[tilespmem:s26+$0xFFFFFFC0] =	vst v32;
	v28 =	vld.idx.msk [tilespmem:v28+s13+$0x0], $0xffff;
	v32 =	vshll.u32 v34, $0x7  }
0x460: {  	v33 =	vld.idx.msk [tilespmem:v33+s14+$0x0], $0xffff;
	v32 =	vor.u32 v15, v32;
	[tilespmem:s23+$0xFFFFFF80] =	vst v27;
	s23 =	smov.u32 s24;
	s24 =	smov.u32 s25;
	s25 =	smov.u32 s26  }
0x461: {  	v30 =	vshll.u32 v30, $0x7;
	s26 =	smov.u32 s28;
	s28 =	sadd.s32 $0x100, s28;
	v27 =	vld.idx.msk [tilespmem:v31+s14+$0x0], $0xffff;
	v31 =	vor.u32 v12, v16  }
0x462: {  	v34 =	vor.u32 v2, v24;
	v30 =	vor.u32 v5, v30;
	[tilespmem:s28+$0xFFFFFF90] =	vst v26;
	v29 =	vld.idx.msk [tilespmem:v29+s13+$0x0], $0xffff  }
0x463: {  	[tilespmem:s28+$0xFFFFFF10] =	vst v35;
	v40 =	vld.idx.msk [tilespmem:v36+s14+$0x0], $0xffff  }
0x464: {  	v36 =	vor.u32 v8, v20;
	v41 =	vld.idx.msk [tilespmem:v37+s13+$0x0], $0xffff;
	[tilespmem:s25+$0xFFFFFF40] =	vst v25;
	v25 =	vshll.u32 v38, $0x7  }
0x465: {  	s2 =	sadd.s32 $0x81, s29;
	v38 =	vor.u32 v11, v25;
	[tilespmem:s24+$0xFFFFFFE0] =	vst v28;
	v25 =	vld.idx.msk [tilespmem:v32+s13+$0x0], $0xffff  }
.Ltmp3:
0x466: {  	v26 =	vmov s2;
	v32 =	vor.u32 v6, v21;
	v33 =	vshll.u32 v33, $0x7;
	v28 =	vld.idx.msk [tilespmem:v31+s14+$0x0], $0xffff;
	(pc) =	sbr.rel @p0 .LBB2_9-.Ltmp3, $4  }
0x467: {  	v26 =	vand.u32 $0x3F, v26;
	v33 =	vor.u32 v9, v33;
	v34 =	vld.idx.msk [tilespmem:v34+s14+$0x0], $0xffff  }
0x468: {  	v26 =	vbroadcast v26, $0x0;
	v31 =	vshll.u32 v27, $0x7;
	v27 =	vor.u32 v14, v17;
	v17 =	vmovc v19;
	v30 =	vld.idx.msk [tilespmem:v30+s13+$0x0], $0xffff;
	[tilespmem:s23+$0xFFFFFF70] =	vst v29  }
0x469: {  	v19 =	vmovc v20;
	v20 =	vmovc v22;
	v22 =	vmov v24;
	v24 =	vmov v39;
	v35 =	vor.u32 v1, v31;
	v31 =	vld.idx.msk [tilespmem:v36+s14+$0x0], $0xffff  }
0x46a: {  	s29 =	sadd.s32 $0x2, s29;
	v37 =	vshll.u32 v40, $0x7;
	v36 =	vor.u32 v0, v26;
	[tilespmem:s26+$0xFFFFFFB0] =	vst v41;
	v29 =	vld.idx.msk [tilespmem:v38+s13+$0x0], $0xffff  }
0x46b: {  	_ =	sdelay $0x3  }
0x46c: {  	v36 =	vld.idx.msk [tilespmem:v36+s14+$0x0], $0xffff;
	_ =	sdelay $0x4  }
0x46d: {  	v36 =	vshll.u32 v36, $0x7  }
0x46e: {  	v36 =	vor.u32 v1, v36;
	_ =	sdelay $0x2  }
0x46f: {  	v37 =	vor.u32 v3, v37  }
0x470: {  	v35 =	vld.idx.msk [tilespmem:v35+s13+$0x0], $0xffff  }
0x471: {  	v39 =	vor.u32 v2, v24;
	v36 =	vld.idx.msk [tilespmem:v36+s13+$0x0], $0xffff  }
0x472: {  	v38 =	vor.u32 v2, v26  }
0x473: {  	v34 =	vshll.u32 v34, $0x7  }
0x474: {  	s29 =	sadd.s32 $0x100, s28;
	v34 =	vor.u32 v3, v34;
	v37 =	vld.idx.msk [tilespmem:v37+s13+$0x0], $0xffff  }
0x475: {  	v51 =	vor.u32 v4, v23;
	[tilespmem:s29+$0xFFFFFF10] =	vst v35  }
0x476: {  	v50 =	vld.idx.msk [tilespmem:v39+s14+$0x0], $0xffff;
	[tilespmem:s29+$0xFFFFFF90] =	vst v36  }
0x477: {  	v49 =	vld.idx.msk [tilespmem:v38+s14+$0x0], $0xffff;
	_ =	sdelay $0x1  }
0x478: {  	v34 =	vld.idx.msk [tilespmem:v34+s13+$0x0], $0xffff;
	[tilespmem:s28+$0xFFFFFFA0] =	vst v37  }
0x479: {  	v52 =	vor.u32 v4, v22;
	v37 =	vld.idx.msk [tilespmem:v51+s14+$0x0], $0xffff  }
0x47a: {  	v36 =	vshll.u32 v50, $0x7  }
0x47b: {  	v36 =	vor.u32 v3, v36;
	v35 =	vshll.u32 v49, $0x7  }
0x47c: {  	v35 =	vor.u32 v3, v35  }
0x47d: {  	[tilespmem:s28+$0xFFFFFF20] =	vst v34  }
0x47e: {  	v34 =	vld.idx.msk [tilespmem:v52+s14+$0x0], $0xffff;
	v37 =	vshll.u32 v37, $0x7  }
0x47f: {  	v37 =	vor.u32 v5, v37  }
0x480: {  	v36 =	vld.idx.msk [tilespmem:v36+s13+$0x0], $0xffff  }
0x481: {  	v41 =	vor.u32 v4, v24;
	v35 =	vld.idx.msk [tilespmem:v35+s13+$0x0], $0xffff  }
0x482: {  	v40 =	vor.u32 v4, v26  }
0x483: {  	v34 =	vshll.u32 v34, $0x7  }
0x484: {  	v34 =	vor.u32 v5, v34;
	v37 =	vld.idx.msk [tilespmem:v37+s13+$0x0], $0xffff  }
0x485: {  	v60 =	vor.u32 v6, v23;
	[tilespmem:s29+$0xFFFFFF20] =	vst v36  }
0x486: {  	v36 =	vld.idx.msk [tilespmem:v41+s14+$0x0], $0xffff;
	[tilespmem:s29+$0xFFFFFFA0] =	vst v35  }
0x487: {  	v35 =	vld.idx.msk [tilespmem:v40+s14+$0x0], $0xffff  }
0x488: {  	v32 =	vld.idx.msk [tilespmem:v32+s14+$0x0], $0xffff  }
0x489: {  	v34 =	vld.idx.msk [tilespmem:v34+s13+$0x0], $0xffff;
	[tilespmem:s28+$0xFFFFFFB0] =	vst v37  }
0x48a: {  	v61 =	vor.u32 v6, v22;
	v38 =	vld.idx.msk [tilespmem:v60+s14+$0x0], $0xffff  }
0x48b: {  	v56 =	vshll.u32 v36, $0x7  }
0x48c: {  	v33 =	vld.idx.msk [tilespmem:v33+s13+$0x0], $0xffff;
	v58 =	vor.u32 v5, v56;
	v35 =	vshll.u32 v35, $0x7  }
0x48d: {  	v32 =	vshll.u32 v32, $0x7;
	v55 =	vor.u32 v5, v35  }
0x48e: {  	v32 =	vor.u32 v7, v32;
	[tilespmem:s28+$0xFFFFFF30] =	vst v34  }
0x48f: {  	v54 =	vor.u32 v10, v18;
	v34 =	vld.idx.msk [tilespmem:v61+s14+$0x0], $0xffff;
	v48 =	vshll.u32 v38, $0x7  }
0x490: {  	v37 =	vor.u32 v7, v48  }
0x491: {  	v53 =	vor.u32 v6, v20;
	[tilespmem:s25+$0xFFFFFFD0] =	vst v33;
	v33 =	vld.idx.msk [tilespmem:v58+s13+$0x0], $0xffff  }
0x492: {  	v63 =	vor.u32 v6, v24;
	[tilespmem:s26+$0xFFFFFF30] =	vst v30;
	v30 =	vld.idx.msk [tilespmem:v55+s13+$0x0], $0xffff  }
0x493: {  	v62 =	vor.u32 v6, v26;
	v32 =	vld.idx.msk [tilespmem:v32+s13+$0x0], $0xffff  }
0x494: {  	v42 =	vor.u32 v8, v21;
	v59 =	vld.idx.msk [tilespmem:v54+s14+$0x0], $0xffff;
	v34 =	vshll.u32 v34, $0x7  }
0x495: {  	v34 =	vor.u32 v7, v34;
	v37 =	vld.idx.msk [tilespmem:v37+s13+$0x0], $0xffff  }
0x496: {  	v57 =	vld.idx.msk [tilespmem:v53+s14+$0x0], $0xffff;
	v52 =	vor.u32 v8, v23;
	[tilespmem:s29+$0xFFFFFF30] =	vst v33  }
0x497: {  	v33 =	vld.idx.msk [tilespmem:v63+s14+$0x0], $0xffff;
	[tilespmem:s29+$0xFFFFFFB0] =	vst v30  }
0x498: {  	v31 =	vshll.u32 v31, $0x7;
	[tilespmem:s26+$0xFFFFFFC0] =	vst v32;
	v44 =	vld.idx.msk [tilespmem:v62+s14+$0x0], $0xffff  }
0x499: {  	v31 =	vor.u32 v9, v31;
	v47 =	vld.idx.msk [tilespmem:v42+s14+$0x0], $0xffff;
	v35 =	vshll.u32 v59, $0x7  }
0x49a: {  	v46 =	vor.u32 v11, v35;
	v34 =	vld.idx.msk [tilespmem:v34+s13+$0x0], $0xffff;
	[tilespmem:s28+$0xFFFFFFC0] =	vst v37  }
0x49b: {  	v53 =	vor.u32 v8, v22;
	v43 =	vshll.u32 v57, $0x7;
	v37 =	vld.idx.msk [tilespmem:v52+s14+$0x0], $0xffff  }
0x49c: {  	v30 =	vor.u32 v7, v43;
	v33 =	vshll.u32 v33, $0x7  }
0x49d: {  	v33 =	vor.u32 v7, v33;
	v36 =	vshll.u32 v44, $0x7  }
0x49e: {  	v31 =	vld.idx.msk [tilespmem:v31+s13+$0x0], $0xffff;
	v49 =	vor.u32 v7, v36  }
0x49f: {  	v45 =	vor.u32 v10, v19;
	v35 =	vshll.u32 v47, $0x7;
	v32 =	vld.idx.msk [tilespmem:v46+s13+$0x0], $0xffff;
	[tilespmem:s28+$0xFFFFFF40] =	vst v34  }
0x4a0: {  	v35 =	vor.u32 v9, v35;
	v57 =	vld.idx.msk [tilespmem:v53+s14+$0x0], $0xffff;
	v37 =	vshll.u32 v37, $0x7  }
0x4a1: {  	v63 =	vor.u32 v9, v37;
	v30 =	vld.idx.msk [tilespmem:v30+s13+$0x0], $0xffff  }
0x4a2: {  	v51 =	vor.u32 v8, v20;
	v33 =	vld.idx.msk [tilespmem:v33+s13+$0x0], $0xffff  }
0x4a3: {  	[tilespmem:s25+$0xFFFFFF50] =	vst v31;
	v55 =	vor.u32 v8, v24;
	v31 =	vld.idx.msk [tilespmem:v49+s13+$0x0], $0xffff  }
0x4a4: {  	v54 =	vor.u32 v8, v26;
	v50 =	vld.idx.msk [tilespmem:v45+s14+$0x0], $0xffff  }
0x4a5: {  	v35 =	vld.idx.msk [tilespmem:v35+s13+$0x0], $0xffff;
	[tilespmem:s25+$0xFFFFFFE0] =	vst v32;
	v42 =	vshll.u32 v57, $0x7  }
0x4a6: {  	v37 =	vor.u32 v9, v42;
	v32 =	vld.idx.msk [tilespmem:v63+s13+$0x0], $0xffff;
	[tilespmem:s26+$0xFFFFFF40] =	vst v30  }
0x4a7: {  	v38 =	vld.idx.msk [tilespmem:v51+s14+$0x0], $0xffff;
	[tilespmem:s29+$0xFFFFFF40] =	vst v33  }
0x4a8: {  	v56 =	vor.u32 v12, v17;
	v60 =	vld.idx.msk [tilespmem:v55+s14+$0x0], $0xffff;
	[tilespmem:s29+$0xFFFFFFC0] =	vst v31  }
0x4a9: {  	v61 =	vor.u32 v10, v21;
	v30 =	vld.idx.msk [tilespmem:v54+s14+$0x0], $0xffff  }
0x4aa: {  	v47 =	vor.u32 v10, v23;
	v36 =	vshll.u32 v50, $0x7  }
0x4ab: {  	v59 =	vor.u32 v11, v36;
	v37 =	vld.idx.msk [tilespmem:v37+s13+$0x0], $0xffff  }
0x4ac: {  	[tilespmem:s24+$0xFFFFFF60] =	vst v29;
	v48 =	vor.u32 v10, v22;
	v38 =	vshll.u32 v38, $0x7  }
0x4ad: {  	v34 =	vld.idx.msk [tilespmem:v56+s14+$0x0], $0xffff;
	[tilespmem:s26+$0xFFFFFFD0] =	vst v35;
	v62 =	vor.u32 v9, v38;
	v43 =	vshll.u32 v60, $0x7  }
0x4ae: {  	v44 =	vld.idx.msk [tilespmem:v61+s14+$0x0], $0xffff;
	[tilespmem:s28+$0xFFFFFFD0] =	vst v32;
	v35 =	vor.u32 v9, v43;
	v30 =	vshll.u32 v30, $0x7  }
0x4af: {  	v52 =	vld.idx.msk [tilespmem:v47+s14+$0x0], $0xffff;
	v30 =	vor.u32 v9, v30  }
0x4b0: {  	v58 =	vor.u32 v12, v18;
	v33 =	vld.idx.msk [tilespmem:v59+s13+$0x0], $0xffff;
	[tilespmem:s28+$0xFFFFFF50] =	vst v37  }
0x4b1: {  	v37 =	vld.idx.msk [tilespmem:v48+s14+$0x0], $0xffff  }
0x4b2: {  	v45 =	vor.u32 v12, v19;
	v29 =	vld.idx.msk [tilespmem:v62+s13+$0x0], $0xffff  }
0x4b3: {  	v46 =	vor.u32 v10, v20;
	v35 =	vld.idx.msk [tilespmem:v35+s13+$0x0], $0xffff  }
0x4b4: {  	v50 =	vor.u32 v10, v24;
	v30 =	vld.idx.msk [tilespmem:v30+s13+$0x0], $0xffff  }
0x4b5: {  	v51 =	vshll.u32 v34, $0x7;
	v49 =	vor.u32 v10, v26;
	v31 =	vld.idx.msk [tilespmem:v58+s14+$0x0], $0xffff;
	v34 =	vshll.u32 v52, $0x7  }
0x4b6: {  	[tilespmem:s25+$0xFFFFFF60] =	vst v33;
	v34 =	vor.u32 v11, v34;
	v37 =	vshll.u32 v37, $0x7  }
0x4b7: {  	v38 =	vld.idx.msk [tilespmem:v45+s14+$0x0], $0xffff;
	v37 =	vor.u32 v11, v37;
	[tilespmem:s26+$0xFFFFFF50] =	vst v29  }
0x4b8: {  	v28 =	vshll.u32 v28, $0x7;
	v39 =	vld.idx.msk [tilespmem:v46+s14+$0x0], $0xffff;
	[tilespmem:s29+$0xFFFFFF50] =	vst v35  }
0x4b9: {  	v28 =	vor.u32 v13, v28;
	v29 =	vld.idx.msk [tilespmem:v50+s14+$0x0], $0xffff;
	[tilespmem:s29+$0xFFFFFFD0] =	vst v30  }
0x4ba: {  	v32 =	vor.u32 v13, v51;
	v54 =	vshll.u32 v44, $0x7;
	v31 =	vshll.u32 v31, $0x7;
	v33 =	vld.idx.msk [tilespmem:v49+s14+$0x0], $0xffff  }
0x4bb: {  	v53 =	vor.u32 v13, v31;
	v31 =	vor.u32 v11, v54;
	v34 =	vld.idx.msk [tilespmem:v34+s13+$0x0], $0xffff  }
0x4bc: {  	v59 =	vor.u32 v12, v23;
	v37 =	vld.idx.msk [tilespmem:v37+s13+$0x0], $0xffff  }
0x4bd: {  	v60 =	vor.u32 v12, v22;
	v56 =	vshll.u32 v39, $0x7  }
0x4be: {  	v28 =	vld.idx.msk [tilespmem:v28+s13+$0x0], $0xffff;
	v36 =	vor.u32 v11, v56;
	v29 =	vshll.u32 v29, $0x7  }
0x4bf: {  	v32 =	vld.idx.msk [tilespmem:v32+s13+$0x0], $0xffff;
	v29 =	vor.u32 v11, v29;
	v33 =	vshll.u32 v33, $0x7  }
0x4c0: {  	v55 =	vshll.u32 v38, $0x7;
	v31 =	vld.idx.msk [tilespmem:v31+s13+$0x0], $0xffff;
	[tilespmem:s28+$0xFFFFFFE0] =	vst v34;
	v33 =	vor.u32 v11, v33  }
0x4c1: {  	v35 =	vor.u32 v13, v55;
	v42 =	vld.idx.msk [tilespmem:v59+s14+$0x0], $0xffff;
	[tilespmem:s28+$0xFFFFFF60] =	vst v37  }
0x4c2: {  	v43 =	vld.idx.msk [tilespmem:v60+s14+$0x0], $0xffff  }
0x4c3: {  	v57 =	vor.u32 v12, v21;
	v36 =	vld.idx.msk [tilespmem:v36+s13+$0x0], $0xffff  }
0x4c4: {  	v58 =	vor.u32 v12, v20;
	v29 =	vld.idx.msk [tilespmem:v29+s13+$0x0], $0xffff  }
0x4c5: {  	v62 =	vor.u32 v12, v24;
	v33 =	vld.idx.msk [tilespmem:v33+s13+$0x0], $0xffff  }
0x4c6: {  	v61 =	vor.u32 v12, v26;
	v35 =	vld.idx.msk [tilespmem:v35+s13+$0x0], $0xffff  }
0x4c7: {  	[tilespmem:s26+$0xFFFFFFE0] =	vst v31;
	v30 =	vld.idx.msk [tilespmem:v53+s13+$0x0], $0xffff  }
0x4c8: {  	v16 =	vor.u32 v14, v16;
	v38 =	vld.idx.msk [tilespmem:v57+s14+$0x0], $0xffff;
	[tilespmem:s26+$0xFFFFFF60] =	vst v36  }
0x4c9: {  	v17 =	vor.u32 v14, v17;
	v63 =	vld.idx.msk [tilespmem:v58+s14+$0x0], $0xffff;
	[tilespmem:s29+$0xFFFFFF60] =	vst v29  }
0x4ca: {  	v45 =	vor.u32 v14, v19;
	v36 =	vld.idx.msk [tilespmem:v62+s14+$0x0], $0xffff;
	[tilespmem:s29+$0xFFFFFFE0] =	vst v33  }
0x4cb: {  	v44 =	vor.u32 v14, v18;
	v49 =	vshll.u32 v42, $0x7;
	v31 =	vld.idx.msk [tilespmem:v61+s14+$0x0], $0xffff  }
0x4cc: {  	v27 =	vld.idx.msk [tilespmem:v27+s14+$0x0], $0xffff;
	[tilespmem:s24+$0xFFFFFFF0] =	vst v28;
	v50 =	vor.u32 v13, v49;
	v51 =	vshll.u32 v43, $0x7  }
0x4cd: {  	v16 =	vld.idx.msk [tilespmem:v16+s14+$0x0], $0xffff;
	[tilespmem:s24+$0xFFFFFF70] =	vst v32;
	v32 =	vor.u32 v13, v51;
	v46 =	vshll.u32 v38, $0x7  }
0x4ce: {  	v17 =	vld.idx.msk [tilespmem:v17+s14+$0x0], $0xffff;
	[tilespmem:s25+$0xFFFFFF70] =	vst v35;
	v47 =	vor.u32 v13, v46;
	v48 =	vshll.u32 v63, $0x7  }
0x4cf: {  	[tilespmem:s25+$0xFFFFFFF0] =	vst v30;
	v19 =	vld.idx.msk [tilespmem:v45+s14+$0x0], $0xffff;
	v29 =	vor.u32 v13, v48;
	v52 =	vshll.u32 v36, $0x7  }
0x4d0: {  	v18 =	vld.idx.msk [tilespmem:v44+s14+$0x0], $0xffff;
	v33 =	vor.u32 v13, v52;
	v31 =	vshll.u32 v31, $0x7  }
0x4d1: {  	v30 =	vld.idx.msk [tilespmem:v50+s13+$0x0], $0xffff;
	v31 =	vor.u32 v13, v31  }
0x4d2: {  	v55 =	vor.u32 v14, v23;
	v32 =	vld.idx.msk [tilespmem:v32+s13+$0x0], $0xffff  }
0x4d3: {  	v56 =	vor.u32 v14, v22;
	v28 =	vld.idx.msk [tilespmem:v47+s13+$0x0], $0xffff  }
0x4d4: {  	v53 =	vor.u32 v14, v21;
	v29 =	vld.idx.msk [tilespmem:v29+s13+$0x0], $0xffff  }
0x4d5: {  	v54 =	vor.u32 v14, v20;
	v58 =	vld.idx.msk [tilespmem:v33+s13+$0x0], $0xffff  }
0x4d6: {  	v59 =	vor.u32 v14, v24;
	[tilespmem:s28+$0xFFFFFFF0] =	vst v30;
	v31 =	vld.idx.msk [tilespmem:v31+s13+$0x0], $0xffff  }
0x4d7: {  	v17 =	vshll.u32 v17, $0x7;
	v57 =	vor.u32 v14, v26;
	v23 =	vld.idx.msk [tilespmem:v55+s14+$0x0], $0xffff;
	[tilespmem:s28+$0xFFFFFF70] =	vst v32  }
0x4d8: {  	v27 =	vshll.u32 v27, $0x7;
	v17 =	vor.u32 v15, v17;
	v22 =	vld.idx.msk [tilespmem:v56+s14+$0x0], $0xffff;
	[tilespmem:s26+$0xFFFFFFF0] =	vst v28  }
0x4d9: {  	v27 =	vor.u32 v15, v27;
	v16 =	vshll.u32 v16, $0x7;
	v21 =	vld.idx.msk [tilespmem:v53+s14+$0x0], $0xffff;
	[tilespmem:s26+$0xFFFFFF70] =	vst v29  }
0x4da: {  	v16 =	vor.u32 v15, v16;
	v19 =	vshll.u32 v19, $0x7;
	v20 =	vld.idx.msk [tilespmem:v54+s14+$0x0], $0xffff;
	[tilespmem:s29+$0xFFFFFF70] =	vst v58  }
0x4db: {  	v18 =	vshll.u32 v18, $0x7;
	v19 =	vor.u32 v15, v19;
	v24 =	vld.idx.msk [tilespmem:v59+s14+$0x0], $0xffff;
	[tilespmem:s29+$0xFFFFFFF0] =	vst v31  }
0x4dc: {  	v18 =	vor.u32 v15, v18;
	v23 =	vshll.u32 v23, $0x7;
	v26 =	vld.idx.msk [tilespmem:v57+s14+$0x0], $0xffff  }
0x4dd: {  	v17 =	vld.idx.msk [tilespmem:v17+s13+$0x0], $0xffff;
	v23 =	vor.u32 v15, v23;
	v22 =	vshll.u32 v22, $0x7  }
0x4de: {  	v27 =	vld.idx.msk [tilespmem:v27+s13+$0x0], $0xffff;
	v22 =	vor.u32 v15, v22;
	v21 =	vshll.u32 v21, $0x7  }
0x4df: {  	v16 =	vld.idx.msk [tilespmem:v16+s13+$0x0], $0xffff;
	v21 =	vor.u32 v15, v21;
	v20 =	vshll.u32 v20, $0x7  }
0x4e0: {  	v19 =	vld.idx.msk [tilespmem:v19+s13+$0x0], $0xffff;
	v20 =	vor.u32 v15, v20;
	v24 =	vshll.u32 v24, $0x7  }
0x4e1: {  	[tilespmem:s23+$0x0] =	vst v25;
	v18 =	vld.idx.msk [tilespmem:v18+s13+$0x0], $0xffff;
	v24 =	vor.u32 v15, v24;
	v26 =	vshll.u32 v26, $0x7  }
0x4e2: {  	[tilespmem:s24+$0xFFFFFF80] =	vst v17;
	v17 =	vld.idx.msk [tilespmem:v23+s13+$0x0], $0xffff;
	v60 =	vor.u32 v15, v26  }
0x4e3: {  	[tilespmem:s23+$0xFFFFFF80] =	vst v27;
	v61 =	vld.idx.msk [tilespmem:v22+s13+$0x0], $0xffff  }
0x4e4: {  	[tilespmem:s24+$0x0] =	vst v16;
	v21 =	vld.idx.msk [tilespmem:v21+s13+$0x0], $0xffff  }
0x4e5: {  	[tilespmem:s25+$0xFFFFFF80] =	vst v19;
	v16 =	vld.idx.msk [tilespmem:v20+s13+$0x0], $0xffff  }
0x4e6: {  	[tilespmem:s25+$0x0] =	vst v18;
	v63 =	vld.idx.msk [tilespmem:v24+s13+$0x0], $0xffff  }
0x4e7: {  	s21 =	sadd.s32 $0x1, s21;
	[tilespmem:s28+$0x0] =	vst v17;
	v62 =	vld.idx.msk [tilespmem:v60+s13+$0x0], $0xffff  }
0x4e8: {  	p0 =	sne.s32 s21, $0x12;
	[tilespmem:s28+$0xFFFFFF80] =	vst v61  }
.Ltmp4:
0x4e9: {  	[tilespmem:s26+$0x0] =	vst v21;
	(pc) =	sbr.rel @p0 .LBB2_2-.Ltmp4, $4  }
0x4ea: {  	[tilespmem:s26+$0xFFFFFF80] =	vst v16  }
0x4eb: {  	[tilespmem:s29+$0xFFFFFF80] =	vst v63  }
0x4ec: {  	s2 =	sadd.s32 $0x90000, s22;
	[tilespmem:s29+$0x0] =	vst v62  }
0x4ed: {  	[hbm4b:s2+s10] =	stream.strided.scatter [tilespmem:s17], [sflag:$0x3], $0x1000, s11, s10, $0x38;
	[tilespmem:$0x1E000] =	vst v63  }
0x4ee: {  	s20 =	sadd.s32 $0x1, s20  }
0x4ef: {  	_ =	swait.ge [sflag:s19], $0x1000;
	p0 =	sne.s32 s20, s9  }
.Ltmp5:
0x4f0: {  	[sflag:s19] =	ssyncset.done $0x0;
	(pc) =	sbr.rel @p0 .LBB2_1-.Ltmp5, $4  }
0x4f1: {  	[sflag:s19] =	ssyncadd.s32 $0xFFFFF000  }
0x4f2: {  	_ =	swait.ge [sflag:s19], $0x1000  }
0x4f3: {  	[sflag:s19] =	ssyncset.done $0x0  }
0x4f4: {  	[sflag:s19] =	ssyncadd.s32 $0xFFFFF000  }
0x4f5: {  	_ =	sfence.sel $0x180000  }
0x4f6: {  	[bflag:$0x0] =	sbarrier.arrive $0xFFFF  }
0x4f7: {  	_ =	strace $0x90000047  }
0x4f8: {  	[bflag:$0x2] =	sbarrier.arrive $0xFFFF  }
0x4f9: {  	p0 =	sne.s32 s0, $0x0;
	s0 =	rddreg [dreg:$0x2]  }
0x4fa: {  	s0 =	sadd.s32 @!p0 $0x100000, s0  }
0x4fb: {  	[sflag:s0] =	ssyncadd.tile.s32 @!p0 $0x1;
	_ =	shalt  }
.Lfunc_end2:
_tile_overlayer_lowered:
.L_overlay_start_2:
0x4fc: {  	(tag) =	ssettag $0x2  }
0x4fd: {  	s0 =	rddreg [dreg:$0x0];
	s2 =	stileid.u32  }
0x4fe: {  	s1 =	rddreg [dreg:$0x1];
	p0 =	sne.s32 s2, $0x0  }
0x4ff: {  	s3 =	rddreg [dreg:$0x2];
	[bflag:$0x3] =	sbarrier.arrive $0xFFFF;
	s2 =	simm.s32 @!p0 $0x1C04  }
0x500: {  	[timem:s3], [sflag:s2] =	dma.local @!p0 [hbm:s0], s1  }
0x501: {  	s0 =	simm.s32 @!p0 $0x4  }
0x502: {  	_ =	swait.ge @!p0 [sflag:s0], s1  }
0x503: {  	s1 =	ssub.s32 @!p0 $0x0, s1;
	[sflag:s0] =	ssyncset.done @!p0 $0x0  }
0x504: {  	[sflag:s0] =	ssyncadd.s32 @!p0 s1  }
0x505: {  	[bflag:$0x3] =	sbarrier.arrive $0xFFFF  }
0x506: {  	_ =	shalt  }

</sc_bundles>
